<compile_context>
chip_gen: v7x
topology: tpu7x:2x2x1
jax: 0.10.2.dev20260603
libtpu: 0.0.44.dev20260713+nightly
codegen_flags: <defaults>
</compile_context>

<pallas_src>
import functools

import jax
import jax.numpy as jnp
from jax import lax
from jax.experimental import pallas as pl
from jax.experimental.pallas import tpu as pltpu
from jax.experimental.pallas import tpu_sc as plsc

N = 10000
D = 256
G = 16
NP = 10240
E = 160000
EROWS = 1280
E2 = EROWS * 128
NC = 2
NS = 16
RPS = EROWS // NS
NROWS_PS = NP // NS
DH = D // NC

_f32 = jnp.float32



def _sc_agg_body(y2, srcp, dst2, zrows, agg,
                 src_v, dst_v, rows0, rows1, gs0, gs1, ss0, ss1, acc):
    c = lax.axis_index("c")
    s = lax.axis_index("s")
    row0 = s * NROWS_PS
    pltpu.sync_copy(zrows, acc.at[pl.ds(row0, NROWS_PS)])
    pltpu.sync_copy(dst2.at[pl.ds(s * RPS, RPS), :], dst_v)
    plsc.subcore_barrier()

    half_rows = RPS // 2
    npairs = half_rows // 2
    for half in range(2):
        pltpu.sync_copy(
            srcp.at[c, pl.ds(s * RPS + half * half_rows, half_rows), :],
            src_v)
        d_base = half * half_rows
        if half == 1:
            pltpu.make_async_copy(rows0, acc.at[dst_v.at[0]], ss0).wait()
            pltpu.make_async_copy(rows1, acc.at[dst_v.at[0]], ss1).wait()
        pltpu.async_copy(y2.at[src_v.at[0]], rows0, gs0)
        pltpu.async_copy(y2.at[src_v.at[1]], rows1, gs1)

        def body(g, carry):
            j0 = 2 * g
            j1 = 2 * g + 1
            pltpu.make_async_copy(y2.at[src_v.at[j0]], rows0, gs0).wait()
            pltpu.async_copy(rows0, acc.at[dst_v.at[d_base + j0]], ss0,
                             add=True)
            pltpu.make_async_copy(y2.at[src_v.at[j1]], rows1, gs1).wait()
            pltpu.async_copy(rows1, acc.at[dst_v.at[d_base + j1]], ss1,
                             add=True)

            @pl.when(g + 1 < npairs)
            def _():
                pltpu.make_async_copy(
                    rows0, acc.at[dst_v.at[d_base + j0]], ss0).wait()
                pltpu.async_copy(y2.at[src_v.at[j0 + 2]], rows0, gs0)
                pltpu.make_async_copy(
                    rows1, acc.at[dst_v.at[d_base + j1]], ss1).wait()
                pltpu.async_copy(y2.at[src_v.at[j1 + 2]], rows1, gs1)

            return carry

        lax.fori_loop(0, npairs, body, 0)

    pltpu.make_async_copy(rows0, acc.at[dst_v.at[RPS - 2]], ss0).wait()
    pltpu.make_async_copy(rows1, acc.at[dst_v.at[RPS - 1]], ss1).wait()
    plsc.subcore_barrier()
    pltpu.sync_copy(acc.at[pl.ds(row0, NROWS_PS)],
                    agg.at[pl.ds(c * NP + row0, NROWS_PS)])


@functools.cache
def _get_sc_agg():
    return pl.kernel(
        _sc_agg_body,
        out_type=jax.ShapeDtypeStruct((NC * NP, DH), _f32),
        mesh=plsc.VectorSubcoreMesh(
            core_axis_name="c", subcore_axis_name="s",
            num_cores=NC, num_subcores=NS),
        scratch_types=[
            pltpu.VMEM((RPS // 2, 128), jnp.int32),
            pltpu.VMEM((RPS, 128), jnp.int32),
            pltpu.VMEM((128, DH), _f32),
            pltpu.VMEM((128, DH), _f32),
            pltpu.SemaphoreType.DMA,
            pltpu.SemaphoreType.DMA,
            pltpu.SemaphoreType.DMA,
            pltpu.SemaphoreType.DMA,
            pltpu.VMEM_SHARED((NP, DH), _f32),
        ],
    )


def _sc_agg(y2, srcp, dst2, zrows):
    return _get_sc_agg()(y2, srcp, dst2, zrows)


def _sc_deg_body(dst2, ones_tab, zrows, deg, dst_v, ones_v, acc):
    c = lax.axis_index("c")
    s = lax.axis_index("s")
    row0 = s * NROWS_PS
    pltpu.sync_copy(zrows, acc.at[pl.ds(row0, NROWS_PS)])
    pltpu.sync_copy(ones_tab, ones_v)
    pltpu.sync_copy(
        dst2.at[pl.ds((c * NS + s) * (RPS // 2), RPS // 2), :], dst_v)
    plsc.subcore_barrier()

    def body(j, carry):
        pltpu.sync_copy(ones_v, acc.at[dst_v.at[j]], add=True)
        return carry
    lax.fori_loop(0, RPS // 2, body, 0)

    plsc.subcore_barrier()
    pltpu.sync_copy(acc.at[pl.ds(row0, NROWS_PS)],
                    deg.at[pl.ds(c * NP + row0, NROWS_PS)])


@functools.cache
def _get_sc_deg():
    return pl.kernel(
        _sc_deg_body,
        out_type=jax.ShapeDtypeStruct((NC * NP, 128), _f32),
        mesh=plsc.VectorSubcoreMesh(
            core_axis_name="c", subcore_axis_name="s",
            num_cores=NC, num_subcores=NS),
        scratch_types=[
            pltpu.VMEM((RPS // 2, 128), jnp.int32),
            pltpu.VMEM((128, 128), _f32),
            pltpu.VMEM_SHARED((NP, 128), _f32),
        ],
    )


def _sc_deg(dst2, ones_tab, zrows):
    return _get_sc_deg()(dst2, ones_tab, zrows)



def _dinv_block(deg_ref):
    d = deg_ref[0, :, 0:1] + deg_ref[1, :, 0:1] + 1.0
    return lax.rsqrt(d)


def _first_body(deg, x, w, out, acc):
    k = pl.program_id(2)

    @pl.when(k == 0)
    def _():
        acc[...] = jnp.zeros_like(acc)

    acc[...] += jnp.dot(x[...], w[...], preferred_element_type=_f32)

    @pl.when(k == 1)
    def _():
        out[0] = acc[...] * _dinv_block(deg)


def _mid_body(deg, agg, y, w, b, out, acc):
    k = pl.program_id(2)
    dinv = _dinv_block(deg)
    h = jnp.maximum(dinv * (agg[0] + y[0]) + b[0], 0.0)

    @pl.when(k == 0)
    def _():
        acc[...] = jnp.zeros_like(acc)

    acc[...] += jnp.dot(h, w[...], preferred_element_type=_f32)

    @pl.when(k == 1)
    def _():
        out[0] = acc[...] * dinv


def _final_body(deg, agg, y, b, wa, ba, wp, bp, batch, out, p_acc, s_acc):
    i = pl.program_id(0)
    dinv = _dinv_block(deg)
    h0 = jnp.maximum(dinv * (agg[0] + y[0]) + b[0], 0.0)
    h1 = jnp.maximum(dinv * (agg[1] + y[1]) + b[1], 0.0)
    h = jnp.concatenate([h0, h1], axis=1)
    sc = jnp.sum(h * wa[...], axis=1, keepdims=True) + ba[...]
    e = jnp.exp(jnp.tanh(sc))
    rows = i * 128 + lax.broadcasted_iota(jnp.int32, (128, 1), 0)
    e = jnp.where(rows < N, e, 0.0)
    onehot = (lax.broadcasted_iota(jnp.int32, (G, 128), 0)
              == batch[0]).astype(_f32)

    @pl.when(i == 0)
    def _():
        p_acc[...] = jnp.zeros_like(p_acc)
        s_acc[0, 0] = 0.0

    p_acc[...] += jnp.dot(onehot, h * e, preferred_element_type=_f32)
    s_acc[0, 0] += jnp.sum(e)

    @pl.when(i == NP // 128 - 1)
    def _():
        pooled = p_acc[...] / s_acc[0, 0]
        o = jnp.dot(pooled, wp[...], preferred_element_type=_f32) + bp[...]
        nrm = jnp.sqrt(jnp.sum(o * o, axis=1, keepdims=True))
        out[...] = o / jnp.maximum(nrm, 1e-12)


def _tc_first(deg3, x_pad, w):
    return pl.pallas_call(
        _first_body,
        grid=(NP // 128, 2, 2),
        in_specs=[
            pl.BlockSpec((2, 128, 128), lambda i, j, k: (0, i, 0)),
            pl.BlockSpec((128, 128), lambda i, j, k: (i, k)),
            pl.BlockSpec((128, 128), lambda i, j, k: (k, j)),
        ],
        out_specs=pl.BlockSpec((1, 128, 128), lambda i, j, k: (j, i, 0)),
        out_shape=jax.ShapeDtypeStruct((2, NP, 128), _f32),
        scratch_shapes=[pltpu.VMEM((128, 128), _f32)],
    )(deg3, x_pad, w)


def _tc_mid(deg3, agg3, y3, w, b2):
    return pl.pallas_call(
        _mid_body,
        grid=(NP // 128, 2, 2),
        in_specs=[
            pl.BlockSpec((2, 128, 128), lambda i, j, k: (0, i, 0)),
            pl.BlockSpec((1, 128, 128), lambda i, j, k: (k, i, 0)),
            pl.BlockSpec((1, 128, 128), lambda i, j, k: (k, i, 0)),
            pl.BlockSpec((128, 128), lambda i, j, k: (k, j)),
            pl.BlockSpec((1, 1, 128), lambda i, j, k: (k, 0, 0)),
        ],
        out_specs=pl.BlockSpec((1, 128, 128), lambda i, j, k: (j, i, 0)),
        out_shape=jax.ShapeDtypeStruct((2, NP, 128), _f32),
        scratch_shapes=[pltpu.VMEM((128, 128), _f32)],
    )(deg3, agg3, y3, w, b2)


def _tc_final(deg3, agg3, y3, b2, wa_row, ba2, wp, bp2, batch2):
    return pl.pallas_call(
        _final_body,
        grid=(NP // 128,),
        in_specs=[
            pl.BlockSpec((2, 128, 128), lambda i: (0, i, 0)),
            pl.BlockSpec((2, 128, 128), lambda i: (0, i, 0)),
            pl.BlockSpec((2, 128, 128), lambda i: (0, i, 0)),
            pl.BlockSpec((2, 1, 128), lambda i: (0, 0, 0)),
            pl.BlockSpec((1, 256), lambda i: (0, 0)),
            pl.BlockSpec((1, 1), lambda i: (0, 0)),
            pl.BlockSpec((256, 256), lambda i: (0, 0)),
            pl.BlockSpec((1, 256), lambda i: (0, 0)),
            pl.BlockSpec((1, 1, 128), lambda i: (i, 0, 0)),
        ],
        out_specs=pl.BlockSpec((G, 256), lambda i: (0, 0)),
        out_shape=jax.ShapeDtypeStruct((G, 256), _f32),
        scratch_shapes=[pltpu.VMEM((G, 256), _f32),
                        pltpu.SMEM((1, 1), _f32)],
    )(deg3, agg3, y3, b2, wa_row, ba2, wp, bp2, batch2)



def kernel(x, edge_index, batch, W1, b1, W2, b2, W3, b3, Wa, ba, Wp, bp):
    src = edge_index[0].astype(jnp.int32)
    dst = edge_index[1].astype(jnp.int32)
    pad = jnp.full((E2 - E,), NP - 1, dtype=jnp.int32)
    src_p = jnp.concatenate([src, pad])
    dst_p = jnp.concatenate([dst, pad])
    srcp = jnp.stack([src_p, src_p + NP]).reshape(NC, EROWS, 128)
    dst2 = dst_p.reshape(EROWS, 128)

    x_pad = jnp.zeros((NP, D), _f32).at[:N].set(x)
    batch2 = jnp.zeros((NP,), jnp.int32).at[:N].set(
        batch.astype(jnp.int32)).reshape(NP // 128, 128)

    zrows = jnp.zeros((NROWS_PS, DH), _f32)
    ones_tab = jnp.ones((128, 128), _f32)

    deg = _sc_deg(dst2, ones_tab, zrows)
    deg3 = deg.reshape(NC, NP, 128)

    y1 = _tc_first(deg3, x_pad, W1)
    agg1 = _sc_agg(y1.reshape(NC * NP, DH), srcp, dst2, zrows)
    y2 = _tc_mid(deg3, agg1.reshape(NC, NP, DH), y1, W2, b1.reshape(2, 1, 128))
    agg2 = _sc_agg(y2.reshape(NC * NP, DH), srcp, dst2, zrows)
    y3 = _tc_mid(deg3, agg2.reshape(NC, NP, DH), y2, W3, b2.reshape(2, 1, 128))
    agg3 = _sc_agg(y3.reshape(NC * NP, DH), srcp, dst2, zrows)

    out = _tc_final(
        deg3, agg3.reshape(NC, NP, DH), y3, b3.reshape(2, 1, 128),
        Wa.reshape(1, D), ba.reshape(1, 1), Wp, bp.reshape(1, D),
        batch2.reshape(NP // 128, 1, 128))
    return out

# --- scband reference (transcript-rebuilt; emitter-appended) ---
"""Pipeline reference for scband-malware-gnn-1443109011561 (READ-ONLY COPY).

The authoritative reference and input builder live on the scoring server;
editing this copy changes nothing except your own understanding.
"""

import jax, jax.numpy as jnp
import numpy as np

N_NODES = 10000
N_EDGES = 160000
D = 256
NUM_GRAPHS = 16


def gcn_conv(x, src, dst, W, b, num_nodes):
    # PyG-style GCNConv: lin -> add self loops -> sym-normalized aggregation -> bias
    xw = x @ W
    loop = jnp.arange(num_nodes, dtype=src.dtype)
    s = jnp.concatenate([src, loop])
    d = jnp.concatenate([dst, loop])
    deg = jax.ops.segment_sum(jnp.ones_like(d, dtype=xw.dtype), d, num_segments=num_nodes)
    dinv = jnp.where(deg > 0, deg ** -0.5, 0.0)
    norm = dinv[s] * dinv[d]
    msg = xw[s] * norm[:, None]
    out = jax.ops.segment_sum(msg, d, num_segments=num_nodes)
    return out + b


def setup_inputs(seed: int = 0) -> dict:
    key = jax.random.key(seed)
    ks = jax.random.split(key, 16)
    x = jax.random.normal(ks[0], (N_NODES, D), dtype=jnp.float32)
    edge_index = jax.random.randint(ks[1], (2, N_EDGES), 0, N_NODES, dtype=jnp.int64)
    batch = jnp.sort(jax.random.randint(ks[2], (N_NODES,), 0, NUM_GRAPHS, dtype=jnp.int64))
    def lin(k, fan_in, shape):
        bound = 1.0 / np.sqrt(fan_in)
        return jax.random.uniform(k, shape, minval=-bound, maxval=bound, dtype=jnp.float32)
    W1 = lin(ks[3], D, (D, D)); b1 = lin(ks[4], D, (D,))
    W2 = lin(ks[5], D, (D, D)); b2 = lin(ks[6], D, (D,))
    W3 = lin(ks[7], D, (D, D)); b3 = lin(ks[8], D, (D,))
    Wa = lin(ks[9], D, (D, 1)); ba = lin(ks[10], D, (1,))
    Wp = lin(ks[11], D, (D, D)); bp = lin(ks[12], D, (D,))
    return {"x": x, "edge_index": edge_index, "batch": batch,
            "W1": W1, "b1": b1, "W2": W2, "b2": b2, "W3": W3, "b3": b3,
            "Wa": Wa, "ba": ba, "Wp": Wp, "bp": bp}


def reference(x, edge_index, batch, W1, b1, W2, b2, W3, b3, Wa, ba, Wp, bp):
    src, dst = edge_index[0], edge_index[1]
    h = jax.nn.relu(gcn_conv(x, src, dst, W1, b1, N_NODES))
    h = jax.nn.relu(gcn_conv(h, src, dst, W2, b2, N_NODES))
    h = jax.nn.relu(gcn_conv(h, src, dst, W3, b3, N_NODES))
    weights = jnp.tanh(h @ Wa + ba)            # [N, 1]
    weights = jax.nn.softmax(weights, axis=0)  # softmax over all nodes (dim=0)
    pooled = jax.ops.segment_sum(h * weights, batch, num_segments=NUM_GRAPHS)  # [G, D]
    out = pooled @ Wp + bp
    nrm = jnp.sqrt(jnp.sum(out * out, axis=1, keepdims=True))
    return out / jnp.maximum(nrm, 1e-12)

if __name__ == "__main__":
    import jax
    _d = setup_inputs()
    print(jax.jit(kernel)(*tuple(_d.values())))

</pallas_src>

<mosaic_0001>
#map = affine_map<(d0, d1) -> (0, 0)>
module attributes {stable_mosaic.version = 14 : i64} {
  func.func @_sc_deg_body(%arg0: i32, %arg1: i32, %arg2: memref<1280x128xi32, #tpu.memory_space<hbm>>, %arg3: memref<128x128xf32, #tpu.memory_space<hbm>>, %arg4: memref<640x128xf32, #tpu.memory_space<hbm>>, %arg5: memref<20480x128xf32, #tpu.memory_space<hbm>>, %arg6: memref<40x128xi32, #tpu.memory_space<vmem>>, %arg7: memref<128x128xf32, #tpu.memory_space<vmem>>, %arg8: memref<10240x128xf32, #tpu.memory_space<vmem_shared>>) attributes {dimension_semantics = [#tpu.dimension_semantics<core_parallel>, #tpu.dimension_semantics<subcore_parallel>], iteration_bounds = array<i64: 2, 16>, scalar_prefetch = 0 : i64, scratch_operands = 3 : i64, tpu.core_type = #tpu.core_type<sc_vector_subcore>, window_params = [{transform_indices = #map}, {transform_indices = #map}, {transform_indices = #map}, {transform_indices = #map}]} {
    %mul3A = arith.constant 640 : i32
    %mul3A_0 = arith.muli %arg1, %mul3A : i32
    "tpu.region"() ({
      %run_scoped3A = tpu.sem_alloc : memref<!tpu.dma_semaphore, #tpu.memory_space<semaphore_mem>>
      %dma_start3A = arith.constant 0 : i32
      %dma_start3A_14 = tpu.memref_slice %arg8[%mul3A_0, %dma_start3A] : memref<10240x128xf32, #tpu.memory_space<vmem_shared>> -> memref<640x128xf32, #tpu.memory_space<vmem_shared>>
      tpu.enqueue_dma source(%arg4 : memref<640x128xf32, #tpu.memory_space<hbm>>) target(%dma_start3A_14 : memref<640x128xf32, #tpu.memory_space<vmem_shared>>) target_semaphore(%run_scoped3A : memref<!tpu.dma_semaphore, #tpu.memory_space<semaphore_mem>>)
      %dma_wait3A = arith.constant 0 : i32
      %dma_wait3A_15 = tpu.memref_slice %arg8[%mul3A_0, %dma_wait3A] : memref<10240x128xf32, #tpu.memory_space<vmem_shared>> -> memref<640x128xf32, #tpu.memory_space<vmem_shared>>
      tpu.wait_dma2 semaphore(%run_scoped3A : memref<!tpu.dma_semaphore, #tpu.memory_space<semaphore_mem>>) src(%arg4 : memref<640x128xf32, #tpu.memory_space<hbm>>) dst(%dma_wait3A_15 : memref<640x128xf32, #tpu.memory_space<vmem_shared>>)
      tpu.yield
    }) : () -> ()
    "tpu.region"() ({
      %run_scoped3A = tpu.sem_alloc : memref<!tpu.dma_semaphore, #tpu.memory_space<semaphore_mem>>
      tpu.enqueue_dma source(%arg3 : memref<128x128xf32, #tpu.memory_space<hbm>>) target(%arg7 : memref<128x128xf32, #tpu.memory_space<vmem>>) target_semaphore(%run_scoped3A : memref<!tpu.dma_semaphore, #tpu.memory_space<semaphore_mem>>)
      tpu.wait_dma2 semaphore(%run_scoped3A : memref<!tpu.dma_semaphore, #tpu.memory_space<semaphore_mem>>) src(%arg3 : memref<128x128xf32, #tpu.memory_space<hbm>>) dst(%arg7 : memref<128x128xf32, #tpu.memory_space<vmem>>)
      tpu.yield
    }) : () -> ()
    %mul3A_1 = arith.constant 16 : i32
    %mul3A_2 = arith.muli %arg0, %mul3A_1 : i32
    %add3A = arith.addi %mul3A_2, %arg1 : i32
    %mul3A_3 = arith.constant 40 : i32
    %mul3A_4 = arith.muli %add3A, %mul3A_3 : i32
    "tpu.region"() ({
      %run_scoped3A = tpu.sem_alloc : memref<!tpu.dma_semaphore, #tpu.memory_space<semaphore_mem>>
      %dma_start3A = arith.constant 0 : i32
      %dma_start3A_14 = tpu.memref_slice %arg2[%mul3A_4, %dma_start3A] : memref<1280x128xi32, #tpu.memory_space<hbm>> -> memref<40x128xi32, #tpu.memory_space<hbm>>
      %dma_start3A_15 = arith.constant 0 : i32
      %dma_start3A_16 = tpu.memref_slice %arg2[%mul3A_4, %dma_start3A_15] : memref<1280x128xi32, #tpu.memory_space<hbm>> -> memref<40x128xi32, #tpu.memory_space<hbm>>
      tpu.enqueue_dma source(%dma_start3A_16 : memref<40x128xi32, #tpu.memory_space<hbm>>) target(%arg6 : memref<40x128xi32, #tpu.memory_space<vmem>>) target_semaphore(%run_scoped3A : memref<!tpu.dma_semaphore, #tpu.memory_space<semaphore_mem>>)
      %dma_wait3A = arith.constant 0 : i32
      %dma_wait3A_17 = tpu.memref_slice %arg2[%mul3A_4, %dma_wait3A] : memref<1280x128xi32, #tpu.memory_space<hbm>> -> memref<40x128xi32, #tpu.memory_space<hbm>>
      %dma_wait3A_18 = arith.constant 0 : i32
      %dma_wait3A_19 = tpu.memref_slice %arg2[%mul3A_4, %dma_wait3A_18] : memref<1280x128xi32, #tpu.memory_space<hbm>> -> memref<40x128xi32, #tpu.memory_space<hbm>>
      tpu.wait_dma2 semaphore(%run_scoped3A : memref<!tpu.dma_semaphore, #tpu.memory_space<semaphore_mem>>) src(%dma_wait3A_19 : memref<40x128xi32, #tpu.memory_space<hbm>>) dst(%arg6 : memref<40x128xi32, #tpu.memory_space<vmem>>)
      tpu.yield
    }) : () -> ()
    %barrier3A = arith.constant 0 : index
    tpu.barrier barrier_id(%barrier3A)
    %scan3A = arith.constant 0 : i32
    %scan3A_5 = arith.constant 0 : i32
    %scan3A_6 = arith.constant 40 : i32
    %scan3A_7 = arith.addi %scan3A_5, %scan3A_6 : i32
    %scan3A_8 = arith.constant 1 : i32
    scf.for %scan3A_14 = %scan3A_5 to %scan3A_7 step %scan3A_8  : i32 {
      "tpu.region"() ({
        %run_scoped3A = tpu.sem_alloc : memref<!tpu.dma_semaphore, #tpu.memory_space<semaphore_mem>>
        %dma_start3A = arith.constant 0 : i32
        %dma_start3A_15 = tpu.memref_slice %arg6[%scan3A_14, %dma_start3A] : memref<40x128xi32, #tpu.memory_space<vmem>> -> memref<1x128xi32, #tpu.memory_space<vmem>>
        %dma_start3A_16 = tpu.memref_squeeze %dma_start3A_15 : memref<1x128xi32, #tpu.memory_space<vmem>> -> memref<128xi32, #tpu.memory_space<vmem>>
        %dma_start3A_17 = arith.constant 0 : i32
        %dma_start3A_18 = arith.constant 0 : i32
        %dma_start3A_19 = tpu.memref_slice %arg8[%dma_start3A_17, %dma_start3A_18] : memref<10240x128xf32, #tpu.memory_space<vmem_shared>> -> memref<10240x128xf32, #tpu.memory_space<vmem_shared>>
        tpu.enqueue_indirect_dma source(%arg7 : memref<128x128xf32, #tpu.memory_space<vmem>>) target(%dma_start3A_19 : memref<10240x128xf32, #tpu.memory_space<vmem_shared>>) offsets(%dma_start3A_16 : memref<128xi32, #tpu.memory_space<vmem>>) semaphore(%run_scoped3A : memref<!tpu.dma_semaphore, #tpu.memory_space<semaphore_mem>>) {add = true}
        %dma_wait3A = arith.constant 0 : i32
        %dma_wait3A_20 = tpu.memref_slice %arg6[%scan3A_14, %dma_wait3A] : memref<40x128xi32, #tpu.memory_space<vmem>> -> memref<1x128xi32, #tpu.memory_space<vmem>>
        %dma_wait3A_21 = tpu.memref_squeeze %dma_wait3A_20 : memref<1x128xi32, #tpu.memory_space<vmem>> -> memref<128xi32, #tpu.memory_space<vmem>>
        %dma_wait3A_22 = arith.constant 0 : i32
        %dma_wait3A_23 = arith.constant 0 : i32
        %dma_wait3A_24 = tpu.memref_slice %arg8[%dma_wait3A_22, %dma_wait3A_23] : memref<10240x128xf32, #tpu.memory_space<vmem_shared>> -> memref<10240x128xf32, #tpu.memory_space<vmem_shared>>
        tpu.wait_indirect_dma semaphore(%run_scoped3A : memref<!tpu.dma_semaphore, #tpu.memory_space<semaphore_mem>>) src(%arg7 : memref<128x128xf32, #tpu.memory_space<vmem>>) dst(%dma_wait3A_24 : memref<10240x128xf32, #tpu.memory_space<vmem_shared>>)
        tpu.yield
      }) : () -> ()
    }
    %scan3A_9 = arith.constant 40 : i32
    %barrier3A_10 = arith.constant 0 : index
    tpu.barrier barrier_id(%barrier3A_10)
    %mul3A_11 = arith.constant 10240 : i32
    %mul3A_12 = arith.muli %arg0, %mul3A_11 : i32
    %add3A_13 = arith.addi %mul3A_12, %mul3A_0 : i32
    "tpu.region"() ({
      %run_scoped3A = tpu.sem_alloc : memref<!tpu.dma_semaphore, #tpu.memory_space<semaphore_mem>>
      %dma_start3A = arith.constant 0 : i32
      %dma_start3A_14 = tpu.memref_slice %arg5[%add3A_13, %dma_start3A] : memref<20480x128xf32, #tpu.memory_space<hbm>> -> memref<640x128xf32, #tpu.memory_space<hbm>>
      %dma_start3A_15 = arith.constant 0 : i32
      %dma_start3A_16 = tpu.memref_slice %arg8[%mul3A_0, %dma_start3A_15] : memref<10240x128xf32, #tpu.memory_space<vmem_shared>> -> memref<640x128xf32, #tpu.memory_space<vmem_shared>>
      tpu.enqueue_dma source(%dma_start3A_16 : memref<640x128xf32, #tpu.memory_space<vmem_shared>>) target(%dma_start3A_14 : memref<640x128xf32, #tpu.memory_space<hbm>>) target_semaphore(%run_scoped3A : memref<!tpu.dma_semaphore, #tpu.memory_space<semaphore_mem>>)
      %dma_wait3A = arith.constant 0 : i32
      %dma_wait3A_17 = tpu.memref_slice %arg5[%add3A_13, %dma_wait3A] : memref<20480x128xf32, #tpu.memory_space<hbm>> -> memref<640x128xf32, #tpu.memory_space<hbm>>
      %dma_wait3A_18 = arith.constant 0 : i32
      %dma_wait3A_19 = tpu.memref_slice %arg8[%mul3A_0, %dma_wait3A_18] : memref<10240x128xf32, #tpu.memory_space<vmem_shared>> -> memref<640x128xf32, #tpu.memory_space<vmem_shared>>
      tpu.wait_dma2 semaphore(%run_scoped3A : memref<!tpu.dma_semaphore, #tpu.memory_space<semaphore_mem>>) src(%dma_wait3A_19 : memref<640x128xf32, #tpu.memory_space<vmem_shared>>) dst(%dma_wait3A_17 : memref<640x128xf32, #tpu.memory_space<hbm>>)
      tpu.yield
    }) : () -> ()
    return
  }
}

#map = affine_map<(d0, d1) -> (0, 0)>
#map1 = affine_map<(d0, d1) -> (0, 0, 0)>
module attributes {stable_mosaic.version = 14 : i64} {
  func.func @_sc_agg_body(%arg0: i32, %arg1: i32, %arg2: memref<20480x128xf32, #tpu.memory_space<hbm>>, %arg3: memref<2x1280x128xi32, #tpu.memory_space<hbm>>, %arg4: memref<1280x128xi32, #tpu.memory_space<hbm>>, %arg5: memref<640x128xf32, #tpu.memory_space<hbm>>, %arg6: memref<20480x128xf32, #tpu.memory_space<hbm>>, %arg7: memref<40x128xi32, #tpu.memory_space<vmem>>, %arg8: memref<80x128xi32, #tpu.memory_space<vmem>>, %arg9: memref<128x128xf32, #tpu.memory_space<vmem>>, %arg10: memref<128x128xf32, #tpu.memory_space<vmem>>, %arg11: memref<!tpu.dma_semaphore, #tpu.memory_space<semaphore_mem>>, %arg12: memref<!tpu.dma_semaphore, #tpu.memory_space<semaphore_mem>>, %arg13: memref<!tpu.dma_semaphore, #tpu.memory_space<semaphore_mem>>, %arg14: memref<!tpu.dma_semaphore, #tpu.memory_space<semaphore_mem>>, %arg15: memref<10240x128xf32, #tpu.memory_space<vmem_shared>>) attributes {dimension_semantics = [#tpu.dimension_semantics<core_parallel>, #tpu.dimension_semantics<subcore_parallel>], iteration_bounds = array<i64: 2, 16>, scalar_prefetch = 0 : i64, scratch_operands = 9 : i64, tpu.core_type = #tpu.core_type<sc_vector_subcore>, window_params = [{transform_indices = #map}, {transform_indices = #map1}, {transform_indices = #map}, {transform_indices = #map}, {transform_indices = #map}]} {
    %mul3A = arith.constant 640 : i32
    %mul3A_0 = arith.muli %arg1, %mul3A : i32
    "tpu.region"() ({
      %run_scoped3A = tpu.sem_alloc : memref<!tpu.dma_semaphore, #tpu.memory_space<semaphore_mem>>
      %dma_start3A_79 = arith.constant 0 : i32
      %dma_start3A_80 = tpu.memref_slice %arg15[%mul3A_0, %dma_start3A_79] : memref<10240x128xf32, #tpu.memory_space<vmem_shared>> -> memref<640x128xf32, #tpu.memory_space<vmem_shared>>
      tpu.enqueue_dma source(%arg5 : memref<640x128xf32, #tpu.memory_space<hbm>>) target(%dma_start3A_80 : memref<640x128xf32, #tpu.memory_space<vmem_shared>>) target_semaphore(%run_scoped3A : memref<!tpu.dma_semaphore, #tpu.memory_space<semaphore_mem>>)
      %dma_wait3A_81 = arith.constant 0 : i32
      %dma_wait3A_82 = tpu.memref_slice %arg15[%mul3A_0, %dma_wait3A_81] : memref<10240x128xf32, #tpu.memory_space<vmem_shared>> -> memref<640x128xf32, #tpu.memory_space<vmem_shared>>
      tpu.wait_dma2 semaphore(%run_scoped3A : memref<!tpu.dma_semaphore, #tpu.memory_space<semaphore_mem>>) src(%arg5 : memref<640x128xf32, #tpu.memory_space<hbm>>) dst(%dma_wait3A_82 : memref<640x128xf32, #tpu.memory_space<vmem_shared>>)
      tpu.yield
    }) : () -> ()
    %mul3A_1 = arith.constant 80 : i32
    %mul3A_2 = arith.muli %arg1, %mul3A_1 : i32
    "tpu.region"() ({
      %run_scoped3A = tpu.sem_alloc : memref<!tpu.dma_semaphore, #tpu.memory_space<semaphore_mem>>
      %dma_start3A_79 = arith.constant 0 : i32
      %dma_start3A_80 = tpu.memref_slice %arg4[%mul3A_2, %dma_start3A_79] : memref<1280x128xi32, #tpu.memory_space<hbm>> -> memref<80x128xi32, #tpu.memory_space<hbm>>
      %dma_start3A_81 = arith.constant 0 : i32
      %dma_start3A_82 = tpu.memref_slice %arg4[%mul3A_2, %dma_start3A_81] : memref<1280x128xi32, #tpu.memory_space<hbm>> -> memref<80x128xi32, #tpu.memory_space<hbm>>
      tpu.enqueue_dma source(%dma_start3A_82 : memref<80x128xi32, #tpu.memory_space<hbm>>) target(%arg8 : memref<80x128xi32, #tpu.memory_space<vmem>>) target_semaphore(%run_scoped3A : memref<!tpu.dma_semaphore, #tpu.memory_space<semaphore_mem>>)
      %dma_wait3A_83 = arith.constant 0 : i32
      %dma_wait3A_84 = tpu.memref_slice %arg4[%mul3A_2, %dma_wait3A_83] : memref<1280x128xi32, #tpu.memory_space<hbm>> -> memref<80x128xi32, #tpu.memory_space<hbm>>
      %dma_wait3A_85 = arith.constant 0 : i32
      %dma_wait3A_86 = tpu.memref_slice %arg4[%mul3A_2, %dma_wait3A_85] : memref<1280x128xi32, #tpu.memory_space<hbm>> -> memref<80x128xi32, #tpu.memory_space<hbm>>
      tpu.wait_dma2 semaphore(%run_scoped3A : memref<!tpu.dma_semaphore, #tpu.memory_space<semaphore_mem>>) src(%dma_wait3A_86 : memref<80x128xi32, #tpu.memory_space<hbm>>) dst(%arg8 : memref<80x128xi32, #tpu.memory_space<vmem>>)
      tpu.yield
    }) : () -> ()
    %barrier3A = arith.constant 0 : index
    tpu.barrier barrier_id(%barrier3A)
    %mul3A_3 = arith.constant 80 : i32
    %mul3A_4 = arith.muli %arg1, %mul3A_3 : i32
    %add3A = arith.constant 0 : i32
    %add3A_5 = arith.addi %mul3A_4, %add3A : i32
    "tpu.region"() ({
      %run_scoped3A = tpu.sem_alloc : memref<!tpu.dma_semaphore, #tpu.memory_space<semaphore_mem>>
      %dma_start3A_79 = arith.constant 0 : i32
      %dma_start3A_80 = tpu.memref_slice %arg3[%arg0, %add3A_5, %dma_start3A_79] : memref<2x1280x128xi32, #tpu.memory_space<hbm>> -> memref<1x40x128xi32, #tpu.memory_space<hbm>>
      %dma_start3A_81 = tpu.memref_squeeze %dma_start3A_80 : memref<1x40x128xi32, #tpu.memory_space<hbm>> -> memref<40x128xi32, #tpu.memory_space<hbm>>
      %dma_start3A_82 = arith.constant 0 : i32
      %dma_start3A_83 = tpu.memref_slice %arg3[%arg0, %add3A_5, %dma_start3A_82] : memref<2x1280x128xi32, #tpu.memory_space<hbm>> -> memref<1x40x128xi32, #tpu.memory_space<hbm>>
      %dma_start3A_84 = tpu.memref_squeeze %dma_start3A_83 : memref<1x40x128xi32, #tpu.memory_space<hbm>> -> memref<40x128xi32, #tpu.memory_space<hbm>>
      tpu.enqueue_dma source(%dma_start3A_84 : memref<40x128xi32, #tpu.memory_space<hbm>>) target(%arg7 : memref<40x128xi32, #tpu.memory_space<vmem>>) target_semaphore(%run_scoped3A : memref<!tpu.dma_semaphore, #tpu.memory_space<semaphore_mem>>)
      %dma_wait3A_85 = arith.constant 0 : i32
      %dma_wait3A_86 = tpu.memref_slice %arg3[%arg0, %add3A_5, %dma_wait3A_85] : memref<2x1280x128xi32, #tpu.memory_space<hbm>> -> memref<1x40x128xi32, #tpu.memory_space<hbm>>
      %dma_wait3A_87 = tpu.memref_squeeze %dma_wait3A_86 : memref<1x40x128xi32, #tpu.memory_space<hbm>> -> memref<40x128xi32, #tpu.memory_space<hbm>>
      %dma_wait3A_88 = arith.constant 0 : i32
      %dma_wait3A_89 = tpu.memref_slice %arg3[%arg0, %add3A_5, %dma_wait3A_88] : memref<2x1280x128xi32, #tpu.memory_space<hbm>> -> memref<1x40x128xi32, #tpu.memory_space<hbm>>
      %dma_wait3A_90 = tpu.memref_squeeze %dma_wait3A_89 : memref<1x40x128xi32, #tpu.memory_space<hbm>> -> memref<40x128xi32, #tpu.memory_space<hbm>>
      tpu.wait_dma2 semaphore(%run_scoped3A : memref<!tpu.dma_semaphore, #tpu.memory_space<semaphore_mem>>) src(%dma_wait3A_90 : memref<40x128xi32, #tpu.memory_space<hbm>>) dst(%arg7 : memref<40x128xi32, #tpu.memory_space<vmem>>)
      tpu.yield
    }) : () -> ()
    %dma_start3A = arith.constant 0 : i32
    %dma_start3A_6 = arith.constant 0 : i32
    %dma_start3A_7 = tpu.memref_slice %arg7[%dma_start3A, %dma_start3A_6] : memref<40x128xi32, #tpu.memory_space<vmem>> -> memref<1x128xi32, #tpu.memory_space<vmem>>
    %dma_start3A_8 = tpu.memref_squeeze %dma_start3A_7 : memref<1x128xi32, #tpu.memory_space<vmem>> -> memref<128xi32, #tpu.memory_space<vmem>>
    %dma_start3A_9 = arith.constant 0 : i32
    %dma_start3A_10 = arith.constant 0 : i32
    %dma_start3A_11 = tpu.memref_slice %arg2[%dma_start3A_9, %dma_start3A_10] : memref<20480x128xf32, #tpu.memory_space<hbm>> -> memref<20480x128xf32, #tpu.memory_space<hbm>>
    tpu.enqueue_indirect_dma source(%dma_start3A_11 : memref<20480x128xf32, #tpu.memory_space<hbm>>) target(%arg9 : memref<128x128xf32, #tpu.memory_space<vmem>>) offsets(%dma_start3A_8 : memref<128xi32, #tpu.memory_space<vmem>>) semaphore(%arg11 : memref<!tpu.dma_semaphore, #tpu.memory_space<semaphore_mem>>)
    %dma_start3A_12 = arith.constant 1 : i32
    %dma_start3A_13 = arith.constant 0 : i32
    %dma_start3A_14 = tpu.memref_slice %arg7[%dma_start3A_12, %dma_start3A_13] : memref<40x128xi32, #tpu.memory_space<vmem>> -> memref<1x128xi32, #tpu.memory_space<vmem>>
    %dma_start3A_15 = tpu.memref_squeeze %dma_start3A_14 : memref<1x128xi32, #tpu.memory_space<vmem>> -> memref<128xi32, #tpu.memory_space<vmem>>
    %dma_start3A_16 = arith.constant 0 : i32
    %dma_start3A_17 = arith.constant 0 : i32
    %dma_start3A_18 = tpu.memref_slice %arg2[%dma_start3A_16, %dma_start3A_17] : memref<20480x128xf32, #tpu.memory_space<hbm>> -> memref<20480x128xf32, #tpu.memory_space<hbm>>
    tpu.enqueue_indirect_dma source(%dma_start3A_18 : memref<20480x128xf32, #tpu.memory_space<hbm>>) target(%arg10 : memref<128x128xf32, #tpu.memory_space<vmem>>) offsets(%dma_start3A_15 : memref<128xi32, #tpu.memory_space<vmem>>) semaphore(%arg12 : memref<!tpu.dma_semaphore, #tpu.memory_space<semaphore_mem>>)
    %scan3A = arith.constant 0 : i32
    %scan3A_19 = arith.constant 0 : i32
    %scan3A_20 = arith.constant 20 : i32
    %scan3A_21 = arith.addi %scan3A_19, %scan3A_20 : i32
    %scan3A_22 = arith.constant 1 : i32
    scf.for %scan3A_79 = %scan3A_19 to %scan3A_21 step %scan3A_22  : i32 {
      %mul3A_80 = arith.constant 2 : i32
      %mul3A_81 = arith.muli %mul3A_80, %scan3A_79 : i32
      %mul3A_82 = arith.constant 2 : i32
      %mul3A_83 = arith.muli %mul3A_82, %scan3A_79 : i32
      %add3A_84 = arith.constant 1 : i32
      %add3A_85 = arith.addi %mul3A_83, %add3A_84 : i32
      %dma_wait3A_86 = arith.constant 0 : i32
      %dma_wait3A_87 = tpu.memref_slice %arg7[%mul3A_81, %dma_wait3A_86] : memref<40x128xi32, #tpu.memory_space<vmem>> -> memref<1x128xi32, #tpu.memory_space<vmem>>
      %dma_wait3A_88 = tpu.memref_squeeze %dma_wait3A_87 : memref<1x128xi32, #tpu.memory_space<vmem>> -> memref<128xi32, #tpu.memory_space<vmem>>
      %dma_wait3A_89 = arith.constant 0 : i32
      %dma_wait3A_90 = arith.constant 0 : i32
      %dma_wait3A_91 = tpu.memref_slice %arg2[%dma_wait3A_89, %dma_wait3A_90] : memref<20480x128xf32, #tpu.memory_space<hbm>> -> memref<20480x128xf32, #tpu.memory_space<hbm>>
      tpu.wait_indirect_dma semaphore(%arg11 : memref<!tpu.dma_semaphore, #tpu.memory_space<semaphore_mem>>) src(%dma_wait3A_91 : memref<20480x128xf32, #tpu.memory_space<hbm>>) dst(%arg9 : memref<128x128xf32, #tpu.memory_space<vmem>>)
      %add3A_92 = arith.constant 0 : i32
      %add3A_93 = arith.addi %add3A_92, %mul3A_81 : i32
      %dma_start3A_94 = arith.constant 0 : i32
      %dma_start3A_95 = tpu.memref_slice %arg8[%add3A_93, %dma_start3A_94] : memref<80x128xi32, #tpu.memory_space<vmem>> -> memref<1x128xi32, #tpu.memory_space<vmem>>
      %dma_start3A_96 = tpu.memref_squeeze %dma_start3A_95 : memref<1x128xi32, #tpu.memory_space<vmem>> -> memref<128xi32, #tpu.memory_space<vmem>>
      %dma_start3A_97 = arith.constant 0 : i32
      %dma_start3A_98 = arith.constant 0 : i32
      %dma_start3A_99 = tpu.memref_slice %arg15[%dma_start3A_97, %dma_start3A_98] : memref<10240x128xf32, #tpu.memory_space<vmem_shared>> -> memref<10240x128xf32, #tpu.memory_space<vmem_shared>>
      tpu.enqueue_indirect_dma source(%arg9 : memref<128x128xf32, #tpu.memory_space<vmem>>) target(%dma_start3A_99 : memref<10240x128xf32, #tpu.memory_space<vmem_shared>>) offsets(%dma_start3A_96 : memref<128xi32, #tpu.memory_space<vmem>>) semaphore(%arg13 : memref<!tpu.dma_semaphore, #tpu.memory_space<semaphore_mem>>) {add = true}
      %dma_wait3A_100 = arith.constant 0 : i32
      %dma_wait3A_101 = tpu.memref_slice %arg7[%add3A_85, %dma_wait3A_100] : memref<40x128xi32, #tpu.memory_space<vmem>> -> memref<1x128xi32, #tpu.memory_space<vmem>>
      %dma_wait3A_102 = tpu.memref_squeeze %dma_wait3A_101 : memref<1x128xi32, #tpu.memory_space<vmem>> -> memref<128xi32, #tpu.memory_space<vmem>>
      %dma_wait3A_103 = arith.constant 0 : i32
      %dma_wait3A_104 = arith.constant 0 : i32
      %dma_wait3A_105 = tpu.memref_slice %arg2[%dma_wait3A_103, %dma_wait3A_104] : memref<20480x128xf32, #tpu.memory_space<hbm>> -> memref<20480x128xf32, #tpu.memory_space<hbm>>
      tpu.wait_indirect_dma semaphore(%arg12 : memref<!tpu.dma_semaphore, #tpu.memory_space<semaphore_mem>>) src(%dma_wait3A_105 : memref<20480x128xf32, #tpu.memory_space<hbm>>) dst(%arg10 : memref<128x128xf32, #tpu.memory_space<vmem>>)
      %add3A_106 = arith.constant 0 : i32
      %add3A_107 = arith.addi %add3A_106, %add3A_85 : i32
      %dma_start3A_108 = arith.constant 0 : i32
      %dma_start3A_109 = tpu.memref_slice %arg8[%add3A_107, %dma_start3A_108] : memref<80x128xi32, #tpu.memory_space<vmem>> -> memref<1x128xi32, #tpu.memory_space<vmem>>
      %dma_start3A_110 = tpu.memref_squeeze %dma_start3A_109 : memref<1x128xi32, #tpu.memory_space<vmem>> -> memref<128xi32, #tpu.memory_space<vmem>>
      %dma_start3A_111 = arith.constant 0 : i32
      %dma_start3A_112 = arith.constant 0 : i32
      %dma_start3A_113 = tpu.memref_slice %arg15[%dma_start3A_111, %dma_start3A_112] : memref<10240x128xf32, #tpu.memory_space<vmem_shared>> -> memref<10240x128xf32, #tpu.memory_space<vmem_shared>>
      tpu.enqueue_indirect_dma source(%arg10 : memref<128x128xf32, #tpu.memory_space<vmem>>) target(%dma_start3A_113 : memref<10240x128xf32, #tpu.memory_space<vmem_shared>>) offsets(%dma_start3A_110 : memref<128xi32, #tpu.memory_space<vmem>>) semaphore(%arg14 : memref<!tpu.dma_semaphore, #tpu.memory_space<semaphore_mem>>) {add = true}
      %add3A_114 = arith.constant 1 : i32
      %add3A_115 = arith.addi %scan3A_79, %add3A_114 : i32
      %lt3A = arith.constant 20 : i32
      %lt3A_116 = arith.cmpi slt, %add3A_115, %lt3A : i32
      %convert_element_type3A = arith.extui %lt3A_116 : i1 to i32
      %cond3A = arith.constant 0 : i32
      %cond3A_117 = arith.cmpi ne, %convert_element_type3A, %cond3A : i32
      scf.if %cond3A_117 {
        %add3A_118 = arith.constant 0 : i32
        %add3A_119 = arith.addi %add3A_118, %mul3A_81 : i32
        %dma_wait3A_120 = arith.constant 0 : i32
        %dma_wait3A_121 = tpu.memref_slice %arg8[%add3A_119, %dma_wait3A_120] : memref<80x128xi32, #tpu.memory_space<vmem>> -> memref<1x128xi32, #tpu.memory_space<vmem>>
        %dma_wait3A_122 = tpu.memref_squeeze %dma_wait3A_121 : memref<1x128xi32, #tpu.memory_space<vmem>> -> memref<128xi32, #tpu.memory_space<vmem>>
        %dma_wait3A_123 = arith.constant 0 : i32
        %dma_wait3A_124 = arith.constant 0 : i32
        %dma_wait3A_125 = tpu.memref_slice %arg15[%dma_wait3A_123, %dma_wait3A_124] : memref<10240x128xf32, #tpu.memory_space<vmem_shared>> -> memref<10240x128xf32, #tpu.memory_space<vmem_shared>>
        tpu.wait_indirect_dma semaphore(%arg13 : memref<!tpu.dma_semaphore, #tpu.memory_space<semaphore_mem>>) src(%arg9 : memref<128x128xf32, #tpu.memory_space<vmem>>) dst(%dma_wait3A_125 : memref<10240x128xf32, #tpu.memory_space<vmem_shared>>)
        %add3A_126 = arith.constant 2 : i32
        %add3A_127 = arith.addi %mul3A_81, %add3A_126 : i32
        %dma_start3A_128 = arith.constant 0 : i32
        %dma_start3A_129 = tpu.memref_slice %arg7[%add3A_127, %dma_start3A_128] : memref<40x128xi32, #tpu.memory_space<vmem>> -> memref<1x128xi32, #tpu.memory_space<vmem>>
        %dma_start3A_130 = tpu.memref_squeeze %dma_start3A_129 : memref<1x128xi32, #tpu.memory_space<vmem>> -> memref<128xi32, #tpu.memory_space<vmem>>
        %dma_start3A_131 = arith.constant 0 : i32
        %dma_start3A_132 = arith.constant 0 : i32
        %dma_start3A_133 = tpu.memref_slice %arg2[%dma_start3A_131, %dma_start3A_132] : memref<20480x128xf32, #tpu.memory_space<hbm>> -> memref<20480x128xf32, #tpu.memory_space<hbm>>
        tpu.enqueue_indirect_dma source(%dma_start3A_133 : memref<20480x128xf32, #tpu.memory_space<hbm>>) target(%arg9 : memref<128x128xf32, #tpu.memory_space<vmem>>) offsets(%dma_start3A_130 : memref<128xi32, #tpu.memory_space<vmem>>) semaphore(%arg11 : memref<!tpu.dma_semaphore, #tpu.memory_space<semaphore_mem>>)
        %add3A_134 = arith.constant 0 : i32
        %add3A_135 = arith.addi %add3A_134, %add3A_85 : i32
        %dma_wait3A_136 = arith.constant 0 : i32
        %dma_wait3A_137 = tpu.memref_slice %arg8[%add3A_135, %dma_wait3A_136] : memref<80x128xi32, #tpu.memory_space<vmem>> -> memref<1x128xi32, #tpu.memory_space<vmem>>
        %dma_wait3A_138 = tpu.memref_squeeze %dma_wait3A_137 : memref<1x128xi32, #tpu.memory_space<vmem>> -> memref<128xi32, #tpu.memory_space<vmem>>
        %dma_wait3A_139 = arith.constant 0 : i32
        %dma_wait3A_140 = arith.constant 0 : i32
        %dma_wait3A_141 = tpu.memref_slice %arg15[%dma_wait3A_139, %dma_wait3A_140] : memref<10240x128xf32, #tpu.memory_space<vmem_shared>> -> memref<10240x128xf32, #tpu.memory_space<vmem_shared>>
        tpu.wait_indirect_dma semaphore(%arg14 : memref<!tpu.dma_semaphore, #tpu.memory_space<semaphore_mem>>) src(%arg10 : memref<128x128xf32, #tpu.memory_space<vmem>>) dst(%dma_wait3A_141 : memref<10240x128xf32, #tpu.memory_space<vmem_shared>>)
        %add3A_142 = arith.constant 2 : i32
        %add3A_143 = arith.addi %add3A_85, %add3A_142 : i32
        %dma_start3A_144 = arith.constant 0 : i32
        %dma_start3A_145 = tpu.memref_slice %arg7[%add3A_143, %dma_start3A_144] : memref<40x128xi32, #tpu.memory_space<vmem>> -> memref<1x128xi32, #tpu.memory_space<vmem>>
        %dma_start3A_146 = tpu.memref_squeeze %dma_start3A_145 : memref<1x128xi32, #tpu.memory_space<vmem>> -> memref<128xi32, #tpu.memory_space<vmem>>
        %dma_start3A_147 = arith.constant 0 : i32
        %dma_start3A_148 = arith.constant 0 : i32
        %dma_start3A_149 = tpu.memref_slice %arg2[%dma_start3A_147, %dma_start3A_148] : memref<20480x128xf32, #tpu.memory_space<hbm>> -> memref<20480x128xf32, #tpu.memory_space<hbm>>
        tpu.enqueue_indirect_dma source(%dma_start3A_149 : memref<20480x128xf32, #tpu.memory_space<hbm>>) target(%arg10 : memref<128x128xf32, #tpu.memory_space<vmem>>) offsets(%dma_start3A_146 : memref<128xi32, #tpu.memory_space<vmem>>) semaphore(%arg12 : memref<!tpu.dma_semaphore, #tpu.memory_space<semaphore_mem>>)
      } else {
      }
    }
    %scan3A_23 = arith.constant 20 : i32
    %mul3A_24 = arith.constant 80 : i32
    %mul3A_25 = arith.muli %arg1, %mul3A_24 : i32
    %add3A_26 = arith.constant 40 : i32
    %add3A_27 = arith.addi %mul3A_25, %add3A_26 : i32
    "tpu.region"() ({
      %run_scoped3A = tpu.sem_alloc : memref<!tpu.dma_semaphore, #tpu.memory_space<semaphore_mem>>
      %dma_start3A_79 = arith.constant 0 : i32
      %dma_start3A_80 = tpu.memref_slice %arg3[%arg0, %add3A_27, %dma_start3A_79] : memref<2x1280x128xi32, #tpu.memory_space<hbm>> -> memref<1x40x128xi32, #tpu.memory_space<hbm>>
      %dma_start3A_81 = tpu.memref_squeeze %dma_start3A_80 : memref<1x40x128xi32, #tpu.memory_space<hbm>> -> memref<40x128xi32, #tpu.memory_space<hbm>>
      %dma_start3A_82 = arith.constant 0 : i32
      %dma_start3A_83 = tpu.memref_slice %arg3[%arg0, %add3A_27, %dma_start3A_82] : memref<2x1280x128xi32, #tpu.memory_space<hbm>> -> memref<1x40x128xi32, #tpu.memory_space<hbm>>
      %dma_start3A_84 = tpu.memref_squeeze %dma_start3A_83 : memref<1x40x128xi32, #tpu.memory_space<hbm>> -> memref<40x128xi32, #tpu.memory_space<hbm>>
      tpu.enqueue_dma source(%dma_start3A_84 : memref<40x128xi32, #tpu.memory_space<hbm>>) target(%arg7 : memref<40x128xi32, #tpu.memory_space<vmem>>) target_semaphore(%run_scoped3A : memref<!tpu.dma_semaphore, #tpu.memory_space<semaphore_mem>>)
      %dma_wait3A_85 = arith.constant 0 : i32
      %dma_wait3A_86 = tpu.memref_slice %arg3[%arg0, %add3A_27, %dma_wait3A_85] : memref<2x1280x128xi32, #tpu.memory_space<hbm>> -> memref<1x40x128xi32, #tpu.memory_space<hbm>>
      %dma_wait3A_87 = tpu.memref_squeeze %dma_wait3A_86 : memref<1x40x128xi32, #tpu.memory_space<hbm>> -> memref<40x128xi32, #tpu.memory_space<hbm>>
      %dma_wait3A_88 = arith.constant 0 : i32
      %dma_wait3A_89 = tpu.memref_slice %arg3[%arg0, %add3A_27, %dma_wait3A_88] : memref<2x1280x128xi32, #tpu.memory_space<hbm>> -> memref<1x40x128xi32, #tpu.memory_space<hbm>>
      %dma_wait3A_90 = tpu.memref_squeeze %dma_wait3A_89 : memref<1x40x128xi32, #tpu.memory_space<hbm>> -> memref<40x128xi32, #tpu.memory_space<hbm>>
      tpu.wait_dma2 semaphore(%run_scoped3A : memref<!tpu.dma_semaphore, #tpu.memory_space<semaphore_mem>>) src(%dma_wait3A_90 : memref<40x128xi32, #tpu.memory_space<hbm>>) dst(%arg7 : memref<40x128xi32, #tpu.memory_space<vmem>>)
      tpu.yield
    }) : () -> ()
    %dma_wait3A = arith.constant 0 : i32
    %dma_wait3A_28 = arith.constant 0 : i32
    %dma_wait3A_29 = tpu.memref_slice %arg8[%dma_wait3A, %dma_wait3A_28] : memref<80x128xi32, #tpu.memory_space<vmem>> -> memref<1x128xi32, #tpu.memory_space<vmem>>
    %dma_wait3A_30 = tpu.memref_squeeze %dma_wait3A_29 : memref<1x128xi32, #tpu.memory_space<vmem>> -> memref<128xi32, #tpu.memory_space<vmem>>
    %dma_wait3A_31 = arith.constant 0 : i32
    %dma_wait3A_32 = arith.constant 0 : i32
    %dma_wait3A_33 = tpu.memref_slice %arg15[%dma_wait3A_31, %dma_wait3A_32] : memref<10240x128xf32, #tpu.memory_space<vmem_shared>> -> memref<10240x128xf32, #tpu.memory_space<vmem_shared>>
    tpu.wait_indirect_dma semaphore(%arg13 : memref<!tpu.dma_semaphore, #tpu.memory_space<semaphore_mem>>) src(%arg9 : memref<128x128xf32, #tpu.memory_space<vmem>>) dst(%dma_wait3A_33 : memref<10240x128xf32, #tpu.memory_space<vmem_shared>>)
    %dma_wait3A_34 = arith.constant 0 : i32
    %dma_wait3A_35 = arith.constant 0 : i32
    %dma_wait3A_36 = tpu.memref_slice %arg8[%dma_wait3A_34, %dma_wait3A_35] : memref<80x128xi32, #tpu.memory_space<vmem>> -> memref<1x128xi32, #tpu.memory_space<vmem>>
    %dma_wait3A_37 = tpu.memref_squeeze %dma_wait3A_36 : memref<1x128xi32, #tpu.memory_space<vmem>> -> memref<128xi32, #tpu.memory_space<vmem>>
    %dma_wait3A_38 = arith.constant 0 : i32
    %dma_wait3A_39 = arith.constant 0 : i32
    %dma_wait3A_40 = tpu.memref_slice %arg15[%dma_wait3A_38, %dma_wait3A_39] : memref<10240x128xf32, #tpu.memory_space<vmem_shared>> -> memref<10240x128xf32, #tpu.memory_space<vmem_shared>>
    tpu.wait_indirect_dma semaphore(%arg14 : memref<!tpu.dma_semaphore, #tpu.memory_space<semaphore_mem>>) src(%arg10 : memref<128x128xf32, #tpu.memory_space<vmem>>) dst(%dma_wait3A_40 : memref<10240x128xf32, #tpu.memory_space<vmem_shared>>)
    %dma_start3A_41 = arith.constant 0 : i32
    %dma_start3A_42 = arith.constant 0 : i32
    %dma_start3A_43 = tpu.memref_slice %arg7[%dma_start3A_41, %dma_start3A_42] : memref<40x128xi32, #tpu.memory_space<vmem>> -> memref<1x128xi32, #tpu.memory_space<vmem>>
    %dma_start3A_44 = tpu.memref_squeeze %dma_start3A_43 : memref<1x128xi32, #tpu.memory_space<vmem>> -> memref<128xi32, #tpu.memory_space<vmem>>
    %dma_start3A_45 = arith.constant 0 : i32
    %dma_start3A_46 = arith.constant 0 : i32
    %dma_start3A_47 = tpu.memref_slice %arg2[%dma_start3A_45, %dma_start3A_46] : memref<20480x128xf32, #tpu.memory_space<hbm>> -> memref<20480x128xf32, #tpu.memory_space<hbm>>
    tpu.enqueue_indirect_dma source(%dma_start3A_47 : memref<20480x128xf32, #tpu.memory_space<hbm>>) target(%arg9 : memref<128x128xf32, #tpu.memory_space<vmem>>) offsets(%dma_start3A_44 : memref<128xi32, #tpu.memory_space<vmem>>) semaphore(%arg11 : memref<!tpu.dma_semaphore, #tpu.memory_space<semaphore_mem>>)
    %dma_start3A_48 = arith.constant 1 : i32
    %dma_start3A_49 = arith.constant 0 : i32
    %dma_start3A_50 = tpu.memref_slice %arg7[%dma_start3A_48, %dma_start3A_49] : memref<40x128xi32, #tpu.memory_space<vmem>> -> memref<1x128xi32, #tpu.memory_space<vmem>>
    %dma_start3A_51 = tpu.memref_squeeze %dma_start3A_50 : memref<1x128xi32, #tpu.memory_space<vmem>> -> memref<128xi32, #tpu.memory_space<vmem>>
    %dma_start3A_52 = arith.constant 0 : i32
    %dma_start3A_53 = arith.constant 0 : i32
    %dma_start3A_54 = tpu.memref_slice %arg2[%dma_start3A_52, %dma_start3A_53] : memref<20480x128xf32, #tpu.memory_space<hbm>> -> memref<20480x128xf32, #tpu.memory_space<hbm>>
    tpu.enqueue_indirect_dma source(%dma_start3A_54 : memref<20480x128xf32, #tpu.memory_space<hbm>>) target(%arg10 : memref<128x128xf32, #tpu.memory_space<vmem>>) offsets(%dma_start3A_51 : memref<128xi32, #tpu.memory_space<vmem>>) semaphore(%arg12 : memref<!tpu.dma_semaphore, #tpu.memory_space<semaphore_mem>>)
    %scan3A_55 = arith.constant 0 : i32
    %scan3A_56 = arith.constant 0 : i32
    %scan3A_57 = arith.constant 20 : i32
    %scan3A_58 = arith.addi %scan3A_56, %scan3A_57 : i32
    %scan3A_59 = arith.constant 1 : i32
    scf.for %scan3A_79 = %scan3A_56 to %scan3A_58 step %scan3A_59  : i32 {
      %mul3A_80 = arith.constant 2 : i32
      %mul3A_81 = arith.muli %mul3A_80, %scan3A_79 : i32
      %mul3A_82 = arith.constant 2 : i32
      %mul3A_83 = arith.muli %mul3A_82, %scan3A_79 : i32
      %add3A_84 = arith.constant 1 : i32
      %add3A_85 = arith.addi %mul3A_83, %add3A_84 : i32
      %dma_wait3A_86 = arith.constant 0 : i32
      %dma_wait3A_87 = tpu.memref_slice %arg7[%mul3A_81, %dma_wait3A_86] : memref<40x128xi32, #tpu.memory_space<vmem>> -> memref<1x128xi32, #tpu.memory_space<vmem>>
      %dma_wait3A_88 = tpu.memref_squeeze %dma_wait3A_87 : memref<1x128xi32, #tpu.memory_space<vmem>> -> memref<128xi32, #tpu.memory_space<vmem>>
      %dma_wait3A_89 = arith.constant 0 : i32
      %dma_wait3A_90 = arith.constant 0 : i32
      %dma_wait3A_91 = tpu.memref_slice %arg2[%dma_wait3A_89, %dma_wait3A_90] : memref<20480x128xf32, #tpu.memory_space<hbm>> -> memref<20480x128xf32, #tpu.memory_space<hbm>>
      tpu.wait_indirect_dma semaphore(%arg11 : memref<!tpu.dma_semaphore, #tpu.memory_space<semaphore_mem>>) src(%dma_wait3A_91 : memref<20480x128xf32, #tpu.memory_space<hbm>>) dst(%arg9 : memref<128x128xf32, #tpu.memory_space<vmem>>)
      %add3A_92 = arith.constant 40 : i32
      %add3A_93 = arith.addi %add3A_92, %mul3A_81 : i32
      %dma_start3A_94 = arith.constant 0 : i32
      %dma_start3A_95 = tpu.memref_slice %arg8[%add3A_93, %dma_start3A_94] : memref<80x128xi32, #tpu.memory_space<vmem>> -> memref<1x128xi32, #tpu.memory_space<vmem>>
      %dma_start3A_96 = tpu.memref_squeeze %dma_start3A_95 : memref<1x128xi32, #tpu.memory_space<vmem>> -> memref<128xi32, #tpu.memory_space<vmem>>
      %dma_start3A_97 = arith.constant 0 : i32
      %dma_start3A_98 = arith.constant 0 : i32
      %dma_start3A_99 = tpu.memref_slice %arg15[%dma_start3A_97, %dma_start3A_98] : memref<10240x128xf32, #tpu.memory_space<vmem_shared>> -> memref<10240x128xf32, #tpu.memory_space<vmem_shared>>
      tpu.enqueue_indirect_dma source(%arg9 : memref<128x128xf32, #tpu.memory_space<vmem>>) target(%dma_start3A_99 : memref<10240x128xf32, #tpu.memory_space<vmem_shared>>) offsets(%dma_start3A_96 : memref<128xi32, #tpu.memory_space<vmem>>) semaphore(%arg13 : memref<!tpu.dma_semaphore, #tpu.memory_space<semaphore_mem>>) {add = true}
      %dma_wait3A_100 = arith.constant 0 : i32
      %dma_wait3A_101 = tpu.memref_slice %arg7[%add3A_85, %dma_wait3A_100] : memref<40x128xi32, #tpu.memory_space<vmem>> -> memref<1x128xi32, #tpu.memory_space<vmem>>
      %dma_wait3A_102 = tpu.memref_squeeze %dma_wait3A_101 : memref<1x128xi32, #tpu.memory_space<vmem>> -> memref<128xi32, #tpu.memory_space<vmem>>
      %dma_wait3A_103 = arith.constant 0 : i32
      %dma_wait3A_104 = arith.constant 0 : i32
      %dma_wait3A_105 = tpu.memref_slice %arg2[%dma_wait3A_103, %dma_wait3A_104] : memref<20480x128xf32, #tpu.memory_space<hbm>> -> memref<20480x128xf32, #tpu.memory_space<hbm>>
      tpu.wait_indirect_dma semaphore(%arg12 : memref<!tpu.dma_semaphore, #tpu.memory_space<semaphore_mem>>) src(%dma_wait3A_105 : memref<20480x128xf32, #tpu.memory_space<hbm>>) dst(%arg10 : memref<128x128xf32, #tpu.memory_space<vmem>>)
      %add3A_106 = arith.constant 40 : i32
      %add3A_107 = arith.addi %add3A_106, %add3A_85 : i32
      %dma_start3A_108 = arith.constant 0 : i32
      %dma_start3A_109 = tpu.memref_slice %arg8[%add3A_107, %dma_start3A_108] : memref<80x128xi32, #tpu.memory_space<vmem>> -> memref<1x128xi32, #tpu.memory_space<vmem>>
      %dma_start3A_110 = tpu.memref_squeeze %dma_start3A_109 : memref<1x128xi32, #tpu.memory_space<vmem>> -> memref<128xi32, #tpu.memory_space<vmem>>
      %dma_start3A_111 = arith.constant 0 : i32
      %dma_start3A_112 = arith.constant 0 : i32
      %dma_start3A_113 = tpu.memref_slice %arg15[%dma_start3A_111, %dma_start3A_112] : memref<10240x128xf32, #tpu.memory_space<vmem_shared>> -> memref<10240x128xf32, #tpu.memory_space<vmem_shared>>
      tpu.enqueue_indirect_dma source(%arg10 : memref<128x128xf32, #tpu.memory_space<vmem>>) target(%dma_start3A_113 : memref<10240x128xf32, #tpu.memory_space<vmem_shared>>) offsets(%dma_start3A_110 : memref<128xi32, #tpu.memory_space<vmem>>) semaphore(%arg14 : memref<!tpu.dma_semaphore, #tpu.memory_space<semaphore_mem>>) {add = true}
      %add3A_114 = arith.constant 1 : i32
      %add3A_115 = arith.addi %scan3A_79, %add3A_114 : i32
      %lt3A = arith.constant 20 : i32
      %lt3A_116 = arith.cmpi slt, %add3A_115, %lt3A : i32
      %convert_element_type3A = arith.extui %lt3A_116 : i1 to i32
      %cond3A = arith.constant 0 : i32
      %cond3A_117 = arith.cmpi ne, %convert_element_type3A, %cond3A : i32
      scf.if %cond3A_117 {
        %add3A_118 = arith.constant 40 : i32
        %add3A_119 = arith.addi %add3A_118, %mul3A_81 : i32
        %dma_wait3A_120 = arith.constant 0 : i32
        %dma_wait3A_121 = tpu.memref_slice %arg8[%add3A_119, %dma_wait3A_120] : memref<80x128xi32, #tpu.memory_space<vmem>> -> memref<1x128xi32, #tpu.memory_space<vmem>>
        %dma_wait3A_122 = tpu.memref_squeeze %dma_wait3A_121 : memref<1x128xi32, #tpu.memory_space<vmem>> -> memref<128xi32, #tpu.memory_space<vmem>>
        %dma_wait3A_123 = arith.constant 0 : i32
        %dma_wait3A_124 = arith.constant 0 : i32
        %dma_wait3A_125 = tpu.memref_slice %arg15[%dma_wait3A_123, %dma_wait3A_124] : memref<10240x128xf32, #tpu.memory_space<vmem_shared>> -> memref<10240x128xf32, #tpu.memory_space<vmem_shared>>
        tpu.wait_indirect_dma semaphore(%arg13 : memref<!tpu.dma_semaphore, #tpu.memory_space<semaphore_mem>>) src(%arg9 : memref<128x128xf32, #tpu.memory_space<vmem>>) dst(%dma_wait3A_125 : memref<10240x128xf32, #tpu.memory_space<vmem_shared>>)
        %add3A_126 = arith.constant 2 : i32
        %add3A_127 = arith.addi %mul3A_81, %add3A_126 : i32
        %dma_start3A_128 = arith.constant 0 : i32
        %dma_start3A_129 = tpu.memref_slice %arg7[%add3A_127, %dma_start3A_128] : memref<40x128xi32, #tpu.memory_space<vmem>> -> memref<1x128xi32, #tpu.memory_space<vmem>>
        %dma_start3A_130 = tpu.memref_squeeze %dma_start3A_129 : memref<1x128xi32, #tpu.memory_space<vmem>> -> memref<128xi32, #tpu.memory_space<vmem>>
        %dma_start3A_131 = arith.constant 0 : i32
        %dma_start3A_132 = arith.constant 0 : i32
        %dma_start3A_133 = tpu.memref_slice %arg2[%dma_start3A_131, %dma_start3A_132] : memref<20480x128xf32, #tpu.memory_space<hbm>> -> memref<20480x128xf32, #tpu.memory_space<hbm>>
        tpu.enqueue_indirect_dma source(%dma_start3A_133 : memref<20480x128xf32, #tpu.memory_space<hbm>>) target(%arg9 : memref<128x128xf32, #tpu.memory_space<vmem>>) offsets(%dma_start3A_130 : memref<128xi32, #tpu.memory_space<vmem>>) semaphore(%arg11 : memref<!tpu.dma_semaphore, #tpu.memory_space<semaphore_mem>>)
        %add3A_134 = arith.constant 40 : i32
        %add3A_135 = arith.addi %add3A_134, %add3A_85 : i32
        %dma_wait3A_136 = arith.constant 0 : i32
        %dma_wait3A_137 = tpu.memref_slice %arg8[%add3A_135, %dma_wait3A_136] : memref<80x128xi32, #tpu.memory_space<vmem>> -> memref<1x128xi32, #tpu.memory_space<vmem>>
        %dma_wait3A_138 = tpu.memref_squeeze %dma_wait3A_137 : memref<1x128xi32, #tpu.memory_space<vmem>> -> memref<128xi32, #tpu.memory_space<vmem>>
        %dma_wait3A_139 = arith.constant 0 : i32
        %dma_wait3A_140 = arith.constant 0 : i32
        %dma_wait3A_141 = tpu.memref_slice %arg15[%dma_wait3A_139, %dma_wait3A_140] : memref<10240x128xf32, #tpu.memory_space<vmem_shared>> -> memref<10240x128xf32, #tpu.memory_space<vmem_shared>>
        tpu.wait_indirect_dma semaphore(%arg14 : memref<!tpu.dma_semaphore, #tpu.memory_space<semaphore_mem>>) src(%arg10 : memref<128x128xf32, #tpu.memory_space<vmem>>) dst(%dma_wait3A_141 : memref<10240x128xf32, #tpu.memory_space<vmem_shared>>)
        %add3A_142 = arith.constant 2 : i32
        %add3A_143 = arith.addi %add3A_85, %add3A_142 : i32
        %dma_start3A_144 = arith.constant 0 : i32
        %dma_start3A_145 = tpu.memref_slice %arg7[%add3A_143, %dma_start3A_144] : memref<40x128xi32, #tpu.memory_space<vmem>> -> memref<1x128xi32, #tpu.memory_space<vmem>>
        %dma_start3A_146 = tpu.memref_squeeze %dma_start3A_145 : memref<1x128xi32, #tpu.memory_space<vmem>> -> memref<128xi32, #tpu.memory_space<vmem>>
        %dma_start3A_147 = arith.constant 0 : i32
        %dma_start3A_148 = arith.constant 0 : i32
        %dma_start3A_149 = tpu.memref_slice %arg2[%dma_start3A_147, %dma_start3A_148] : memref<20480x128xf32, #tpu.memory_space<hbm>> -> memref<20480x128xf32, #tpu.memory_space<hbm>>
        tpu.enqueue_indirect_dma source(%dma_start3A_149 : memref<20480x128xf32, #tpu.memory_space<hbm>>) target(%arg10 : memref<128x128xf32, #tpu.memory_space<vmem>>) offsets(%dma_start3A_146 : memref<128xi32, #tpu.memory_space<vmem>>) semaphore(%arg12 : memref<!tpu.dma_semaphore, #tpu.memory_space<semaphore_mem>>)
      } else {
      }
    }
    %scan3A_60 = arith.constant 20 : i32
    %dma_wait3A_61 = arith.constant 78 : i32
    %dma_wait3A_62 = arith.constant 0 : i32
    %dma_wait3A_63 = tpu.memref_slice %arg8[%dma_wait3A_61, %dma_wait3A_62] : memref<80x128xi32, #tpu.memory_space<vmem>> -> memref<1x128xi32, #tpu.memory_space<vmem>>
    %dma_wait3A_64 = tpu.memref_squeeze %dma_wait3A_63 : memref<1x128xi32, #tpu.memory_space<vmem>> -> memref<128xi32, #tpu.memory_space<vmem>>
    %dma_wait3A_65 = arith.constant 0 : i32
    %dma_wait3A_66 = arith.constant 0 : i32
    %dma_wait3A_67 = tpu.memref_slice %arg15[%dma_wait3A_65, %dma_wait3A_66] : memref<10240x128xf32, #tpu.memory_space<vmem_shared>> -> memref<10240x128xf32, #tpu.memory_space<vmem_shared>>
    tpu.wait_indirect_dma semaphore(%arg13 : memref<!tpu.dma_semaphore, #tpu.memory_space<semaphore_mem>>) src(%arg9 : memref<128x128xf32, #tpu.memory_space<vmem>>) dst(%dma_wait3A_67 : memref<10240x128xf32, #tpu.memory_space<vmem_shared>>)
    %dma_wait3A_68 = arith.constant 79 : i32
    %dma_wait3A_69 = arith.constant 0 : i32
    %dma_wait3A_70 = tpu.memref_slice %arg8[%dma_wait3A_68, %dma_wait3A_69] : memref<80x128xi32, #tpu.memory_space<vmem>> -> memref<1x128xi32, #tpu.memory_space<vmem>>
    %dma_wait3A_71 = tpu.memref_squeeze %dma_wait3A_70 : memref<1x128xi32, #tpu.memory_space<vmem>> -> memref<128xi32, #tpu.memory_space<vmem>>
    %dma_wait3A_72 = arith.constant 0 : i32
    %dma_wait3A_73 = arith.constant 0 : i32
    %dma_wait3A_74 = tpu.memref_slice %arg15[%dma_wait3A_72, %dma_wait3A_73] : memref<10240x128xf32, #tpu.memory_space<vmem_shared>> -> memref<10240x128xf32, #tpu.memory_space<vmem_shared>>
    tpu.wait_indirect_dma semaphore(%arg14 : memref<!tpu.dma_semaphore, #tpu.memory_space<semaphore_mem>>) src(%arg10 : memref<128x128xf32, #tpu.memory_space<vmem>>) dst(%dma_wait3A_74 : memref<10240x128xf32, #tpu.memory_space<vmem_shared>>)
    %barrier3A_75 = arith.constant 0 : index
    tpu.barrier barrier_id(%barrier3A_75)
    %mul3A_76 = arith.constant 10240 : i32
    %mul3A_77 = arith.muli %arg0, %mul3A_76 : i32
    %add3A_78 = arith.addi %mul3A_77, %mul3A_0 : i32
    "tpu.region"() ({
      %run_scoped3A = tpu.sem_alloc : memref<!tpu.dma_semaphore, #tpu.memory_space<semaphore_mem>>
      %dma_start3A_79 = arith.constant 0 : i32
      %dma_start3A_80 = tpu.memref_slice %arg6[%add3A_78, %dma_start3A_79] : memref<20480x128xf32, #tpu.memory_space<hbm>> -> memref<640x128xf32, #tpu.memory_space<hbm>>
      %dma_start3A_81 = arith.constant 0 : i32
      %dma_start3A_82 = tpu.memref_slice %arg15[%mul3A_0, %dma_start3A_81] : memref<10240x128xf32, #tpu.memory_space<vmem_shared>> -> memref<640x128xf32, #tpu.memory_space<vmem_shared>>
      tpu.enqueue_dma source(%dma_start3A_82 : memref<640x128xf32, #tpu.memory_space<vmem_shared>>) target(%dma_start3A_80 : memref<640x128xf32, #tpu.memory_space<hbm>>) target_semaphore(%run_scoped3A : memref<!tpu.dma_semaphore, #tpu.memory_space<semaphore_mem>>)
      %dma_wait3A_83 = arith.constant 0 : i32
      %dma_wait3A_84 = tpu.memref_slice %arg6[%add3A_78, %dma_wait3A_83] : memref<20480x128xf32, #tpu.memory_space<hbm>> -> memref<640x128xf32, #tpu.memory_space<hbm>>
      %dma_wait3A_85 = arith.constant 0 : i32
      %dma_wait3A_86 = tpu.memref_slice %arg15[%mul3A_0, %dma_wait3A_85] : memref<10240x128xf32, #tpu.memory_space<vmem_shared>> -> memref<640x128xf32, #tpu.memory_space<vmem_shared>>
      tpu.wait_dma2 semaphore(%run_scoped3A : memref<!tpu.dma_semaphore, #tpu.memory_space<semaphore_mem>>) src(%dma_wait3A_86 : memref<640x128xf32, #tpu.memory_space<vmem_shared>>) dst(%dma_wait3A_84 : memref<640x128xf32, #tpu.memory_space<hbm>>)
      tpu.yield
    }) : () -> ()
    return
  }
}

#map = affine_map<(d0, d1) -> (0, 0)>
#map1 = affine_map<(d0, d1) -> (0, 0, 0)>
module attributes {stable_mosaic.version = 14 : i64} {
  func.func @_sc_agg_body(%arg0: i32, %arg1: i32, %arg2: memref<20480x128xf32, #tpu.memory_space<hbm>>, %arg3: memref<2x1280x128xi32, #tpu.memory_space<hbm>>, %arg4: memref<1280x128xi32, #tpu.memory_space<hbm>>, %arg5: memref<640x128xf32, #tpu.memory_space<hbm>>, %arg6: memref<20480x128xf32, #tpu.memory_space<hbm>>, %arg7: memref<40x128xi32, #tpu.memory_space<vmem>>, %arg8: memref<80x128xi32, #tpu.memory_space<vmem>>, %arg9: memref<128x128xf32, #tpu.memory_space<vmem>>, %arg10: memref<128x128xf32, #tpu.memory_space<vmem>>, %arg11: memref<!tpu.dma_semaphore, #tpu.memory_space<semaphore_mem>>, %arg12: memref<!tpu.dma_semaphore, #tpu.memory_space<semaphore_mem>>, %arg13: memref<!tpu.dma_semaphore, #tpu.memory_space<semaphore_mem>>, %arg14: memref<!tpu.dma_semaphore, #tpu.memory_space<semaphore_mem>>, %arg15: memref<10240x128xf32, #tpu.memory_space<vmem_shared>>) attributes {dimension_semantics = [#tpu.dimension_semantics<core_parallel>, #tpu.dimension_semantics<subcore_parallel>], iteration_bounds = array<i64: 2, 16>, scalar_prefetch = 0 : i64, scratch_operands = 9 : i64, tpu.core_type = #tpu.core_type<sc_vector_subcore>, window_params = [{transform_indices = #map}, {transform_indices = #map1}, {transform_indices = #map}, {transform_indices = #map}, {transform_indices = #map}]} {
    %mul3A = arith.constant 640 : i32
    %mul3A_0 = arith.muli %arg1, %mul3A : i32
    "tpu.region"() ({
      %run_scoped3A = tpu.sem_alloc : memref<!tpu.dma_semaphore, #tpu.memory_space<semaphore_mem>>
      %dma_start3A_79 = arith.constant 0 : i32
      %dma_start3A_80 = tpu.memref_slice %arg15[%mul3A_0, %dma_start3A_79] : memref<10240x128xf32, #tpu.memory_space<vmem_shared>> -> memref<640x128xf32, #tpu.memory_space<vmem_shared>>
      tpu.enqueue_dma source(%arg5 : memref<640x128xf32, #tpu.memory_space<hbm>>) target(%dma_start3A_80 : memref<640x128xf32, #tpu.memory_space<vmem_shared>>) target_semaphore(%run_scoped3A : memref<!tpu.dma_semaphore, #tpu.memory_space<semaphore_mem>>)
      %dma_wait3A_81 = arith.constant 0 : i32
      %dma_wait3A_82 = tpu.memref_slice %arg15[%mul3A_0, %dma_wait3A_81] : memref<10240x128xf32, #tpu.memory_space<vmem_shared>> -> memref<640x128xf32, #tpu.memory_space<vmem_shared>>
      tpu.wait_dma2 semaphore(%run_scoped3A : memref<!tpu.dma_semaphore, #tpu.memory_space<semaphore_mem>>) src(%arg5 : memref<640x128xf32, #tpu.memory_space<hbm>>) dst(%dma_wait3A_82 : memref<640x128xf32, #tpu.memory_space<vmem_shared>>)
      tpu.yield
    }) : () -> ()
    %mul3A_1 = arith.constant 80 : i32
    %mul3A_2 = arith.muli %arg1, %mul3A_1 : i32
    "tpu.region"() ({
      %run_scoped3A = tpu.sem_alloc : memref<!tpu.dma_semaphore, #tpu.memory_space<semaphore_mem>>
      %dma_start3A_79 = arith.constant 0 : i32
      %dma_start3A_80 = tpu.memref_slice %arg4[%mul3A_2, %dma_start3A_79] : memref<1280x128xi32, #tpu.memory_space<hbm>> -> memref<80x128xi32, #tpu.memory_space<hbm>>
      %dma_start3A_81 = arith.constant 0 : i32
      %dma_start3A_82 = tpu.memref_slice %arg4[%mul3A_2, %dma_start3A_81] : memref<1280x128xi32, #tpu.memory_space<hbm>> -> memref<80x128xi32, #tpu.memory_space<hbm>>
      tpu.enqueue_dma source(%dma_start3A_82 : memref<80x128xi32, #tpu.memory_space<hbm>>) target(%arg8 : memref<80x128xi32, #tpu.memory_space<vmem>>) target_semaphore(%run_scoped3A : memref<!tpu.dma_semaphore, #tpu.memory_space<semaphore_mem>>)
      %dma_wait3A_83 = arith.constant 0 : i32
      %dma_wait3A_84 = tpu.memref_slice %arg4[%mul3A_2, %dma_wait3A_83] : memref<1280x128xi32, #tpu.memory_space<hbm>> -> memref<80x128xi32, #tpu.memory_space<hbm>>
      %dma_wait3A_85 = arith.constant 0 : i32
      %dma_wait3A_86 = tpu.memref_slice %arg4[%mul3A_2, %dma_wait3A_85] : memref<1280x128xi32, #tpu.memory_space<hbm>> -> memref<80x128xi32, #tpu.memory_space<hbm>>
      tpu.wait_dma2 semaphore(%run_scoped3A : memref<!tpu.dma_semaphore, #tpu.memory_space<semaphore_mem>>) src(%dma_wait3A_86 : memref<80x128xi32, #tpu.memory_space<hbm>>) dst(%arg8 : memref<80x128xi32, #tpu.memory_space<vmem>>)
      tpu.yield
    }) : () -> ()
    %barrier3A = arith.constant 0 : index
    tpu.barrier barrier_id(%barrier3A)
    %mul3A_3 = arith.constant 80 : i32
    %mul3A_4 = arith.muli %arg1, %mul3A_3 : i32
    %add3A = arith.constant 0 : i32
    %add3A_5 = arith.addi %mul3A_4, %add3A : i32
    "tpu.region"() ({
      %run_scoped3A = tpu.sem_alloc : memref<!tpu.dma_semaphore, #tpu.memory_space<semaphore_mem>>
      %dma_start3A_79 = arith.constant 0 : i32
      %dma_start3A_80 = tpu.memref_slice %arg3[%arg0, %add3A_5, %dma_start3A_79] : memref<2x1280x128xi32, #tpu.memory_space<hbm>> -> memref<1x40x128xi32, #tpu.memory_space<hbm>>
      %dma_start3A_81 = tpu.memref_squeeze %dma_start3A_80 : memref<1x40x128xi32, #tpu.memory_space<hbm>> -> memref<40x128xi32, #tpu.memory_space<hbm>>
      %dma_start3A_82 = arith.constant 0 : i32
      %dma_start3A_83 = tpu.memref_slice %arg3[%arg0, %add3A_5, %dma_start3A_82] : memref<2x1280x128xi32, #tpu.memory_space<hbm>> -> memref<1x40x128xi32, #tpu.memory_space<hbm>>
      %dma_start3A_84 = tpu.memref_squeeze %dma_start3A_83 : memref<1x40x128xi32, #tpu.memory_space<hbm>> -> memref<40x128xi32, #tpu.memory_space<hbm>>
      tpu.enqueue_dma source(%dma_start3A_84 : memref<40x128xi32, #tpu.memory_space<hbm>>) target(%arg7 : memref<40x128xi32, #tpu.memory_space<vmem>>) target_semaphore(%run_scoped3A : memref<!tpu.dma_semaphore, #tpu.memory_space<semaphore_mem>>)
      %dma_wait3A_85 = arith.constant 0 : i32
      %dma_wait3A_86 = tpu.memref_slice %arg3[%arg0, %add3A_5, %dma_wait3A_85] : memref<2x1280x128xi32, #tpu.memory_space<hbm>> -> memref<1x40x128xi32, #tpu.memory_space<hbm>>
      %dma_wait3A_87 = tpu.memref_squeeze %dma_wait3A_86 : memref<1x40x128xi32, #tpu.memory_space<hbm>> -> memref<40x128xi32, #tpu.memory_space<hbm>>
      %dma_wait3A_88 = arith.constant 0 : i32
      %dma_wait3A_89 = tpu.memref_slice %arg3[%arg0, %add3A_5, %dma_wait3A_88] : memref<2x1280x128xi32, #tpu.memory_space<hbm>> -> memref<1x40x128xi32, #tpu.memory_space<hbm>>
      %dma_wait3A_90 = tpu.memref_squeeze %dma_wait3A_89 : memref<1x40x128xi32, #tpu.memory_space<hbm>> -> memref<40x128xi32, #tpu.memory_space<hbm>>
      tpu.wait_dma2 semaphore(%run_scoped3A : memref<!tpu.dma_semaphore, #tpu.memory_space<semaphore_mem>>) src(%dma_wait3A_90 : memref<40x128xi32, #tpu.memory_space<hbm>>) dst(%arg7 : memref<40x128xi32, #tpu.memory_space<vmem>>)
      tpu.yield
    }) : () -> ()
    %dma_start3A = arith.constant 0 : i32
    %dma_start3A_6 = arith.constant 0 : i32
    %dma_start3A_7 = tpu.memref_slice %arg7[%dma_start3A, %dma_start3A_6] : memref<40x128xi32, #tpu.memory_space<vmem>> -> memref<1x128xi32, #tpu.memory_space<vmem>>
    %dma_start3A_8 = tpu.memref_squeeze %dma_start3A_7 : memref<1x128xi32, #tpu.memory_space<vmem>> -> memref<128xi32, #tpu.memory_space<vmem>>
    %dma_start3A_9 = arith.constant 0 : i32
    %dma_start3A_10 = arith.constant 0 : i32
    %dma_start3A_11 = tpu.memref_slice %arg2[%dma_start3A_9, %dma_start3A_10] : memref<20480x128xf32, #tpu.memory_space<hbm>> -> memref<20480x128xf32, #tpu.memory_space<hbm>>
    tpu.enqueue_indirect_dma source(%dma_start3A_11 : memref<20480x128xf32, #tpu.memory_space<hbm>>) target(%arg9 : memref<128x128xf32, #tpu.memory_space<vmem>>) offsets(%dma_start3A_8 : memref<128xi32, #tpu.memory_space<vmem>>) semaphore(%arg11 : memref<!tpu.dma_semaphore, #tpu.memory_space<semaphore_mem>>)
    %dma_start3A_12 = arith.constant 1 : i32
    %dma_start3A_13 = arith.constant 0 : i32
    %dma_start3A_14 = tpu.memref_slice %arg7[%dma_start3A_12, %dma_start3A_13] : memref<40x128xi32, #tpu.memory_space<vmem>> -> memref<1x128xi32, #tpu.memory_space<vmem>>
    %dma_start3A_15 = tpu.memref_squeeze %dma_start3A_14 : memref<1x128xi32, #tpu.memory_space<vmem>> -> memref<128xi32, #tpu.memory_space<vmem>>
    %dma_start3A_16 = arith.constant 0 : i32
    %dma_start3A_17 = arith.constant 0 : i32
    %dma_start3A_18 = tpu.memref_slice %arg2[%dma_start3A_16, %dma_start3A_17] : memref<20480x128xf32, #tpu.memory_space<hbm>> -> memref<20480x128xf32, #tpu.memory_space<hbm>>
    tpu.enqueue_indirect_dma source(%dma_start3A_18 : memref<20480x128xf32, #tpu.memory_space<hbm>>) target(%arg10 : memref<128x128xf32, #tpu.memory_space<vmem>>) offsets(%dma_start3A_15 : memref<128xi32, #tpu.memory_space<vmem>>) semaphore(%arg12 : memref<!tpu.dma_semaphore, #tpu.memory_space<semaphore_mem>>)
    %scan3A = arith.constant 0 : i32
    %scan3A_19 = arith.constant 0 : i32
    %scan3A_20 = arith.constant 20 : i32
    %scan3A_21 = arith.addi %scan3A_19, %scan3A_20 : i32
    %scan3A_22 = arith.constant 1 : i32
    scf.for %scan3A_79 = %scan3A_19 to %scan3A_21 step %scan3A_22  : i32 {
      %mul3A_80 = arith.constant 2 : i32
      %mul3A_81 = arith.muli %mul3A_80, %scan3A_79 : i32
      %mul3A_82 = arith.constant 2 : i32
      %mul3A_83 = arith.muli %mul3A_82, %scan3A_79 : i32
      %add3A_84 = arith.constant 1 : i32
      %add3A_85 = arith.addi %mul3A_83, %add3A_84 : i32
      %dma_wait3A_86 = arith.constant 0 : i32
      %dma_wait3A_87 = tpu.memref_slice %arg7[%mul3A_81, %dma_wait3A_86] : memref<40x128xi32, #tpu.memory_space<vmem>> -> memref<1x128xi32, #tpu.memory_space<vmem>>
      %dma_wait3A_88 = tpu.memref_squeeze %dma_wait3A_87 : memref<1x128xi32, #tpu.memory_space<vmem>> -> memref<128xi32, #tpu.memory_space<vmem>>
      %dma_wait3A_89 = arith.constant 0 : i32
      %dma_wait3A_90 = arith.constant 0 : i32
      %dma_wait3A_91 = tpu.memref_slice %arg2[%dma_wait3A_89, %dma_wait3A_90] : memref<20480x128xf32, #tpu.memory_space<hbm>> -> memref<20480x128xf32, #tpu.memory_space<hbm>>
      tpu.wait_indirect_dma semaphore(%arg11 : memref<!tpu.dma_semaphore, #tpu.memory_space<semaphore_mem>>) src(%dma_wait3A_91 : memref<20480x128xf32, #tpu.memory_space<hbm>>) dst(%arg9 : memref<128x128xf32, #tpu.memory_space<vmem>>)
      %add3A_92 = arith.constant 0 : i32
      %add3A_93 = arith.addi %add3A_92, %mul3A_81 : i32
      %dma_start3A_94 = arith.constant 0 : i32
      %dma_start3A_95 = tpu.memref_slice %arg8[%add3A_93, %dma_start3A_94] : memref<80x128xi32, #tpu.memory_space<vmem>> -> memref<1x128xi32, #tpu.memory_space<vmem>>
      %dma_start3A_96 = tpu.memref_squeeze %dma_start3A_95 : memref<1x128xi32, #tpu.memory_space<vmem>> -> memref<128xi32, #tpu.memory_space<vmem>>
      %dma_start3A_97 = arith.constant 0 : i32
      %dma_start3A_98 = arith.constant 0 : i32
      %dma_start3A_99 = tpu.memref_slice %arg15[%dma_start3A_97, %dma_start3A_98] : memref<10240x128xf32, #tpu.memory_space<vmem_shared>> -> memref<10240x128xf32, #tpu.memory_space<vmem_shared>>
      tpu.enqueue_indirect_dma source(%arg9 : memref<128x128xf32, #tpu.memory_space<vmem>>) target(%dma_start3A_99 : memref<10240x128xf32, #tpu.memory_space<vmem_shared>>) offsets(%dma_start3A_96 : memref<128xi32, #tpu.memory_space<vmem>>) semaphore(%arg13 : memref<!tpu.dma_semaphore, #tpu.memory_space<semaphore_mem>>) {add = true}
      %dma_wait3A_100 = arith.constant 0 : i32
      %dma_wait3A_101 = tpu.memref_slice %arg7[%add3A_85, %dma_wait3A_100] : memref<40x128xi32, #tpu.memory_space<vmem>> -> memref<1x128xi32, #tpu.memory_space<vmem>>
      %dma_wait3A_102 = tpu.memref_squeeze %dma_wait3A_101 : memref<1x128xi32, #tpu.memory_space<vmem>> -> memref<128xi32, #tpu.memory_space<vmem>>
      %dma_wait3A_103 = arith.constant 0 : i32
      %dma_wait3A_104 = arith.constant 0 : i32
      %dma_wait3A_105 = tpu.memref_slice %arg2[%dma_wait3A_103, %dma_wait3A_104] : memref<20480x128xf32, #tpu.memory_space<hbm>> -> memref<20480x128xf32, #tpu.memory_space<hbm>>
      tpu.wait_indirect_dma semaphore(%arg12 : memref<!tpu.dma_semaphore, #tpu.memory_space<semaphore_mem>>) src(%dma_wait3A_105 : memref<20480x128xf32, #tpu.memory_space<hbm>>) dst(%arg10 : memref<128x128xf32, #tpu.memory_space<vmem>>)
      %add3A_106 = arith.constant 0 : i32
      %add3A_107 = arith.addi %add3A_106, %add3A_85 : i32
      %dma_start3A_108 = arith.constant 0 : i32
      %dma_start3A_109 = tpu.memref_slice %arg8[%add3A_107, %dma_start3A_108] : memref<80x128xi32, #tpu.memory_space<vmem>> -> memref<1x128xi32, #tpu.memory_space<vmem>>
      %dma_start3A_110 = tpu.memref_squeeze %dma_start3A_109 : memref<1x128xi32, #tpu.memory_space<vmem>> -> memref<128xi32, #tpu.memory_space<vmem>>
      %dma_start3A_111 = arith.constant 0 : i32
      %dma_start3A_112 = arith.constant 0 : i32
      %dma_start3A_113 = tpu.memref_slice %arg15[%dma_start3A_111, %dma_start3A_112] : memref<10240x128xf32, #tpu.memory_space<vmem_shared>> -> memref<10240x128xf32, #tpu.memory_space<vmem_shared>>
      tpu.enqueue_indirect_dma source(%arg10 : memref<128x128xf32, #tpu.memory_space<vmem>>) target(%dma_start3A_113 : memref<10240x128xf32, #tpu.memory_space<vmem_shared>>) offsets(%dma_start3A_110 : memref<128xi32, #tpu.memory_space<vmem>>) semaphore(%arg14 : memref<!tpu.dma_semaphore, #tpu.memory_space<semaphore_mem>>) {add = true}
      %add3A_114 = arith.constant 1 : i32
      %add3A_115 = arith.addi %scan3A_79, %add3A_114 : i32
      %lt3A = arith.constant 20 : i32
      %lt3A_116 = arith.cmpi slt, %add3A_115, %lt3A : i32
      %convert_element_type3A = arith.extui %lt3A_116 : i1 to i32
      %cond3A = arith.constant 0 : i32
      %cond3A_117 = arith.cmpi ne, %convert_element_type3A, %cond3A : i32
      scf.if %cond3A_117 {
        %add3A_118 = arith.constant 0 : i32
        %add3A_119 = arith.addi %add3A_118, %mul3A_81 : i32
        %dma_wait3A_120 = arith.constant 0 : i32
        %dma_wait3A_121 = tpu.memref_slice %arg8[%add3A_119, %dma_wait3A_120] : memref<80x128xi32, #tpu.memory_space<vmem>> -> memref<1x128xi32, #tpu.memory_space<vmem>>
        %dma_wait3A_122 = tpu.memref_squeeze %dma_wait3A_121 : memref<1x128xi32, #tpu.memory_space<vmem>> -> memref<128xi32, #tpu.memory_space<vmem>>
        %dma_wait3A_123 = arith.constant 0 : i32
        %dma_wait3A_124 = arith.constant 0 : i32
        %dma_wait3A_125 = tpu.memref_slice %arg15[%dma_wait3A_123, %dma_wait3A_124] : memref<10240x128xf32, #tpu.memory_space<vmem_shared>> -> memref<10240x128xf32, #tpu.memory_space<vmem_shared>>
        tpu.wait_indirect_dma semaphore(%arg13 : memref<!tpu.dma_semaphore, #tpu.memory_space<semaphore_mem>>) src(%arg9 : memref<128x128xf32, #tpu.memory_space<vmem>>) dst(%dma_wait3A_125 : memref<10240x128xf32, #tpu.memory_space<vmem_shared>>)
        %add3A_126 = arith.constant 2 : i32
        %add3A_127 = arith.addi %mul3A_81, %add3A_126 : i32
        %dma_start3A_128 = arith.constant 0 : i32
        %dma_start3A_129 = tpu.memref_slice %arg7[%add3A_127, %dma_start3A_128] : memref<40x128xi32, #tpu.memory_space<vmem>> -> memref<1x128xi32, #tpu.memory_space<vmem>>
        %dma_start3A_130 = tpu.memref_squeeze %dma_start3A_129 : memref<1x128xi32, #tpu.memory_space<vmem>> -> memref<128xi32, #tpu.memory_space<vmem>>
        %dma_start3A_131 = arith.constant 0 : i32
        %dma_start3A_132 = arith.constant 0 : i32
        %dma_start3A_133 = tpu.memref_slice %arg2[%dma_start3A_131, %dma_start3A_132] : memref<20480x128xf32, #tpu.memory_space<hbm>> -> memref<20480x128xf32, #tpu.memory_space<hbm>>
        tpu.enqueue_indirect_dma source(%dma_start3A_133 : memref<20480x128xf32, #tpu.memory_space<hbm>>) target(%arg9 : memref<128x128xf32, #tpu.memory_space<vmem>>) offsets(%dma_start3A_130 : memref<128xi32, #tpu.memory_space<vmem>>) semaphore(%arg11 : memref<!tpu.dma_semaphore, #tpu.memory_space<semaphore_mem>>)
        %add3A_134 = arith.constant 0 : i32
        %add3A_135 = arith.addi %add3A_134, %add3A_85 : i32
        %dma_wait3A_136 = arith.constant 0 : i32
        %dma_wait3A_137 = tpu.memref_slice %arg8[%add3A_135, %dma_wait3A_136] : memref<80x128xi32, #tpu.memory_space<vmem>> -> memref<1x128xi32, #tpu.memory_space<vmem>>
        %dma_wait3A_138 = tpu.memref_squeeze %dma_wait3A_137 : memref<1x128xi32, #tpu.memory_space<vmem>> -> memref<128xi32, #tpu.memory_space<vmem>>
        %dma_wait3A_139 = arith.constant 0 : i32
        %dma_wait3A_140 = arith.constant 0 : i32
        %dma_wait3A_141 = tpu.memref_slice %arg15[%dma_wait3A_139, %dma_wait3A_140] : memref<10240x128xf32, #tpu.memory_space<vmem_shared>> -> memref<10240x128xf32, #tpu.memory_space<vmem_shared>>
        tpu.wait_indirect_dma semaphore(%arg14 : memref<!tpu.dma_semaphore, #tpu.memory_space<semaphore_mem>>) src(%arg10 : memref<128x128xf32, #tpu.memory_space<vmem>>) dst(%dma_wait3A_141 : memref<10240x128xf32, #tpu.memory_space<vmem_shared>>)
        %add3A_142 = arith.constant 2 : i32
        %add3A_143 = arith.addi %add3A_85, %add3A_142 : i32
        %dma_start3A_144 = arith.constant 0 : i32
        %dma_start3A_145 = tpu.memref_slice %arg7[%add3A_143, %dma_start3A_144] : memref<40x128xi32, #tpu.memory_space<vmem>> -> memref<1x128xi32, #tpu.memory_space<vmem>>
        %dma_start3A_146 = tpu.memref_squeeze %dma_start3A_145 : memref<1x128xi32, #tpu.memory_space<vmem>> -> memref<128xi32, #tpu.memory_space<vmem>>
        %dma_start3A_147 = arith.constant 0 : i32
        %dma_start3A_148 = arith.constant 0 : i32
        %dma_start3A_149 = tpu.memref_slice %arg2[%dma_start3A_147, %dma_start3A_148] : memref<20480x128xf32, #tpu.memory_space<hbm>> -> memref<20480x128xf32, #tpu.memory_space<hbm>>
        tpu.enqueue_indirect_dma source(%dma_start3A_149 : memref<20480x128xf32, #tpu.memory_space<hbm>>) target(%arg10 : memref<128x128xf32, #tpu.memory_space<vmem>>) offsets(%dma_start3A_146 : memref<128xi32, #tpu.memory_space<vmem>>) semaphore(%arg12 : memref<!tpu.dma_semaphore, #tpu.memory_space<semaphore_mem>>)
      } else {
      }
    }
    %scan3A_23 = arith.constant 20 : i32
    %mul3A_24 = arith.constant 80 : i32
    %mul3A_25 = arith.muli %arg1, %mul3A_24 : i32
    %add3A_26 = arith.constant 40 : i32
    %add3A_27 = arith.addi %mul3A_25, %add3A_26 : i32
    "tpu.region"() ({
      %run_scoped3A = tpu.sem_alloc : memref<!tpu.dma_semaphore, #tpu.memory_space<semaphore_mem>>
      %dma_start3A_79 = arith.constant 0 : i32
      %dma_start3A_80 = tpu.memref_slice %arg3[%arg0, %add3A_27, %dma_start3A_79] : memref<2x1280x128xi32, #tpu.memory_space<hbm>> -> memref<1x40x128xi32, #tpu.memory_space<hbm>>
      %dma_start3A_81 = tpu.memref_squeeze %dma_start3A_80 : memref<1x40x128xi32, #tpu.memory_space<hbm>> -> memref<40x128xi32, #tpu.memory_space<hbm>>
      %dma_start3A_82 = arith.constant 0 : i32
      %dma_start3A_83 = tpu.memref_slice %arg3[%arg0, %add3A_27, %dma_start3A_82] : memref<2x1280x128xi32, #tpu.memory_space<hbm>> -> memref<1x40x128xi32, #tpu.memory_space<hbm>>
      %dma_start3A_84 = tpu.memref_squeeze %dma_start3A_83 : memref<1x40x128xi32, #tpu.memory_space<hbm>> -> memref<40x128xi32, #tpu.memory_space<hbm>>
      tpu.enqueue_dma source(%dma_start3A_84 : memref<40x128xi32, #tpu.memory_space<hbm>>) target(%arg7 : memref<40x128xi32, #tpu.memory_space<vmem>>) target_semaphore(%run_scoped3A : memref<!tpu.dma_semaphore, #tpu.memory_space<semaphore_mem>>)
      %dma_wait3A_85 = arith.constant 0 : i32
      %dma_wait3A_86 = tpu.memref_slice %arg3[%arg0, %add3A_27, %dma_wait3A_85] : memref<2x1280x128xi32, #tpu.memory_space<hbm>> -> memref<1x40x128xi32, #tpu.memory_space<hbm>>
      %dma_wait3A_87 = tpu.memref_squeeze %dma_wait3A_86 : memref<1x40x128xi32, #tpu.memory_space<hbm>> -> memref<40x128xi32, #tpu.memory_space<hbm>>
      %dma_wait3A_88 = arith.constant 0 : i32
      %dma_wait3A_89 = tpu.memref_slice %arg3[%arg0, %add3A_27, %dma_wait3A_88] : memref<2x1280x128xi32, #tpu.memory_space<hbm>> -> memref<1x40x128xi32, #tpu.memory_space<hbm>>
      %dma_wait3A_90 = tpu.memref_squeeze %dma_wait3A_89 : memref<1x40x128xi32, #tpu.memory_space<hbm>> -> memref<40x128xi32, #tpu.memory_space<hbm>>
      tpu.wait_dma2 semaphore(%run_scoped3A : memref<!tpu.dma_semaphore, #tpu.memory_space<semaphore_mem>>) src(%dma_wait3A_90 : memref<40x128xi32, #tpu.memory_space<hbm>>) dst(%arg7 : memref<40x128xi32, #tpu.memory_space<vmem>>)
      tpu.yield
    }) : () -> ()
    %dma_wait3A = arith.constant 0 : i32
    %dma_wait3A_28 = arith.constant 0 : i32
    %dma_wait3A_29 = tpu.memref_slice %arg8[%dma_wait3A, %dma_wait3A_28] : memref<80x128xi32, #tpu.memory_space<vmem>> -> memref<1x128xi32, #tpu.memory_space<vmem>>
    %dma_wait3A_30 = tpu.memref_squeeze %dma_wait3A_29 : memref<1x128xi32, #tpu.memory_space<vmem>> -> memref<128xi32, #tpu.memory_space<vmem>>
    %dma_wait3A_31 = arith.constant 0 : i32
    %dma_wait3A_32 = arith.constant 0 : i32
    %dma_wait3A_33 = tpu.memref_slice %arg15[%dma_wait3A_31, %dma_wait3A_32] : memref<10240x128xf32, #tpu.memory_space<vmem_shared>> -> memref<10240x128xf32, #tpu.memory_space<vmem_shared>>
    tpu.wait_indirect_dma semaphore(%arg13 : memref<!tpu.dma_semaphore, #tpu.memory_space<semaphore_mem>>) src(%arg9 : memref<128x128xf32, #tpu.memory_space<vmem>>) dst(%dma_wait3A_33 : memref<10240x128xf32, #tpu.memory_space<vmem_shared>>)
    %dma_wait3A_34 = arith.constant 0 : i32
    %dma_wait3A_35 = arith.constant 0 : i32
    %dma_wait3A_36 = tpu.memref_slice %arg8[%dma_wait3A_34, %dma_wait3A_35] : memref<80x128xi32, #tpu.memory_space<vmem>> -> memref<1x128xi32, #tpu.memory_space<vmem>>
    %dma_wait3A_37 = tpu.memref_squeeze %dma_wait3A_36 : memref<1x128xi32, #tpu.memory_space<vmem>> -> memref<128xi32, #tpu.memory_space<vmem>>
    %dma_wait3A_38 = arith.constant 0 : i32
    %dma_wait3A_39 = arith.constant 0 : i32
    %dma_wait3A_40 = tpu.memref_slice %arg15[%dma_wait3A_38, %dma_wait3A_39] : memref<10240x128xf32, #tpu.memory_space<vmem_shared>> -> memref<10240x128xf32, #tpu.memory_space<vmem_shared>>
    tpu.wait_indirect_dma semaphore(%arg14 : memref<!tpu.dma_semaphore, #tpu.memory_space<semaphore_mem>>) src(%arg10 : memref<128x128xf32, #tpu.memory_space<vmem>>) dst(%dma_wait3A_40 : memref<10240x128xf32, #tpu.memory_space<vmem_shared>>)
    %dma_start3A_41 = arith.constant 0 : i32
    %dma_start3A_42 = arith.constant 0 : i32
    %dma_start3A_43 = tpu.memref_slice %arg7[%dma_start3A_41, %dma_start3A_42] : memref<40x128xi32, #tpu.memory_space<vmem>> -> memref<1x128xi32, #tpu.memory_space<vmem>>
    %dma_start3A_44 = tpu.memref_squeeze %dma_start3A_43 : memref<1x128xi32, #tpu.memory_space<vmem>> -> memref<128xi32, #tpu.memory_space<vmem>>
    %dma_start3A_45 = arith.constant 0 : i32
    %dma_start3A_46 = arith.constant 0 : i32
    %dma_start3A_47 = tpu.memref_slice %arg2[%dma_start3A_45, %dma_start3A_46] : memref<20480x128xf32, #tpu.memory_space<hbm>> -> memref<20480x128xf32, #tpu.memory_space<hbm>>
    tpu.enqueue_indirect_dma source(%dma_start3A_47 : memref<20480x128xf32, #tpu.memory_space<hbm>>) target(%arg9 : memref<128x128xf32, #tpu.memory_space<vmem>>) offsets(%dma_start3A_44 : memref<128xi32, #tpu.memory_space<vmem>>) semaphore(%arg11 : memref<!tpu.dma_semaphore, #tpu.memory_space<semaphore_mem>>)
    %dma_start3A_48 = arith.constant 1 : i32
    %dma_start3A_49 = arith.constant 0 : i32
    %dma_start3A_50 = tpu.memref_slice %arg7[%dma_start3A_48, %dma_start3A_49] : memref<40x128xi32, #tpu.memory_space<vmem>> -> memref<1x128xi32, #tpu.memory_space<vmem>>
    %dma_start3A_51 = tpu.memref_squeeze %dma_start3A_50 : memref<1x128xi32, #tpu.memory_space<vmem>> -> memref<128xi32, #tpu.memory_space<vmem>>
    %dma_start3A_52 = arith.constant 0 : i32
    %dma_start3A_53 = arith.constant 0 : i32
    %dma_start3A_54 = tpu.memref_slice %arg2[%dma_start3A_52, %dma_start3A_53] : memref<20480x128xf32, #tpu.memory_space<hbm>> -> memref<20480x128xf32, #tpu.memory_space<hbm>>
    tpu.enqueue_indirect_dma source(%dma_start3A_54 : memref<20480x128xf32, #tpu.memory_space<hbm>>) target(%arg10 : memref<128x128xf32, #tpu.memory_space<vmem>>) offsets(%dma_start3A_51 : memref<128xi32, #tpu.memory_space<vmem>>) semaphore(%arg12 : memref<!tpu.dma_semaphore, #tpu.memory_space<semaphore_mem>>)
    %scan3A_55 = arith.constant 0 : i32
    %scan3A_56 = arith.constant 0 : i32
    %scan3A_57 = arith.constant 20 : i32
    %scan3A_58 = arith.addi %scan3A_56, %scan3A_57 : i32
    %scan3A_59 = arith.constant 1 : i32
    scf.for %scan3A_79 = %scan3A_56 to %scan3A_58 step %scan3A_59  : i32 {
      %mul3A_80 = arith.constant 2 : i32
      %mul3A_81 = arith.muli %mul3A_80, %scan3A_79 : i32
      %mul3A_82 = arith.constant 2 : i32
      %mul3A_83 = arith.muli %mul3A_82, %scan3A_79 : i32
      %add3A_84 = arith.constant 1 : i32
      %add3A_85 = arith.addi %mul3A_83, %add3A_84 : i32
      %dma_wait3A_86 = arith.constant 0 : i32
      %dma_wait3A_87 = tpu.memref_slice %arg7[%mul3A_81, %dma_wait3A_86] : memref<40x128xi32, #tpu.memory_space<vmem>> -> memref<1x128xi32, #tpu.memory_space<vmem>>
      %dma_wait3A_88 = tpu.memref_squeeze %dma_wait3A_87 : memref<1x128xi32, #tpu.memory_space<vmem>> -> memref<128xi32, #tpu.memory_space<vmem>>
      %dma_wait3A_89 = arith.constant 0 : i32
      %dma_wait3A_90 = arith.constant 0 : i32
      %dma_wait3A_91 = tpu.memref_slice %arg2[%dma_wait3A_89, %dma_wait3A_90] : memref<20480x128xf32, #tpu.memory_space<hbm>> -> memref<20480x128xf32, #tpu.memory_space<hbm>>
      tpu.wait_indirect_dma semaphore(%arg11 : memref<!tpu.dma_semaphore, #tpu.memory_space<semaphore_mem>>) src(%dma_wait3A_91 : memref<20480x128xf32, #tpu.memory_space<hbm>>) dst(%arg9 : memref<128x128xf32, #tpu.memory_space<vmem>>)
      %add3A_92 = arith.constant 40 : i32
      %add3A_93 = arith.addi %add3A_92, %mul3A_81 : i32
      %dma_start3A_94 = arith.constant 0 : i32
      %dma_start3A_95 = tpu.memref_slice %arg8[%add3A_93, %dma_start3A_94] : memref<80x128xi32, #tpu.memory_space<vmem>> -> memref<1x128xi32, #tpu.memory_space<vmem>>
      %dma_start3A_96 = tpu.memref_squeeze %dma_start3A_95 : memref<1x128xi32, #tpu.memory_space<vmem>> -> memref<128xi32, #tpu.memory_space<vmem>>
      %dma_start3A_97 = arith.constant 0 : i32
      %dma_start3A_98 = arith.constant 0 : i32
      %dma_start3A_99 = tpu.memref_slice %arg15[%dma_start3A_97, %dma_start3A_98] : memref<10240x128xf32, #tpu.memory_space<vmem_shared>> -> memref<10240x128xf32, #tpu.memory_space<vmem_shared>>
      tpu.enqueue_indirect_dma source(%arg9 : memref<128x128xf32, #tpu.memory_space<vmem>>) target(%dma_start3A_99 : memref<10240x128xf32, #tpu.memory_space<vmem_shared>>) offsets(%dma_start3A_96 : memref<128xi32, #tpu.memory_space<vmem>>) semaphore(%arg13 : memref<!tpu.dma_semaphore, #tpu.memory_space<semaphore_mem>>) {add = true}
      %dma_wait3A_100 = arith.constant 0 : i32
      %dma_wait3A_101 = tpu.memref_slice %arg7[%add3A_85, %dma_wait3A_100] : memref<40x128xi32, #tpu.memory_space<vmem>> -> memref<1x128xi32, #tpu.memory_space<vmem>>
      %dma_wait3A_102 = tpu.memref_squeeze %dma_wait3A_101 : memref<1x128xi32, #tpu.memory_space<vmem>> -> memref<128xi32, #tpu.memory_space<vmem>>
      %dma_wait3A_103 = arith.constant 0 : i32
      %dma_wait3A_104 = arith.constant 0 : i32
      %dma_wait3A_105 = tpu.memref_slice %arg2[%dma_wait3A_103, %dma_wait3A_104] : memref<20480x128xf32, #tpu.memory_space<hbm>> -> memref<20480x128xf32, #tpu.memory_space<hbm>>
      tpu.wait_indirect_dma semaphore(%arg12 : memref<!tpu.dma_semaphore, #tpu.memory_space<semaphore_mem>>) src(%dma_wait3A_105 : memref<20480x128xf32, #tpu.memory_space<hbm>>) dst(%arg10 : memref<128x128xf32, #tpu.memory_space<vmem>>)
      %add3A_106 = arith.constant 40 : i32
      %add3A_107 = arith.addi %add3A_106, %add3A_85 : i32
      %dma_start3A_108 = arith.constant 0 : i32
      %dma_start3A_109 = tpu.memref_slice %arg8[%add3A_107, %dma_start3A_108] : memref<80x128xi32, #tpu.memory_space<vmem>> -> memref<1x128xi32, #tpu.memory_space<vmem>>
      %dma_start3A_110 = tpu.memref_squeeze %dma_start3A_109 : memref<1x128xi32, #tpu.memory_space<vmem>> -> memref<128xi32, #tpu.memory_space<vmem>>
      %dma_start3A_111 = arith.constant 0 : i32
      %dma_start3A_112 = arith.constant 0 : i32
      %dma_start3A_113 = tpu.memref_slice %arg15[%dma_start3A_111, %dma_start3A_112] : memref<10240x128xf32, #tpu.memory_space<vmem_shared>> -> memref<10240x128xf32, #tpu.memory_space<vmem_shared>>
      tpu.enqueue_indirect_dma source(%arg10 : memref<128x128xf32, #tpu.memory_space<vmem>>) target(%dma_start3A_113 : memref<10240x128xf32, #tpu.memory_space<vmem_shared>>) offsets(%dma_start3A_110 : memref<128xi32, #tpu.memory_space<vmem>>) semaphore(%arg14 : memref<!tpu.dma_semaphore, #tpu.memory_space<semaphore_mem>>) {add = true}
      %add3A_114 = arith.constant 1 : i32
      %add3A_115 = arith.addi %scan3A_79, %add3A_114 : i32
      %lt3A = arith.constant 20 : i32
      %lt3A_116 = arith.cmpi slt, %add3A_115, %lt3A : i32
      %convert_element_type3A = arith.extui %lt3A_116 : i1 to i32
      %cond3A = arith.constant 0 : i32
      %cond3A_117 = arith.cmpi ne, %convert_element_type3A, %cond3A : i32
      scf.if %cond3A_117 {
        %add3A_118 = arith.constant 40 : i32
        %add3A_119 = arith.addi %add3A_118, %mul3A_81 : i32
        %dma_wait3A_120 = arith.constant 0 : i32
        %dma_wait3A_121 = tpu.memref_slice %arg8[%add3A_119, %dma_wait3A_120] : memref<80x128xi32, #tpu.memory_space<vmem>> -> memref<1x128xi32, #tpu.memory_space<vmem>>
        %dma_wait3A_122 = tpu.memref_squeeze %dma_wait3A_121 : memref<1x128xi32, #tpu.memory_space<vmem>> -> memref<128xi32, #tpu.memory_space<vmem>>
        %dma_wait3A_123 = arith.constant 0 : i32
        %dma_wait3A_124 = arith.constant 0 : i32
        %dma_wait3A_125 = tpu.memref_slice %arg15[%dma_wait3A_123, %dma_wait3A_124] : memref<10240x128xf32, #tpu.memory_space<vmem_shared>> -> memref<10240x128xf32, #tpu.memory_space<vmem_shared>>
        tpu.wait_indirect_dma semaphore(%arg13 : memref<!tpu.dma_semaphore, #tpu.memory_space<semaphore_mem>>) src(%arg9 : memref<128x128xf32, #tpu.memory_space<vmem>>) dst(%dma_wait3A_125 : memref<10240x128xf32, #tpu.memory_space<vmem_shared>>)
        %add3A_126 = arith.constant 2 : i32
        %add3A_127 = arith.addi %mul3A_81, %add3A_126 : i32
        %dma_start3A_128 = arith.constant 0 : i32
        %dma_start3A_129 = tpu.memref_slice %arg7[%add3A_127, %dma_start3A_128] : memref<40x128xi32, #tpu.memory_space<vmem>> -> memref<1x128xi32, #tpu.memory_space<vmem>>
        %dma_start3A_130 = tpu.memref_squeeze %dma_start3A_129 : memref<1x128xi32, #tpu.memory_space<vmem>> -> memref<128xi32, #tpu.memory_space<vmem>>
        %dma_start3A_131 = arith.constant 0 : i32
        %dma_start3A_132 = arith.constant 0 : i32
        %dma_start3A_133 = tpu.memref_slice %arg2[%dma_start3A_131, %dma_start3A_132] : memref<20480x128xf32, #tpu.memory_space<hbm>> -> memref<20480x128xf32, #tpu.memory_space<hbm>>
        tpu.enqueue_indirect_dma source(%dma_start3A_133 : memref<20480x128xf32, #tpu.memory_space<hbm>>) target(%arg9 : memref<128x128xf32, #tpu.memory_space<vmem>>) offsets(%dma_start3A_130 : memref<128xi32, #tpu.memory_space<vmem>>) semaphore(%arg11 : memref<!tpu.dma_semaphore, #tpu.memory_space<semaphore_mem>>)
        %add3A_134 = arith.constant 40 : i32
        %add3A_135 = arith.addi %add3A_134, %add3A_85 : i32
        %dma_wait3A_136 = arith.constant 0 : i32
        %dma_wait3A_137 = tpu.memref_slice %arg8[%add3A_135, %dma_wait3A_136] : memref<80x128xi32, #tpu.memory_space<vmem>> -> memref<1x128xi32, #tpu.memory_space<vmem>>
        %dma_wait3A_138 = tpu.memref_squeeze %dma_wait3A_137 : memref<1x128xi32, #tpu.memory_space<vmem>> -> memref<128xi32, #tpu.memory_space<vmem>>
        %dma_wait3A_139 = arith.constant 0 : i32
        %dma_wait3A_140 = arith.constant 0 : i32
        %dma_wait3A_141 = tpu.memref_slice %arg15[%dma_wait3A_139, %dma_wait3A_140] : memref<10240x128xf32, #tpu.memory_space<vmem_shared>> -> memref<10240x128xf32, #tpu.memory_space<vmem_shared>>
        tpu.wait_indirect_dma semaphore(%arg14 : memref<!tpu.dma_semaphore, #tpu.memory_space<semaphore_mem>>) src(%arg10 : memref<128x128xf32, #tpu.memory_space<vmem>>) dst(%dma_wait3A_141 : memref<10240x128xf32, #tpu.memory_space<vmem_shared>>)
        %add3A_142 = arith.constant 2 : i32
        %add3A_143 = arith.addi %add3A_85, %add3A_142 : i32
        %dma_start3A_144 = arith.constant 0 : i32
        %dma_start3A_145 = tpu.memref_slice %arg7[%add3A_143, %dma_start3A_144] : memref<40x128xi32, #tpu.memory_space<vmem>> -> memref<1x128xi32, #tpu.memory_space<vmem>>
        %dma_start3A_146 = tpu.memref_squeeze %dma_start3A_145 : memref<1x128xi32, #tpu.memory_space<vmem>> -> memref<128xi32, #tpu.memory_space<vmem>>
        %dma_start3A_147 = arith.constant 0 : i32
        %dma_start3A_148 = arith.constant 0 : i32
        %dma_start3A_149 = tpu.memref_slice %arg2[%dma_start3A_147, %dma_start3A_148] : memref<20480x128xf32, #tpu.memory_space<hbm>> -> memref<20480x128xf32, #tpu.memory_space<hbm>>
        tpu.enqueue_indirect_dma source(%dma_start3A_149 : memref<20480x128xf32, #tpu.memory_space<hbm>>) target(%arg10 : memref<128x128xf32, #tpu.memory_space<vmem>>) offsets(%dma_start3A_146 : memref<128xi32, #tpu.memory_space<vmem>>) semaphore(%arg12 : memref<!tpu.dma_semaphore, #tpu.memory_space<semaphore_mem>>)
      } else {
      }
    }
    %scan3A_60 = arith.constant 20 : i32
    %dma_wait3A_61 = arith.constant 78 : i32
    %dma_wait3A_62 = arith.constant 0 : i32
    %dma_wait3A_63 = tpu.memref_slice %arg8[%dma_wait3A_61, %dma_wait3A_62] : memref<80x128xi32, #tpu.memory_space<vmem>> -> memref<1x128xi32, #tpu.memory_space<vmem>>
    %dma_wait3A_64 = tpu.memref_squeeze %dma_wait3A_63 : memref<1x128xi32, #tpu.memory_space<vmem>> -> memref<128xi32, #tpu.memory_space<vmem>>
    %dma_wait3A_65 = arith.constant 0 : i32
    %dma_wait3A_66 = arith.constant 0 : i32
    %dma_wait3A_67 = tpu.memref_slice %arg15[%dma_wait3A_65, %dma_wait3A_66] : memref<10240x128xf32, #tpu.memory_space<vmem_shared>> -> memref<10240x128xf32, #tpu.memory_space<vmem_shared>>
    tpu.wait_indirect_dma semaphore(%arg13 : memref<!tpu.dma_semaphore, #tpu.memory_space<semaphore_mem>>) src(%arg9 : memref<128x128xf32, #tpu.memory_space<vmem>>) dst(%dma_wait3A_67 : memref<10240x128xf32, #tpu.memory_space<vmem_shared>>)
    %dma_wait3A_68 = arith.constant 79 : i32
    %dma_wait3A_69 = arith.constant 0 : i32
    %dma_wait3A_70 = tpu.memref_slice %arg8[%dma_wait3A_68, %dma_wait3A_69] : memref<80x128xi32, #tpu.memory_space<vmem>> -> memref<1x128xi32, #tpu.memory_space<vmem>>
    %dma_wait3A_71 = tpu.memref_squeeze %dma_wait3A_70 : memref<1x128xi32, #tpu.memory_space<vmem>> -> memref<128xi32, #tpu.memory_space<vmem>>
    %dma_wait3A_72 = arith.constant 0 : i32
    %dma_wait3A_73 = arith.constant 0 : i32
    %dma_wait3A_74 = tpu.memref_slice %arg15[%dma_wait3A_72, %dma_wait3A_73] : memref<10240x128xf32, #tpu.memory_space<vmem_shared>> -> memref<10240x128xf32, #tpu.memory_space<vmem_shared>>
    tpu.wait_indirect_dma semaphore(%arg14 : memref<!tpu.dma_semaphore, #tpu.memory_space<semaphore_mem>>) src(%arg10 : memref<128x128xf32, #tpu.memory_space<vmem>>) dst(%dma_wait3A_74 : memref<10240x128xf32, #tpu.memory_space<vmem_shared>>)
    %barrier3A_75 = arith.constant 0 : index
    tpu.barrier barrier_id(%barrier3A_75)
    %mul3A_76 = arith.constant 10240 : i32
    %mul3A_77 = arith.muli %arg0, %mul3A_76 : i32
    %add3A_78 = arith.addi %mul3A_77, %mul3A_0 : i32
    "tpu.region"() ({
      %run_scoped3A = tpu.sem_alloc : memref<!tpu.dma_semaphore, #tpu.memory_space<semaphore_mem>>
      %dma_start3A_79 = arith.constant 0 : i32
      %dma_start3A_80 = tpu.memref_slice %arg6[%add3A_78, %dma_start3A_79] : memref<20480x128xf32, #tpu.memory_space<hbm>> -> memref<640x128xf32, #tpu.memory_space<hbm>>
      %dma_start3A_81 = arith.constant 0 : i32
      %dma_start3A_82 = tpu.memref_slice %arg15[%mul3A_0, %dma_start3A_81] : memref<10240x128xf32, #tpu.memory_space<vmem_shared>> -> memref<640x128xf32, #tpu.memory_space<vmem_shared>>
      tpu.enqueue_dma source(%dma_start3A_82 : memref<640x128xf32, #tpu.memory_space<vmem_shared>>) target(%dma_start3A_80 : memref<640x128xf32, #tpu.memory_space<hbm>>) target_semaphore(%run_scoped3A : memref<!tpu.dma_semaphore, #tpu.memory_space<semaphore_mem>>)
      %dma_wait3A_83 = arith.constant 0 : i32
      %dma_wait3A_84 = tpu.memref_slice %arg6[%add3A_78, %dma_wait3A_83] : memref<20480x128xf32, #tpu.memory_space<hbm>> -> memref<640x128xf32, #tpu.memory_space<hbm>>
      %dma_wait3A_85 = arith.constant 0 : i32
      %dma_wait3A_86 = tpu.memref_slice %arg15[%mul3A_0, %dma_wait3A_85] : memref<10240x128xf32, #tpu.memory_space<vmem_shared>> -> memref<640x128xf32, #tpu.memory_space<vmem_shared>>
      tpu.wait_dma2 semaphore(%run_scoped3A : memref<!tpu.dma_semaphore, #tpu.memory_space<semaphore_mem>>) src(%dma_wait3A_86 : memref<640x128xf32, #tpu.memory_space<vmem_shared>>) dst(%dma_wait3A_84 : memref<640x128xf32, #tpu.memory_space<hbm>>)
      tpu.yield
    }) : () -> ()
    return
  }
}

#map = affine_map<(d0, d1) -> (0, 0)>
#map1 = affine_map<(d0, d1) -> (0, 0, 0)>
module attributes {stable_mosaic.version = 14 : i64} {
  func.func @_sc_agg_body(%arg0: i32, %arg1: i32, %arg2: memref<20480x128xf32, #tpu.memory_space<hbm>>, %arg3: memref<2x1280x128xi32, #tpu.memory_space<hbm>>, %arg4: memref<1280x128xi32, #tpu.memory_space<hbm>>, %arg5: memref<640x128xf32, #tpu.memory_space<hbm>>, %arg6: memref<20480x128xf32, #tpu.memory_space<hbm>>, %arg7: memref<40x128xi32, #tpu.memory_space<vmem>>, %arg8: memref<80x128xi32, #tpu.memory_space<vmem>>, %arg9: memref<128x128xf32, #tpu.memory_space<vmem>>, %arg10: memref<128x128xf32, #tpu.memory_space<vmem>>, %arg11: memref<!tpu.dma_semaphore, #tpu.memory_space<semaphore_mem>>, %arg12: memref<!tpu.dma_semaphore, #tpu.memory_space<semaphore_mem>>, %arg13: memref<!tpu.dma_semaphore, #tpu.memory_space<semaphore_mem>>, %arg14: memref<!tpu.dma_semaphore, #tpu.memory_space<semaphore_mem>>, %arg15: memref<10240x128xf32, #tpu.memory_space<vmem_shared>>) attributes {dimension_semantics = [#tpu.dimension_semantics<core_parallel>, #tpu.dimension_semantics<subcore_parallel>], iteration_bounds = array<i64: 2, 16>, scalar_prefetch = 0 : i64, scratch_operands = 9 : i64, tpu.core_type = #tpu.core_type<sc_vector_subcore>, window_params = [{transform_indices = #map}, {transform_indices = #map1}, {transform_indices = #map}, {transform_indices = #map}, {transform_indices = #map}]} {
    %mul3A = arith.constant 640 : i32
    %mul3A_0 = arith.muli %arg1, %mul3A : i32
    "tpu.region"() ({
      %run_scoped3A = tpu.sem_alloc : memref<!tpu.dma_semaphore, #tpu.memory_space<semaphore_mem>>
      %dma_start3A_79 = arith.constant 0 : i32
      %dma_start3A_80 = tpu.memref_slice %arg15[%mul3A_0, %dma_start3A_79] : memref<10240x128xf32, #tpu.memory_space<vmem_shared>> -> memref<640x128xf32, #tpu.memory_space<vmem_shared>>
      tpu.enqueue_dma source(%arg5 : memref<640x128xf32, #tpu.memory_space<hbm>>) target(%dma_start3A_80 : memref<640x128xf32, #tpu.memory_space<vmem_shared>>) target_semaphore(%run_scoped3A : memref<!tpu.dma_semaphore, #tpu.memory_space<semaphore_mem>>)
      %dma_wait3A_81 = arith.constant 0 : i32
      %dma_wait3A_82 = tpu.memref_slice %arg15[%mul3A_0, %dma_wait3A_81] : memref<10240x128xf32, #tpu.memory_space<vmem_shared>> -> memref<640x128xf32, #tpu.memory_space<vmem_shared>>
      tpu.wait_dma2 semaphore(%run_scoped3A : memref<!tpu.dma_semaphore, #tpu.memory_space<semaphore_mem>>) src(%arg5 : memref<640x128xf32, #tpu.memory_space<hbm>>) dst(%dma_wait3A_82 : memref<640x128xf32, #tpu.memory_space<vmem_shared>>)
      tpu.yield
    }) : () -> ()
    %mul3A_1 = arith.constant 80 : i32
    %mul3A_2 = arith.muli %arg1, %mul3A_1 : i32
    "tpu.region"() ({
      %run_scoped3A = tpu.sem_alloc : memref<!tpu.dma_semaphore, #tpu.memory_space<semaphore_mem>>
      %dma_start3A_79 = arith.constant 0 : i32
      %dma_start3A_80 = tpu.memref_slice %arg4[%mul3A_2, %dma_start3A_79] : memref<1280x128xi32, #tpu.memory_space<hbm>> -> memref<80x128xi32, #tpu.memory_space<hbm>>
      %dma_start3A_81 = arith.constant 0 : i32
      %dma_start3A_82 = tpu.memref_slice %arg4[%mul3A_2, %dma_start3A_81] : memref<1280x128xi32, #tpu.memory_space<hbm>> -> memref<80x128xi32, #tpu.memory_space<hbm>>
      tpu.enqueue_dma source(%dma_start3A_82 : memref<80x128xi32, #tpu.memory_space<hbm>>) target(%arg8 : memref<80x128xi32, #tpu.memory_space<vmem>>) target_semaphore(%run_scoped3A : memref<!tpu.dma_semaphore, #tpu.memory_space<semaphore_mem>>)
      %dma_wait3A_83 = arith.constant 0 : i32
      %dma_wait3A_84 = tpu.memref_slice %arg4[%mul3A_2, %dma_wait3A_83] : memref<1280x128xi32, #tpu.memory_space<hbm>> -> memref<80x128xi32, #tpu.memory_space<hbm>>
      %dma_wait3A_85 = arith.constant 0 : i32
      %dma_wait3A_86 = tpu.memref_slice %arg4[%mul3A_2, %dma_wait3A_85] : memref<1280x128xi32, #tpu.memory_space<hbm>> -> memref<80x128xi32, #tpu.memory_space<hbm>>
      tpu.wait_dma2 semaphore(%run_scoped3A : memref<!tpu.dma_semaphore, #tpu.memory_space<semaphore_mem>>) src(%dma_wait3A_86 : memref<80x128xi32, #tpu.memory_space<hbm>>) dst(%arg8 : memref<80x128xi32, #tpu.memory_space<vmem>>)
      tpu.yield
    }) : () -> ()
    %barrier3A = arith.constant 0 : index
    tpu.barrier barrier_id(%barrier3A)
    %mul3A_3 = arith.constant 80 : i32
    %mul3A_4 = arith.muli %arg1, %mul3A_3 : i32
    %add3A = arith.constant 0 : i32
    %add3A_5 = arith.addi %mul3A_4, %add3A : i32
    "tpu.region"() ({
      %run_scoped3A = tpu.sem_alloc : memref<!tpu.dma_semaphore, #tpu.memory_space<semaphore_mem>>
      %dma_start3A_79 = arith.constant 0 : i32
      %dma_start3A_80 = tpu.memref_slice %arg3[%arg0, %add3A_5, %dma_start3A_79] : memref<2x1280x128xi32, #tpu.memory_space<hbm>> -> memref<1x40x128xi32, #tpu.memory_space<hbm>>
      %dma_start3A_81 = tpu.memref_squeeze %dma_start3A_80 : memref<1x40x128xi32, #tpu.memory_space<hbm>> -> memref<40x128xi32, #tpu.memory_space<hbm>>
      %dma_start3A_82 = arith.constant 0 : i32
      %dma_start3A_83 = tpu.memref_slice %arg3[%arg0, %add3A_5, %dma_start3A_82] : memref<2x1280x128xi32, #tpu.memory_space<hbm>> -> memref<1x40x128xi32, #tpu.memory_space<hbm>>
      %dma_start3A_84 = tpu.memref_squeeze %dma_start3A_83 : memref<1x40x128xi32, #tpu.memory_space<hbm>> -> memref<40x128xi32, #tpu.memory_space<hbm>>
      tpu.enqueue_dma source(%dma_start3A_84 : memref<40x128xi32, #tpu.memory_space<hbm>>) target(%arg7 : memref<40x128xi32, #tpu.memory_space<vmem>>) target_semaphore(%run_scoped3A : memref<!tpu.dma_semaphore, #tpu.memory_space<semaphore_mem>>)
      %dma_wait3A_85 = arith.constant 0 : i32
      %dma_wait3A_86 = tpu.memref_slice %arg3[%arg0, %add3A_5, %dma_wait3A_85] : memref<2x1280x128xi32, #tpu.memory_space<hbm>> -> memref<1x40x128xi32, #tpu.memory_space<hbm>>
      %dma_wait3A_87 = tpu.memref_squeeze %dma_wait3A_86 : memref<1x40x128xi32, #tpu.memory_space<hbm>> -> memref<40x128xi32, #tpu.memory_space<hbm>>
      %dma_wait3A_88 = arith.constant 0 : i32
      %dma_wait3A_89 = tpu.memref_slice %arg3[%arg0, %add3A_5, %dma_wait3A_88] : memref<2x1280x128xi32, #tpu.memory_space<hbm>> -> memref<1x40x128xi32, #tpu.memory_space<hbm>>
      %dma_wait3A_90 = tpu.memref_squeeze %dma_wait3A_89 : memref<1x40x128xi32, #tpu.memory_space<hbm>> -> memref<40x128xi32, #tpu.memory_space<hbm>>
      tpu.wait_dma2 semaphore(%run_scoped3A : memref<!tpu.dma_semaphore, #tpu.memory_space<semaphore_mem>>) src(%dma_wait3A_90 : memref<40x128xi32, #tpu.memory_space<hbm>>) dst(%arg7 : memref<40x128xi32, #tpu.memory_space<vmem>>)
      tpu.yield
    }) : () -> ()
    %dma_start3A = arith.constant 0 : i32
    %dma_start3A_6 = arith.constant 0 : i32
    %dma_start3A_7 = tpu.memref_slice %arg7[%dma_start3A, %dma_start3A_6] : memref<40x128xi32, #tpu.memory_space<vmem>> -> memref<1x128xi32, #tpu.memory_space<vmem>>
    %dma_start3A_8 = tpu.memref_squeeze %dma_start3A_7 : memref<1x128xi32, #tpu.memory_space<vmem>> -> memref<128xi32, #tpu.memory_space<vmem>>
    %dma_start3A_9 = arith.constant 0 : i32
    %dma_start3A_10 = arith.constant 0 : i32
    %dma_start3A_11 = tpu.memref_slice %arg2[%dma_start3A_9, %dma_start3A_10] : memref<20480x128xf32, #tpu.memory_space<hbm>> -> memref<20480x128xf32, #tpu.memory_space<hbm>>
    tpu.enqueue_indirect_dma source(%dma_start3A_11 : memref<20480x128xf32, #tpu.memory_space<hbm>>) target(%arg9 : memref<128x128xf32, #tpu.memory_space<vmem>>) offsets(%dma_start3A_8 : memref<128xi32, #tpu.memory_space<vmem>>) semaphore(%arg11 : memref<!tpu.dma_semaphore, #tpu.memory_space<semaphore_mem>>)
    %dma_start3A_12 = arith.constant 1 : i32
    %dma_start3A_13 = arith.constant 0 : i32
    %dma_start3A_14 = tpu.memref_slice %arg7[%dma_start3A_12, %dma_start3A_13] : memref<40x128xi32, #tpu.memory_space<vmem>> -> memref<1x128xi32, #tpu.memory_space<vmem>>
    %dma_start3A_15 = tpu.memref_squeeze %dma_start3A_14 : memref<1x128xi32, #tpu.memory_space<vmem>> -> memref<128xi32, #tpu.memory_space<vmem>>
    %dma_start3A_16 = arith.constant 0 : i32
    %dma_start3A_17 = arith.constant 0 : i32
    %dma_start3A_18 = tpu.memref_slice %arg2[%dma_start3A_16, %dma_start3A_17] : memref<20480x128xf32, #tpu.memory_space<hbm>> -> memref<20480x128xf32, #tpu.memory_space<hbm>>
    tpu.enqueue_indirect_dma source(%dma_start3A_18 : memref<20480x128xf32, #tpu.memory_space<hbm>>) target(%arg10 : memref<128x128xf32, #tpu.memory_space<vmem>>) offsets(%dma_start3A_15 : memref<128xi32, #tpu.memory_space<vmem>>) semaphore(%arg12 : memref<!tpu.dma_semaphore, #tpu.memory_space<semaphore_mem>>)
    %scan3A = arith.constant 0 : i32
    %scan3A_19 = arith.constant 0 : i32
    %scan3A_20 = arith.constant 20 : i32
    %scan3A_21 = arith.addi %scan3A_19, %scan3A_20 : i32
    %scan3A_22 = arith.constant 1 : i32
    scf.for %scan3A_79 = %scan3A_19 to %scan3A_21 step %scan3A_22  : i32 {
      %mul3A_80 = arith.constant 2 : i32
      %mul3A_81 = arith.muli %mul3A_80, %scan3A_79 : i32
      %mul3A_82 = arith.constant 2 : i32
      %mul3A_83 = arith.muli %mul3A_82, %scan3A_79 : i32
      %add3A_84 = arith.constant 1 : i32
      %add3A_85 = arith.addi %mul3A_83, %add3A_84 : i32
      %dma_wait3A_86 = arith.constant 0 : i32
      %dma_wait3A_87 = tpu.memref_slice %arg7[%mul3A_81, %dma_wait3A_86] : memref<40x128xi32, #tpu.memory_space<vmem>> -> memref<1x128xi32, #tpu.memory_space<vmem>>
      %dma_wait3A_88 = tpu.memref_squeeze %dma_wait3A_87 : memref<1x128xi32, #tpu.memory_space<vmem>> -> memref<128xi32, #tpu.memory_space<vmem>>
      %dma_wait3A_89 = arith.constant 0 : i32
      %dma_wait3A_90 = arith.constant 0 : i32
      %dma_wait3A_91 = tpu.memref_slice %arg2[%dma_wait3A_89, %dma_wait3A_90] : memref<20480x128xf32, #tpu.memory_space<hbm>> -> memref<20480x128xf32, #tpu.memory_space<hbm>>
      tpu.wait_indirect_dma semaphore(%arg11 : memref<!tpu.dma_semaphore, #tpu.memory_space<semaphore_mem>>) src(%dma_wait3A_91 : memref<20480x128xf32, #tpu.memory_space<hbm>>) dst(%arg9 : memref<128x128xf32, #tpu.memory_space<vmem>>)
      %add3A_92 = arith.constant 0 : i32
      %add3A_93 = arith.addi %add3A_92, %mul3A_81 : i32
      %dma_start3A_94 = arith.constant 0 : i32
      %dma_start3A_95 = tpu.memref_slice %arg8[%add3A_93, %dma_start3A_94] : memref<80x128xi32, #tpu.memory_space<vmem>> -> memref<1x128xi32, #tpu.memory_space<vmem>>
      %dma_start3A_96 = tpu.memref_squeeze %dma_start3A_95 : memref<1x128xi32, #tpu.memory_space<vmem>> -> memref<128xi32, #tpu.memory_space<vmem>>
      %dma_start3A_97 = arith.constant 0 : i32
      %dma_start3A_98 = arith.constant 0 : i32
      %dma_start3A_99 = tpu.memref_slice %arg15[%dma_start3A_97, %dma_start3A_98] : memref<10240x128xf32, #tpu.memory_space<vmem_shared>> -> memref<10240x128xf32, #tpu.memory_space<vmem_shared>>
      tpu.enqueue_indirect_dma source(%arg9 : memref<128x128xf32, #tpu.memory_space<vmem>>) target(%dma_start3A_99 : memref<10240x128xf32, #tpu.memory_space<vmem_shared>>) offsets(%dma_start3A_96 : memref<128xi32, #tpu.memory_space<vmem>>) semaphore(%arg13 : memref<!tpu.dma_semaphore, #tpu.memory_space<semaphore_mem>>) {add = true}
      %dma_wait3A_100 = arith.constant 0 : i32
      %dma_wait3A_101 = tpu.memref_slice %arg7[%add3A_85, %dma_wait3A_100] : memref<40x128xi32, #tpu.memory_space<vmem>> -> memref<1x128xi32, #tpu.memory_space<vmem>>
      %dma_wait3A_102 = tpu.memref_squeeze %dma_wait3A_101 : memref<1x128xi32, #tpu.memory_space<vmem>> -> memref<128xi32, #tpu.memory_space<vmem>>
      %dma_wait3A_103 = arith.constant 0 : i32
      %dma_wait3A_104 = arith.constant 0 : i32
      %dma_wait3A_105 = tpu.memref_slice %arg2[%dma_wait3A_103, %dma_wait3A_104] : memref<20480x128xf32, #tpu.memory_space<hbm>> -> memref<20480x128xf32, #tpu.memory_space<hbm>>
      tpu.wait_indirect_dma semaphore(%arg12 : memref<!tpu.dma_semaphore, #tpu.memory_space<semaphore_mem>>) src(%dma_wait3A_105 : memref<20480x128xf32, #tpu.memory_space<hbm>>) dst(%arg10 : memref<128x128xf32, #tpu.memory_space<vmem>>)
      %add3A_106 = arith.constant 0 : i32
      %add3A_107 = arith.addi %add3A_106, %add3A_85 : i32
      %dma_start3A_108 = arith.constant 0 : i32
      %dma_start3A_109 = tpu.memref_slice %arg8[%add3A_107, %dma_start3A_108] : memref<80x128xi32, #tpu.memory_space<vmem>> -> memref<1x128xi32, #tpu.memory_space<vmem>>
      %dma_start3A_110 = tpu.memref_squeeze %dma_start3A_109 : memref<1x128xi32, #tpu.memory_space<vmem>> -> memref<128xi32, #tpu.memory_space<vmem>>
      %dma_start3A_111 = arith.constant 0 : i32
      %dma_start3A_112 = arith.constant 0 : i32
      %dma_start3A_113 = tpu.memref_slice %arg15[%dma_start3A_111, %dma_start3A_112] : memref<10240x128xf32, #tpu.memory_space<vmem_shared>> -> memref<10240x128xf32, #tpu.memory_space<vmem_shared>>
      tpu.enqueue_indirect_dma source(%arg10 : memref<128x128xf32, #tpu.memory_space<vmem>>) target(%dma_start3A_113 : memref<10240x128xf32, #tpu.memory_space<vmem_shared>>) offsets(%dma_start3A_110 : memref<128xi32, #tpu.memory_space<vmem>>) semaphore(%arg14 : memref<!tpu.dma_semaphore, #tpu.memory_space<semaphore_mem>>) {add = true}
      %add3A_114 = arith.constant 1 : i32
      %add3A_115 = arith.addi %scan3A_79, %add3A_114 : i32
      %lt3A = arith.constant 20 : i32
      %lt3A_116 = arith.cmpi slt, %add3A_115, %lt3A : i32
      %convert_element_type3A = arith.extui %lt3A_116 : i1 to i32
      %cond3A = arith.constant 0 : i32
      %cond3A_117 = arith.cmpi ne, %convert_element_type3A, %cond3A : i32
      scf.if %cond3A_117 {
        %add3A_118 = arith.constant 0 : i32
        %add3A_119 = arith.addi %add3A_118, %mul3A_81 : i32
        %dma_wait3A_120 = arith.constant 0 : i32
        %dma_wait3A_121 = tpu.memref_slice %arg8[%add3A_119, %dma_wait3A_120] : memref<80x128xi32, #tpu.memory_space<vmem>> -> memref<1x128xi32, #tpu.memory_space<vmem>>
        %dma_wait3A_122 = tpu.memref_squeeze %dma_wait3A_121 : memref<1x128xi32, #tpu.memory_space<vmem>> -> memref<128xi32, #tpu.memory_space<vmem>>
        %dma_wait3A_123 = arith.constant 0 : i32
        %dma_wait3A_124 = arith.constant 0 : i32
        %dma_wait3A_125 = tpu.memref_slice %arg15[%dma_wait3A_123, %dma_wait3A_124] : memref<10240x128xf32, #tpu.memory_space<vmem_shared>> -> memref<10240x128xf32, #tpu.memory_space<vmem_shared>>
        tpu.wait_indirect_dma semaphore(%arg13 : memref<!tpu.dma_semaphore, #tpu.memory_space<semaphore_mem>>) src(%arg9 : memref<128x128xf32, #tpu.memory_space<vmem>>) dst(%dma_wait3A_125 : memref<10240x128xf32, #tpu.memory_space<vmem_shared>>)
        %add3A_126 = arith.constant 2 : i32
        %add3A_127 = arith.addi %mul3A_81, %add3A_126 : i32
        %dma_start3A_128 = arith.constant 0 : i32
        %dma_start3A_129 = tpu.memref_slice %arg7[%add3A_127, %dma_start3A_128] : memref<40x128xi32, #tpu.memory_space<vmem>> -> memref<1x128xi32, #tpu.memory_space<vmem>>
        %dma_start3A_130 = tpu.memref_squeeze %dma_start3A_129 : memref<1x128xi32, #tpu.memory_space<vmem>> -> memref<128xi32, #tpu.memory_space<vmem>>
        %dma_start3A_131 = arith.constant 0 : i32
        %dma_start3A_132 = arith.constant 0 : i32
        %dma_start3A_133 = tpu.memref_slice %arg2[%dma_start3A_131, %dma_start3A_132] : memref<20480x128xf32, #tpu.memory_space<hbm>> -> memref<20480x128xf32, #tpu.memory_space<hbm>>
        tpu.enqueue_indirect_dma source(%dma_start3A_133 : memref<20480x128xf32, #tpu.memory_space<hbm>>) target(%arg9 : memref<128x128xf32, #tpu.memory_space<vmem>>) offsets(%dma_start3A_130 : memref<128xi32, #tpu.memory_space<vmem>>) semaphore(%arg11 : memref<!tpu.dma_semaphore, #tpu.memory_space<semaphore_mem>>)
        %add3A_134 = arith.constant 0 : i32
        %add3A_135 = arith.addi %add3A_134, %add3A_85 : i32
        %dma_wait3A_136 = arith.constant 0 : i32
        %dma_wait3A_137 = tpu.memref_slice %arg8[%add3A_135, %dma_wait3A_136] : memref<80x128xi32, #tpu.memory_space<vmem>> -> memref<1x128xi32, #tpu.memory_space<vmem>>
        %dma_wait3A_138 = tpu.memref_squeeze %dma_wait3A_137 : memref<1x128xi32, #tpu.memory_space<vmem>> -> memref<128xi32, #tpu.memory_space<vmem>>
        %dma_wait3A_139 = arith.constant 0 : i32
        %dma_wait3A_140 = arith.constant 0 : i32
        %dma_wait3A_141 = tpu.memref_slice %arg15[%dma_wait3A_139, %dma_wait3A_140] : memref<10240x128xf32, #tpu.memory_space<vmem_shared>> -> memref<10240x128xf32, #tpu.memory_space<vmem_shared>>
        tpu.wait_indirect_dma semaphore(%arg14 : memref<!tpu.dma_semaphore, #tpu.memory_space<semaphore_mem>>) src(%arg10 : memref<128x128xf32, #tpu.memory_space<vmem>>) dst(%dma_wait3A_141 : memref<10240x128xf32, #tpu.memory_space<vmem_shared>>)
        %add3A_142 = arith.constant 2 : i32
        %add3A_143 = arith.addi %add3A_85, %add3A_142 : i32
        %dma_start3A_144 = arith.constant 0 : i32
        %dma_start3A_145 = tpu.memref_slice %arg7[%add3A_143, %dma_start3A_144] : memref<40x128xi32, #tpu.memory_space<vmem>> -> memref<1x128xi32, #tpu.memory_space<vmem>>
        %dma_start3A_146 = tpu.memref_squeeze %dma_start3A_145 : memref<1x128xi32, #tpu.memory_space<vmem>> -> memref<128xi32, #tpu.memory_space<vmem>>
        %dma_start3A_147 = arith.constant 0 : i32
        %dma_start3A_148 = arith.constant 0 : i32
        %dma_start3A_149 = tpu.memref_slice %arg2[%dma_start3A_147, %dma_start3A_148] : memref<20480x128xf32, #tpu.memory_space<hbm>> -> memref<20480x128xf32, #tpu.memory_space<hbm>>
        tpu.enqueue_indirect_dma source(%dma_start3A_149 : memref<20480x128xf32, #tpu.memory_space<hbm>>) target(%arg10 : memref<128x128xf32, #tpu.memory_space<vmem>>) offsets(%dma_start3A_146 : memref<128xi32, #tpu.memory_space<vmem>>) semaphore(%arg12 : memref<!tpu.dma_semaphore, #tpu.memory_space<semaphore_mem>>)
      } else {
      }
    }
    %scan3A_23 = arith.constant 20 : i32
    %mul3A_24 = arith.constant 80 : i32
    %mul3A_25 = arith.muli %arg1, %mul3A_24 : i32
    %add3A_26 = arith.constant 40 : i32
    %add3A_27 = arith.addi %mul3A_25, %add3A_26 : i32
    "tpu.region"() ({
      %run_scoped3A = tpu.sem_alloc : memref<!tpu.dma_semaphore, #tpu.memory_space<semaphore_mem>>
      %dma_start3A_79 = arith.constant 0 : i32
      %dma_start3A_80 = tpu.memref_slice %arg3[%arg0, %add3A_27, %dma_start3A_79] : memref<2x1280x128xi32, #tpu.memory_space<hbm>> -> memref<1x40x128xi32, #tpu.memory_space<hbm>>
      %dma_start3A_81 = tpu.memref_squeeze %dma_start3A_80 : memref<1x40x128xi32, #tpu.memory_space<hbm>> -> memref<40x128xi32, #tpu.memory_space<hbm>>
      %dma_start3A_82 = arith.constant 0 : i32
      %dma_start3A_83 = tpu.memref_slice %arg3[%arg0, %add3A_27, %dma_start3A_82] : memref<2x1280x128xi32, #tpu.memory_space<hbm>> -> memref<1x40x128xi32, #tpu.memory_space<hbm>>
      %dma_start3A_84 = tpu.memref_squeeze %dma_start3A_83 : memref<1x40x128xi32, #tpu.memory_space<hbm>> -> memref<40x128xi32, #tpu.memory_space<hbm>>
      tpu.enqueue_dma source(%dma_start3A_84 : memref<40x128xi32, #tpu.memory_space<hbm>>) target(%arg7 : memref<40x128xi32, #tpu.memory_space<vmem>>) target_semaphore(%run_scoped3A : memref<!tpu.dma_semaphore, #tpu.memory_space<semaphore_mem>>)
      %dma_wait3A_85 = arith.constant 0 : i32
      %dma_wait3A_86 = tpu.memref_slice %arg3[%arg0, %add3A_27, %dma_wait3A_85] : memref<2x1280x128xi32, #tpu.memory_space<hbm>> -> memref<1x40x128xi32, #tpu.memory_space<hbm>>
      %dma_wait3A_87 = tpu.memref_squeeze %dma_wait3A_86 : memref<1x40x128xi32, #tpu.memory_space<hbm>> -> memref<40x128xi32, #tpu.memory_space<hbm>>
      %dma_wait3A_88 = arith.constant 0 : i32
      %dma_wait3A_89 = tpu.memref_slice %arg3[%arg0, %add3A_27, %dma_wait3A_88] : memref<2x1280x128xi32, #tpu.memory_space<hbm>> -> memref<1x40x128xi32, #tpu.memory_space<hbm>>
      %dma_wait3A_90 = tpu.memref_squeeze %dma_wait3A_89 : memref<1x40x128xi32, #tpu.memory_space<hbm>> -> memref<40x128xi32, #tpu.memory_space<hbm>>
      tpu.wait_dma2 semaphore(%run_scoped3A : memref<!tpu.dma_semaphore, #tpu.memory_space<semaphore_mem>>) src(%dma_wait3A_90 : memref<40x128xi32, #tpu.memory_space<hbm>>) dst(%arg7 : memref<40x128xi32, #tpu.memory_space<vmem>>)
      tpu.yield
    }) : () -> ()
    %dma_wait3A = arith.constant 0 : i32
    %dma_wait3A_28 = arith.constant 0 : i32
    %dma_wait3A_29 = tpu.memref_slice %arg8[%dma_wait3A, %dma_wait3A_28] : memref<80x128xi32, #tpu.memory_space<vmem>> -> memref<1x128xi32, #tpu.memory_space<vmem>>
    %dma_wait3A_30 = tpu.memref_squeeze %dma_wait3A_29 : memref<1x128xi32, #tpu.memory_space<vmem>> -> memref<128xi32, #tpu.memory_space<vmem>>
    %dma_wait3A_31 = arith.constant 0 : i32
    %dma_wait3A_32 = arith.constant 0 : i32
    %dma_wait3A_33 = tpu.memref_slice %arg15[%dma_wait3A_31, %dma_wait3A_32] : memref<10240x128xf32, #tpu.memory_space<vmem_shared>> -> memref<10240x128xf32, #tpu.memory_space<vmem_shared>>
    tpu.wait_indirect_dma semaphore(%arg13 : memref<!tpu.dma_semaphore, #tpu.memory_space<semaphore_mem>>) src(%arg9 : memref<128x128xf32, #tpu.memory_space<vmem>>) dst(%dma_wait3A_33 : memref<10240x128xf32, #tpu.memory_space<vmem_shared>>)
    %dma_wait3A_34 = arith.constant 0 : i32
    %dma_wait3A_35 = arith.constant 0 : i32
    %dma_wait3A_36 = tpu.memref_slice %arg8[%dma_wait3A_34, %dma_wait3A_35] : memref<80x128xi32, #tpu.memory_space<vmem>> -> memref<1x128xi32, #tpu.memory_space<vmem>>
    %dma_wait3A_37 = tpu.memref_squeeze %dma_wait3A_36 : memref<1x128xi32, #tpu.memory_space<vmem>> -> memref<128xi32, #tpu.memory_space<vmem>>
    %dma_wait3A_38 = arith.constant 0 : i32
    %dma_wait3A_39 = arith.constant 0 : i32
    %dma_wait3A_40 = tpu.memref_slice %arg15[%dma_wait3A_38, %dma_wait3A_39] : memref<10240x128xf32, #tpu.memory_space<vmem_shared>> -> memref<10240x128xf32, #tpu.memory_space<vmem_shared>>
    tpu.wait_indirect_dma semaphore(%arg14 : memref<!tpu.dma_semaphore, #tpu.memory_space<semaphore_mem>>) src(%arg10 : memref<128x128xf32, #tpu.memory_space<vmem>>) dst(%dma_wait3A_40 : memref<10240x128xf32, #tpu.memory_space<vmem_shared>>)
    %dma_start3A_41 = arith.constant 0 : i32
    %dma_start3A_42 = arith.constant 0 : i32
    %dma_start3A_43 = tpu.memref_slice %arg7[%dma_start3A_41, %dma_start3A_42] : memref<40x128xi32, #tpu.memory_space<vmem>> -> memref<1x128xi32, #tpu.memory_space<vmem>>
    %dma_start3A_44 = tpu.memref_squeeze %dma_start3A_43 : memref<1x128xi32, #tpu.memory_space<vmem>> -> memref<128xi32, #tpu.memory_space<vmem>>
    %dma_start3A_45 = arith.constant 0 : i32
    %dma_start3A_46 = arith.constant 0 : i32
    %dma_start3A_47 = tpu.memref_slice %arg2[%dma_start3A_45, %dma_start3A_46] : memref<20480x128xf32, #tpu.memory_space<hbm>> -> memref<20480x128xf32, #tpu.memory_space<hbm>>
    tpu.enqueue_indirect_dma source(%dma_start3A_47 : memref<20480x128xf32, #tpu.memory_space<hbm>>) target(%arg9 : memref<128x128xf32, #tpu.memory_space<vmem>>) offsets(%dma_start3A_44 : memref<128xi32, #tpu.memory_space<vmem>>) semaphore(%arg11 : memref<!tpu.dma_semaphore, #tpu.memory_space<semaphore_mem>>)
    %dma_start3A_48 = arith.constant 1 : i32
    %dma_start3A_49 = arith.constant 0 : i32
    %dma_start3A_50 = tpu.memref_slice %arg7[%dma_start3A_48, %dma_start3A_49] : memref<40x128xi32, #tpu.memory_space<vmem>> -> memref<1x128xi32, #tpu.memory_space<vmem>>
    %dma_start3A_51 = tpu.memref_squeeze %dma_start3A_50 : memref<1x128xi32, #tpu.memory_space<vmem>> -> memref<128xi32, #tpu.memory_space<vmem>>
    %dma_start3A_52 = arith.constant 0 : i32
    %dma_start3A_53 = arith.constant 0 : i32
    %dma_start3A_54 = tpu.memref_slice %arg2[%dma_start3A_52, %dma_start3A_53] : memref<20480x128xf32, #tpu.memory_space<hbm>> -> memref<20480x128xf32, #tpu.memory_space<hbm>>
    tpu.enqueue_indirect_dma source(%dma_start3A_54 : memref<20480x128xf32, #tpu.memory_space<hbm>>) target(%arg10 : memref<128x128xf32, #tpu.memory_space<vmem>>) offsets(%dma_start3A_51 : memref<128xi32, #tpu.memory_space<vmem>>) semaphore(%arg12 : memref<!tpu.dma_semaphore, #tpu.memory_space<semaphore_mem>>)
    %scan3A_55 = arith.constant 0 : i32
    %scan3A_56 = arith.constant 0 : i32
    %scan3A_57 = arith.constant 20 : i32
    %scan3A_58 = arith.addi %scan3A_56, %scan3A_57 : i32
    %scan3A_59 = arith.constant 1 : i32
    scf.for %scan3A_79 = %scan3A_56 to %scan3A_58 step %scan3A_59  : i32 {
      %mul3A_80 = arith.constant 2 : i32
      %mul3A_81 = arith.muli %mul3A_80, %scan3A_79 : i32
      %mul3A_82 = arith.constant 2 : i32
      %mul3A_83 = arith.muli %mul3A_82, %scan3A_79 : i32
      %add3A_84 = arith.constant 1 : i32
      %add3A_85 = arith.addi %mul3A_83, %add3A_84 : i32
      %dma_wait3A_86 = arith.constant 0 : i32
      %dma_wait3A_87 = tpu.memref_slice %arg7[%mul3A_81, %dma_wait3A_86] : memref<40x128xi32, #tpu.memory_space<vmem>> -> memref<1x128xi32, #tpu.memory_space<vmem>>
      %dma_wait3A_88 = tpu.memref_squeeze %dma_wait3A_87 : memref<1x128xi32, #tpu.memory_space<vmem>> -> memref<128xi32, #tpu.memory_space<vmem>>
      %dma_wait3A_89 = arith.constant 0 : i32
      %dma_wait3A_90 = arith.constant 0 : i32
      %dma_wait3A_91 = tpu.memref_slice %arg2[%dma_wait3A_89, %dma_wait3A_90] : memref<20480x128xf32, #tpu.memory_space<hbm>> -> memref<20480x128xf32, #tpu.memory_space<hbm>>
      tpu.wait_indirect_dma semaphore(%arg11 : memref<!tpu.dma_semaphore, #tpu.memory_space<semaphore_mem>>) src(%dma_wait3A_91 : memref<20480x128xf32, #tpu.memory_space<hbm>>) dst(%arg9 : memref<128x128xf32, #tpu.memory_space<vmem>>)
      %add3A_92 = arith.constant 40 : i32
      %add3A_93 = arith.addi %add3A_92, %mul3A_81 : i32
      %dma_start3A_94 = arith.constant 0 : i32
      %dma_start3A_95 = tpu.memref_slice %arg8[%add3A_93, %dma_start3A_94] : memref<80x128xi32, #tpu.memory_space<vmem>> -> memref<1x128xi32, #tpu.memory_space<vmem>>
      %dma_start3A_96 = tpu.memref_squeeze %dma_start3A_95 : memref<1x128xi32, #tpu.memory_space<vmem>> -> memref<128xi32, #tpu.memory_space<vmem>>
      %dma_start3A_97 = arith.constant 0 : i32
      %dma_start3A_98 = arith.constant 0 : i32
      %dma_start3A_99 = tpu.memref_slice %arg15[%dma_start3A_97, %dma_start3A_98] : memref<10240x128xf32, #tpu.memory_space<vmem_shared>> -> memref<10240x128xf32, #tpu.memory_space<vmem_shared>>
      tpu.enqueue_indirect_dma source(%arg9 : memref<128x128xf32, #tpu.memory_space<vmem>>) target(%dma_start3A_99 : memref<10240x128xf32, #tpu.memory_space<vmem_shared>>) offsets(%dma_start3A_96 : memref<128xi32, #tpu.memory_space<vmem>>) semaphore(%arg13 : memref<!tpu.dma_semaphore, #tpu.memory_space<semaphore_mem>>) {add = true}
      %dma_wait3A_100 = arith.constant 0 : i32
      %dma_wait3A_101 = tpu.memref_slice %arg7[%add3A_85, %dma_wait3A_100] : memref<40x128xi32, #tpu.memory_space<vmem>> -> memref<1x128xi32, #tpu.memory_space<vmem>>
      %dma_wait3A_102 = tpu.memref_squeeze %dma_wait3A_101 : memref<1x128xi32, #tpu.memory_space<vmem>> -> memref<128xi32, #tpu.memory_space<vmem>>
      %dma_wait3A_103 = arith.constant 0 : i32
      %dma_wait3A_104 = arith.constant 0 : i32
      %dma_wait3A_105 = tpu.memref_slice %arg2[%dma_wait3A_103, %dma_wait3A_104] : memref<20480x128xf32, #tpu.memory_space<hbm>> -> memref<20480x128xf32, #tpu.memory_space<hbm>>
      tpu.wait_indirect_dma semaphore(%arg12 : memref<!tpu.dma_semaphore, #tpu.memory_space<semaphore_mem>>) src(%dma_wait3A_105 : memref<20480x128xf32, #tpu.memory_space<hbm>>) dst(%arg10 : memref<128x128xf32, #tpu.memory_space<vmem>>)
      %add3A_106 = arith.constant 40 : i32
      %add3A_107 = arith.addi %add3A_106, %add3A_85 : i32
      %dma_start3A_108 = arith.constant 0 : i32
      %dma_start3A_109 = tpu.memref_slice %arg8[%add3A_107, %dma_start3A_108] : memref<80x128xi32, #tpu.memory_space<vmem>> -> memref<1x128xi32, #tpu.memory_space<vmem>>
      %dma_start3A_110 = tpu.memref_squeeze %dma_start3A_109 : memref<1x128xi32, #tpu.memory_space<vmem>> -> memref<128xi32, #tpu.memory_space<vmem>>
      %dma_start3A_111 = arith.constant 0 : i32
      %dma_start3A_112 = arith.constant 0 : i32
      %dma_start3A_113 = tpu.memref_slice %arg15[%dma_start3A_111, %dma_start3A_112] : memref<10240x128xf32, #tpu.memory_space<vmem_shared>> -> memref<10240x128xf32, #tpu.memory_space<vmem_shared>>
      tpu.enqueue_indirect_dma source(%arg10 : memref<128x128xf32, #tpu.memory_space<vmem>>) target(%dma_start3A_113 : memref<10240x128xf32, #tpu.memory_space<vmem_shared>>) offsets(%dma_start3A_110 : memref<128xi32, #tpu.memory_space<vmem>>) semaphore(%arg14 : memref<!tpu.dma_semaphore, #tpu.memory_space<semaphore_mem>>) {add = true}
      %add3A_114 = arith.constant 1 : i32
      %add3A_115 = arith.addi %scan3A_79, %add3A_114 : i32
      %lt3A = arith.constant 20 : i32
      %lt3A_116 = arith.cmpi slt, %add3A_115, %lt3A : i32
      %convert_element_type3A = arith.extui %lt3A_116 : i1 to i32
      %cond3A = arith.constant 0 : i32
      %cond3A_117 = arith.cmpi ne, %convert_element_type3A, %cond3A : i32
      scf.if %cond3A_117 {
        %add3A_118 = arith.constant 40 : i32
        %add3A_119 = arith.addi %add3A_118, %mul3A_81 : i32
        %dma_wait3A_120 = arith.constant 0 : i32
        %dma_wait3A_121 = tpu.memref_slice %arg8[%add3A_119, %dma_wait3A_120] : memref<80x128xi32, #tpu.memory_space<vmem>> -> memref<1x128xi32, #tpu.memory_space<vmem>>
        %dma_wait3A_122 = tpu.memref_squeeze %dma_wait3A_121 : memref<1x128xi32, #tpu.memory_space<vmem>> -> memref<128xi32, #tpu.memory_space<vmem>>
        %dma_wait3A_123 = arith.constant 0 : i32
        %dma_wait3A_124 = arith.constant 0 : i32
        %dma_wait3A_125 = tpu.memref_slice %arg15[%dma_wait3A_123, %dma_wait3A_124] : memref<10240x128xf32, #tpu.memory_space<vmem_shared>> -> memref<10240x128xf32, #tpu.memory_space<vmem_shared>>
        tpu.wait_indirect_dma semaphore(%arg13 : memref<!tpu.dma_semaphore, #tpu.memory_space<semaphore_mem>>) src(%arg9 : memref<128x128xf32, #tpu.memory_space<vmem>>) dst(%dma_wait3A_125 : memref<10240x128xf32, #tpu.memory_space<vmem_shared>>)
        %add3A_126 = arith.constant 2 : i32
        %add3A_127 = arith.addi %mul3A_81, %add3A_126 : i32
        %dma_start3A_128 = arith.constant 0 : i32
        %dma_start3A_129 = tpu.memref_slice %arg7[%add3A_127, %dma_start3A_128] : memref<40x128xi32, #tpu.memory_space<vmem>> -> memref<1x128xi32, #tpu.memory_space<vmem>>
        %dma_start3A_130 = tpu.memref_squeeze %dma_start3A_129 : memref<1x128xi32, #tpu.memory_space<vmem>> -> memref<128xi32, #tpu.memory_space<vmem>>
        %dma_start3A_131 = arith.constant 0 : i32
        %dma_start3A_132 = arith.constant 0 : i32
        %dma_start3A_133 = tpu.memref_slice %arg2[%dma_start3A_131, %dma_start3A_132] : memref<20480x128xf32, #tpu.memory_space<hbm>> -> memref<20480x128xf32, #tpu.memory_space<hbm>>
        tpu.enqueue_indirect_dma source(%dma_start3A_133 : memref<20480x128xf32, #tpu.memory_space<hbm>>) target(%arg9 : memref<128x128xf32, #tpu.memory_space<vmem>>) offsets(%dma_start3A_130 : memref<128xi32, #tpu.memory_space<vmem>>) semaphore(%arg11 : memref<!tpu.dma_semaphore, #tpu.memory_space<semaphore_mem>>)
        %add3A_134 = arith.constant 40 : i32
        %add3A_135 = arith.addi %add3A_134, %add3A_85 : i32
        %dma_wait3A_136 = arith.constant 0 : i32
        %dma_wait3A_137 = tpu.memref_slice %arg8[%add3A_135, %dma_wait3A_136] : memref<80x128xi32, #tpu.memory_space<vmem>> -> memref<1x128xi32, #tpu.memory_space<vmem>>
        %dma_wait3A_138 = tpu.memref_squeeze %dma_wait3A_137 : memref<1x128xi32, #tpu.memory_space<vmem>> -> memref<128xi32, #tpu.memory_space<vmem>>
        %dma_wait3A_139 = arith.constant 0 : i32
        %dma_wait3A_140 = arith.constant 0 : i32
        %dma_wait3A_141 = tpu.memref_slice %arg15[%dma_wait3A_139, %dma_wait3A_140] : memref<10240x128xf32, #tpu.memory_space<vmem_shared>> -> memref<10240x128xf32, #tpu.memory_space<vmem_shared>>
        tpu.wait_indirect_dma semaphore(%arg14 : memref<!tpu.dma_semaphore, #tpu.memory_space<semaphore_mem>>) src(%arg10 : memref<128x128xf32, #tpu.memory_space<vmem>>) dst(%dma_wait3A_141 : memref<10240x128xf32, #tpu.memory_space<vmem_shared>>)
        %add3A_142 = arith.constant 2 : i32
        %add3A_143 = arith.addi %add3A_85, %add3A_142 : i32
        %dma_start3A_144 = arith.constant 0 : i32
        %dma_start3A_145 = tpu.memref_slice %arg7[%add3A_143, %dma_start3A_144] : memref<40x128xi32, #tpu.memory_space<vmem>> -> memref<1x128xi32, #tpu.memory_space<vmem>>
        %dma_start3A_146 = tpu.memref_squeeze %dma_start3A_145 : memref<1x128xi32, #tpu.memory_space<vmem>> -> memref<128xi32, #tpu.memory_space<vmem>>
        %dma_start3A_147 = arith.constant 0 : i32
        %dma_start3A_148 = arith.constant 0 : i32
        %dma_start3A_149 = tpu.memref_slice %arg2[%dma_start3A_147, %dma_start3A_148] : memref<20480x128xf32, #tpu.memory_space<hbm>> -> memref<20480x128xf32, #tpu.memory_space<hbm>>
        tpu.enqueue_indirect_dma source(%dma_start3A_149 : memref<20480x128xf32, #tpu.memory_space<hbm>>) target(%arg10 : memref<128x128xf32, #tpu.memory_space<vmem>>) offsets(%dma_start3A_146 : memref<128xi32, #tpu.memory_space<vmem>>) semaphore(%arg12 : memref<!tpu.dma_semaphore, #tpu.memory_space<semaphore_mem>>)
      } else {
      }
    }
    %scan3A_60 = arith.constant 20 : i32
    %dma_wait3A_61 = arith.constant 78 : i32
    %dma_wait3A_62 = arith.constant 0 : i32
    %dma_wait3A_63 = tpu.memref_slice %arg8[%dma_wait3A_61, %dma_wait3A_62] : memref<80x128xi32, #tpu.memory_space<vmem>> -> memref<1x128xi32, #tpu.memory_space<vmem>>
    %dma_wait3A_64 = tpu.memref_squeeze %dma_wait3A_63 : memref<1x128xi32, #tpu.memory_space<vmem>> -> memref<128xi32, #tpu.memory_space<vmem>>
    %dma_wait3A_65 = arith.constant 0 : i32
    %dma_wait3A_66 = arith.constant 0 : i32
    %dma_wait3A_67 = tpu.memref_slice %arg15[%dma_wait3A_65, %dma_wait3A_66] : memref<10240x128xf32, #tpu.memory_space<vmem_shared>> -> memref<10240x128xf32, #tpu.memory_space<vmem_shared>>
    tpu.wait_indirect_dma semaphore(%arg13 : memref<!tpu.dma_semaphore, #tpu.memory_space<semaphore_mem>>) src(%arg9 : memref<128x128xf32, #tpu.memory_space<vmem>>) dst(%dma_wait3A_67 : memref<10240x128xf32, #tpu.memory_space<vmem_shared>>)
    %dma_wait3A_68 = arith.constant 79 : i32
    %dma_wait3A_69 = arith.constant 0 : i32
    %dma_wait3A_70 = tpu.memref_slice %arg8[%dma_wait3A_68, %dma_wait3A_69] : memref<80x128xi32, #tpu.memory_space<vmem>> -> memref<1x128xi32, #tpu.memory_space<vmem>>
    %dma_wait3A_71 = tpu.memref_squeeze %dma_wait3A_70 : memref<1x128xi32, #tpu.memory_space<vmem>> -> memref<128xi32, #tpu.memory_space<vmem>>
    %dma_wait3A_72 = arith.constant 0 : i32
    %dma_wait3A_73 = arith.constant 0 : i32
    %dma_wait3A_74 = tpu.memref_slice %arg15[%dma_wait3A_72, %dma_wait3A_73] : memref<10240x128xf32, #tpu.memory_space<vmem_shared>> -> memref<10240x128xf32, #tpu.memory_space<vmem_shared>>
    tpu.wait_indirect_dma semaphore(%arg14 : memref<!tpu.dma_semaphore, #tpu.memory_space<semaphore_mem>>) src(%arg10 : memref<128x128xf32, #tpu.memory_space<vmem>>) dst(%dma_wait3A_74 : memref<10240x128xf32, #tpu.memory_space<vmem_shared>>)
    %barrier3A_75 = arith.constant 0 : index
    tpu.barrier barrier_id(%barrier3A_75)
    %mul3A_76 = arith.constant 10240 : i32
    %mul3A_77 = arith.muli %arg0, %mul3A_76 : i32
    %add3A_78 = arith.addi %mul3A_77, %mul3A_0 : i32
    "tpu.region"() ({
      %run_scoped3A = tpu.sem_alloc : memref<!tpu.dma_semaphore, #tpu.memory_space<semaphore_mem>>
      %dma_start3A_79 = arith.constant 0 : i32
      %dma_start3A_80 = tpu.memref_slice %arg6[%add3A_78, %dma_start3A_79] : memref<20480x128xf32, #tpu.memory_space<hbm>> -> memref<640x128xf32, #tpu.memory_space<hbm>>
      %dma_start3A_81 = arith.constant 0 : i32
      %dma_start3A_82 = tpu.memref_slice %arg15[%mul3A_0, %dma_start3A_81] : memref<10240x128xf32, #tpu.memory_space<vmem_shared>> -> memref<640x128xf32, #tpu.memory_space<vmem_shared>>
      tpu.enqueue_dma source(%dma_start3A_82 : memref<640x128xf32, #tpu.memory_space<vmem_shared>>) target(%dma_start3A_80 : memref<640x128xf32, #tpu.memory_space<hbm>>) target_semaphore(%run_scoped3A : memref<!tpu.dma_semaphore, #tpu.memory_space<semaphore_mem>>)
      %dma_wait3A_83 = arith.constant 0 : i32
      %dma_wait3A_84 = tpu.memref_slice %arg6[%add3A_78, %dma_wait3A_83] : memref<20480x128xf32, #tpu.memory_space<hbm>> -> memref<640x128xf32, #tpu.memory_space<hbm>>
      %dma_wait3A_85 = arith.constant 0 : i32
      %dma_wait3A_86 = tpu.memref_slice %arg15[%mul3A_0, %dma_wait3A_85] : memref<10240x128xf32, #tpu.memory_space<vmem_shared>> -> memref<640x128xf32, #tpu.memory_space<vmem_shared>>
      tpu.wait_dma2 semaphore(%run_scoped3A : memref<!tpu.dma_semaphore, #tpu.memory_space<semaphore_mem>>) src(%dma_wait3A_86 : memref<640x128xf32, #tpu.memory_space<vmem_shared>>) dst(%dma_wait3A_84 : memref<640x128xf32, #tpu.memory_space<hbm>>)
      tpu.yield
    }) : () -> ()
    return
  }
}

module attributes {stable_mosaic.version = 14 : i64} {
  func.func @_first_body(%arg0: i32, %arg1: i32, %arg2: i32, %arg3: memref<2x128x128xf32, #tpu.memory_space<vmem>>, %arg4: memref<128x128xf32, #tpu.memory_space<vmem>>, %arg5: memref<128x128xf32, #tpu.memory_space<vmem>>, %arg6: memref<1x128x128xf32, #tpu.memory_space<vmem>>, %arg7: memref<128x128xf32, #tpu.memory_space<vmem>>) attributes {dimension_semantics = [#tpu.dimension_semantics<arbitrary>, #tpu.dimension_semantics<arbitrary>, #tpu.dimension_semantics<arbitrary>], iteration_bounds = array<i64: 80, 2, 2>, scalar_prefetch = 0 : i64, scratch_operands = 1 : i64, tpu.core_type = #tpu.core_type<tc>, window_params = [{transform_indices = @transform_0, window_bounds = array<i64: 2, 128, 128>}, {transform_indices = @transform_1, window_bounds = array<i64: 128, 128>}, {transform_indices = @transform_2, window_bounds = array<i64: 128, 128>}, {transform_indices = @transform_3, window_bounds = array<i64: 1, 128, 128>}]} {
    %eq3A = arith.constant 0 : i32
    %eq3A_0 = arith.cmpi eq, %arg2, %eq3A : i32
    %convert_element_type3A = arith.extui %eq3A_0 : i1 to i32
    %cond3A = arith.constant 0 : i32
    %cond3A_1 = arith.cmpi ne, %convert_element_type3A, %cond3A : i32
    scf.if %cond3A_1 {
      %broadcast_in_dim3A = arith.constant 0.000000e+00 : f32
      %broadcast_in_dim3A_18 = vector.broadcast %broadcast_in_dim3A : f32 to vector<128x128xf32>
      %swap3A_19 = arith.constant 0 : index
      %swap3A_20 = arith.constant 0 : index
      %swap3A_21 = vector.load %arg7[%swap3A_19, %swap3A_20] : memref<128x128xf32, #tpu.memory_space<vmem>>, vector<128x128xf32>
      tpu.vector_store %arg7[%swap3A_19, %swap3A_20], %broadcast_in_dim3A_18 {strides = array<i32>} : memref<128x128xf32, #tpu.memory_space<vmem>>, vector<128x128xf32>,
    } else {
    }
    %get3A = arith.constant 0 : index
    %get3A_2 = arith.constant 0 : index
    %get3A_3 = vector.load %arg7[%get3A, %get3A_2] : memref<128x128xf32, #tpu.memory_space<vmem>>, vector<128x128xf32>
    %get3A_4 = arith.constant 0 : index
    %get3A_5 = arith.constant 0 : index
    %get3A_6 = vector.load %arg4[%get3A_4, %get3A_5] : memref<128x128xf32, #tpu.memory_space<vmem>>, vector<128x128xf32>
    %get3A_7 = arith.constant 0 : index
    %get3A_8 = arith.constant 0 : index
    %get3A_9 = vector.load %arg5[%get3A_7, %get3A_8] : memref<128x128xf32, #tpu.memory_space<vmem>>, vector<128x128xf32>
    %dot_general3A = arith.constant dense<0.000000e+00> : vector<128x128xf32>
    %dot_general3A_10 = tpu.matmul %get3A_6, %get3A_9, %dot_general3A {dimension_numbers = #tpu.dot_dimension_numbers<[1], [0], [0], [1], [0, 0, 1, 1], [], []>, transpose_lhs_hint = false} : vector<128x128xf32>, vector<128x128xf32>, vector<128x128xf32> -> vector<128x128xf32>
    %add3A = arith.addf %get3A_3, %dot_general3A_10 : vector<128x128xf32>
    %swap3A = arith.constant 0 : index
    %swap3A_11 = arith.constant 0 : index
    %swap3A_12 = vector.load %arg7[%swap3A, %swap3A_11] : memref<128x128xf32, #tpu.memory_space<vmem>>, vector<128x128xf32>
    tpu.vector_store %arg7[%swap3A, %swap3A_11], %add3A {strides = array<i32>} : memref<128x128xf32, #tpu.memory_space<vmem>>, vector<128x128xf32>,
    %eq3A_13 = arith.constant 1 : i32
    %eq3A_14 = arith.cmpi eq, %arg2, %eq3A_13 : i32
    %convert_element_type3A_15 = arith.extui %eq3A_14 : i1 to i32
    %cond3A_16 = arith.constant 0 : i32
    %cond3A_17 = arith.cmpi ne, %convert_element_type3A_15, %cond3A_16 : i32
    scf.if %cond3A_17 {
      %get3A_18 = arith.constant 0 : index
      %get3A_19 = arith.constant 0 : index
      %get3A_20 = vector.load %arg7[%get3A_18, %get3A_19] : memref<128x128xf32, #tpu.memory_space<vmem>>, vector<128x128xf32>
      %get3A_21 = arith.constant 0 : index
      %get3A_22 = arith.constant 0 : index
      %get3A_23 = arith.constant 0 : index
      %get3A_24 = vector.load %arg3[%get3A_21, %get3A_22, %get3A_23] : memref<2x128x128xf32, #tpu.memory_space<vmem>>, vector<1x128x1xf32>
      %get3A_25 = vector.shape_cast %get3A_24 : vector<1x128x1xf32> to vector<128x1xf32>
      %get3A_26 = arith.constant 1 : index
      %get3A_27 = arith.constant 0 : index
      %get3A_28 = arith.constant 0 : index
      %get3A_29 = vector.load %arg3[%get3A_26, %get3A_27, %get3A_28] : memref<2x128x128xf32, #tpu.memory_space<vmem>>, vector<1x128x1xf32>
      %get3A_30 = vector.shape_cast %get3A_29 : vector<1x128x1xf32> to vector<128x1xf32>
      %add3A_31 = arith.addf %get3A_25, %get3A_30 : vector<128x1xf32>
      %add3A_32 = arith.constant 1.000000e+00 : f32
      %add3A_33 = vector.broadcast %add3A_32 : f32 to vector<128x1xf32>
      %add3A_34 = arith.addf %add3A_31, %add3A_33 : vector<128x1xf32>
      %rsqrt3A = math.rsqrt %add3A_34 : vector<128x1xf32>
      %mul3A = vector.broadcast %rsqrt3A : vector<128x1xf32> to vector<128x128xf32>
      %mul3A_35 = arith.mulf %get3A_20, %mul3A : vector<128x128xf32>
      %swap3A_36 = arith.constant 0 : index
      %swap3A_37 = arith.constant 0 : index
      %swap3A_38 = arith.constant 0 : index
      %swap3A_39 = vector.load %arg6[%swap3A_36, %swap3A_37, %swap3A_38] : memref<1x128x128xf32, #tpu.memory_space<vmem>>, vector<1x128x128xf32>
      %swap3A_40 = vector.shape_cast %swap3A_39 : vector<1x128x128xf32> to vector<128x128xf32>
      %swap3A_41 = vector.shape_cast %mul3A_35 : vector<128x128xf32> to vector<1x128x128xf32>
      tpu.vector_store %arg6[%swap3A_36, %swap3A_37, %swap3A_38], %swap3A_41 {strides = array<i32>} : memref<1x128x128xf32, #tpu.memory_space<vmem>>, vector<1x128x128xf32>,
    } else {
    }
    return
  }
  func.func @transform_0(%arg0: i32, %arg1: i32, %arg2: i32) -> (i32, i32, i32) {
    %c0_i32 = arith.constant 0 : i32
    %c0_i32_0 = arith.constant 0 : i32
    %c0_i32_1 = arith.constant 0 : i32
    return %c0_i32, %arg0, %c0_i32_0 : i32, i32, i32
  }
  func.func @transform_1(%arg0: i32, %arg1: i32, %arg2: i32) -> (i32, i32) {
    %c0_i32 = arith.constant 0 : i32
    return %arg0, %arg2 : i32, i32
  }
  func.func @transform_2(%arg0: i32, %arg1: i32, %arg2: i32) -> (i32, i32) {
    %c0_i32 = arith.constant 0 : i32
    return %arg2, %arg1 : i32, i32
  }
  func.func @transform_3(%arg0: i32, %arg1: i32, %arg2: i32) -> (i32, i32, i32) {
    %c0_i32 = arith.constant 0 : i32
    %c0_i32_0 = arith.constant 0 : i32
    return %arg1, %arg0, %c0_i32 : i32, i32, i32
  }
}

module attributes {stable_mosaic.version = 14 : i64} {
  func.func @_mid_body(%arg0: i32, %arg1: i32, %arg2: i32, %arg3: memref<2x128x128xf32, #tpu.memory_space<vmem>>, %arg4: memref<1x128x128xf32, #tpu.memory_space<vmem>>, %arg5: memref<1x128x128xf32, #tpu.memory_space<vmem>>, %arg6: memref<128x128xf32, #tpu.memory_space<vmem>>, %arg7: memref<1x1x128xf32, #tpu.memory_space<vmem>>, %arg8: memref<1x128x128xf32, #tpu.memory_space<vmem>>, %arg9: memref<128x128xf32, #tpu.memory_space<vmem>>) attributes {dimension_semantics = [#tpu.dimension_semantics<arbitrary>, #tpu.dimension_semantics<arbitrary>, #tpu.dimension_semantics<arbitrary>], iteration_bounds = array<i64: 80, 2, 2>, scalar_prefetch = 0 : i64, scratch_operands = 1 : i64, tpu.core_type = #tpu.core_type<tc>, window_params = [{transform_indices = @transform_0, window_bounds = array<i64: 2, 128, 128>}, {transform_indices = @transform_1, window_bounds = array<i64: 1, 128, 128>}, {transform_indices = @transform_2, window_bounds = array<i64: 1, 128, 128>}, {transform_indices = @transform_3, window_bounds = array<i64: 128, 128>}, {transform_indices = @transform_4, window_bounds = array<i64: 1, 1, 128>}, {transform_indices = @transform_5, window_bounds = array<i64: 1, 128, 128>}]} {
    %get3A = arith.constant 0 : index
    %get3A_0 = arith.constant 0 : index
    %get3A_1 = arith.constant 0 : index
    %get3A_2 = vector.load %arg3[%get3A, %get3A_0, %get3A_1] : memref<2x128x128xf32, #tpu.memory_space<vmem>>, vector<1x128x1xf32>
    %get3A_3 = vector.shape_cast %get3A_2 : vector<1x128x1xf32> to vector<128x1xf32>
    %get3A_4 = arith.constant 1 : index
    %get3A_5 = arith.constant 0 : index
    %get3A_6 = arith.constant 0 : index
    %get3A_7 = vector.load %arg3[%get3A_4, %get3A_5, %get3A_6] : memref<2x128x128xf32, #tpu.memory_space<vmem>>, vector<1x128x1xf32>
    %get3A_8 = vector.shape_cast %get3A_7 : vector<1x128x1xf32> to vector<128x1xf32>
    %add3A = arith.addf %get3A_3, %get3A_8 : vector<128x1xf32>
    %add3A_9 = arith.constant 1.000000e+00 : f32
    %add3A_10 = vector.broadcast %add3A_9 : f32 to vector<128x1xf32>
    %add3A_11 = arith.addf %add3A, %add3A_10 : vector<128x1xf32>
    %rsqrt3A = math.rsqrt %add3A_11 : vector<128x1xf32>
    %get3A_12 = arith.constant 0 : index
    %get3A_13 = arith.constant 0 : index
    %get3A_14 = arith.constant 0 : index
    %get3A_15 = vector.load %arg4[%get3A_12, %get3A_13, %get3A_14] : memref<1x128x128xf32, #tpu.memory_space<vmem>>, vector<1x128x128xf32>
    %get3A_16 = vector.shape_cast %get3A_15 : vector<1x128x128xf32> to vector<128x128xf32>
    %get3A_17 = arith.constant 0 : index
    %get3A_18 = arith.constant 0 : index
    %get3A_19 = arith.constant 0 : index
    %get3A_20 = vector.load %arg5[%get3A_17, %get3A_18, %get3A_19] : memref<1x128x128xf32, #tpu.memory_space<vmem>>, vector<1x128x128xf32>
    %get3A_21 = vector.shape_cast %get3A_20 : vector<1x128x128xf32> to vector<128x128xf32>
    %add3A_22 = arith.addf %get3A_16, %get3A_21 : vector<128x128xf32>
    %mul3A = vector.broadcast %rsqrt3A : vector<128x1xf32> to vector<128x128xf32>
    %mul3A_23 = arith.mulf %mul3A, %add3A_22 : vector<128x128xf32>
    %get3A_24 = arith.constant 0 : index
    %get3A_25 = arith.constant 0 : index
    %get3A_26 = arith.constant 0 : index
    %get3A_27 = vector.load %arg7[%get3A_24, %get3A_25, %get3A_26] : memref<1x1x128xf32, #tpu.memory_space<vmem>>, vector<1x1x128xf32>
    %get3A_28 = vector.shape_cast %get3A_27 : vector<1x1x128xf32> to vector<1x128xf32>
    %add3A_29 = vector.broadcast %get3A_28 : vector<1x128xf32> to vector<128x128xf32>
    %add3A_30 = arith.addf %mul3A_23, %add3A_29 : vector<128x128xf32>
    %max3A = arith.constant 0.000000e+00 : f32
    %max3A_31 = vector.broadcast %max3A : f32 to vector<128x128xf32>
    %max3A_32 = arith.maximumf %add3A_30, %max3A_31 : vector<128x128xf32>
    %eq3A = arith.constant 0 : i32
    %eq3A_33 = arith.cmpi eq, %arg2, %eq3A : i32
    %convert_element_type3A = arith.extui %eq3A_33 : i1 to i32
    %cond3A = arith.constant 0 : i32
    %cond3A_34 = arith.cmpi ne, %convert_element_type3A, %cond3A : i32
    scf.if %cond3A_34 {
      %broadcast_in_dim3A = arith.constant 0.000000e+00 : f32
      %broadcast_in_dim3A_50 = vector.broadcast %broadcast_in_dim3A : f32 to vector<128x128xf32>
      %swap3A_51 = arith.constant 0 : index
      %swap3A_52 = arith.constant 0 : index
      %swap3A_53 = vector.load %arg9[%swap3A_51, %swap3A_52] : memref<128x128xf32, #tpu.memory_space<vmem>>, vector<128x128xf32>
      tpu.vector_store %arg9[%swap3A_51, %swap3A_52], %broadcast_in_dim3A_50 {strides = array<i32>} : memref<128x128xf32, #tpu.memory_space<vmem>>, vector<128x128xf32>,
    } else {
    }
    %get3A_35 = arith.constant 0 : index
    %get3A_36 = arith.constant 0 : index
    %get3A_37 = vector.load %arg9[%get3A_35, %get3A_36] : memref<128x128xf32, #tpu.memory_space<vmem>>, vector<128x128xf32>
    %get3A_38 = arith.constant 0 : index
    %get3A_39 = arith.constant 0 : index
    %get3A_40 = vector.load %arg6[%get3A_38, %get3A_39] : memref<128x128xf32, #tpu.memory_space<vmem>>, vector<128x128xf32>
    %dot_general3A = arith.constant dense<0.000000e+00> : vector<128x128xf32>
    %dot_general3A_41 = tpu.matmul %max3A_32, %get3A_40, %dot_general3A {dimension_numbers = #tpu.dot_dimension_numbers<[1], [0], [0], [1], [0, 0, 1, 1], [], []>, transpose_lhs_hint = false} : vector<128x128xf32>, vector<128x128xf32>, vector<128x128xf32> -> vector<128x128xf32>
    %add3A_42 = arith.addf %get3A_37, %dot_general3A_41 : vector<128x128xf32>
    %swap3A = arith.constant 0 : index
    %swap3A_43 = arith.constant 0 : index
    %swap3A_44 = vector.load %arg9[%swap3A, %swap3A_43] : memref<128x128xf32, #tpu.memory_space<vmem>>, vector<128x128xf32>
    tpu.vector_store %arg9[%swap3A, %swap3A_43], %add3A_42 {strides = array<i32>} : memref<128x128xf32, #tpu.memory_space<vmem>>, vector<128x128xf32>,
    %eq3A_45 = arith.constant 1 : i32
    %eq3A_46 = arith.cmpi eq, %arg2, %eq3A_45 : i32
    %convert_element_type3A_47 = arith.extui %eq3A_46 : i1 to i32
    %cond3A_48 = arith.constant 0 : i32
    %cond3A_49 = arith.cmpi ne, %convert_element_type3A_47, %cond3A_48 : i32
    scf.if %cond3A_49 {
      %get3A_50 = arith.constant 0 : index
      %get3A_51 = arith.constant 0 : index
      %get3A_52 = vector.load %arg9[%get3A_50, %get3A_51] : memref<128x128xf32, #tpu.memory_space<vmem>>, vector<128x128xf32>
      %mul3A_53 = vector.broadcast %rsqrt3A : vector<128x1xf32> to vector<128x128xf32>
      %mul3A_54 = arith.mulf %get3A_52, %mul3A_53 : vector<128x128xf32>
      %swap3A_55 = arith.constant 0 : index
      %swap3A_56 = arith.constant 0 : index
      %swap3A_57 = arith.constant 0 : index
      %swap3A_58 = vector.load %arg8[%swap3A_55, %swap3A_56, %swap3A_57] : memref<1x128x128xf32, #tpu.memory_space<vmem>>, vector<1x128x128xf32>
      %swap3A_59 = vector.shape_cast %swap3A_58 : vector<1x128x128xf32> to vector<128x128xf32>
      %swap3A_60 = vector.shape_cast %mul3A_54 : vector<128x128xf32> to vector<1x128x128xf32>
      tpu.vector_store %arg8[%swap3A_55, %swap3A_56, %swap3A_57], %swap3A_60 {strides = array<i32>} : memref<1x128x128xf32, #tpu.memory_space<vmem>>, vector<1x128x128xf32>,
    } else {
    }
    return
  }
  func.func @transform_0(%arg0: i32, %arg1: i32, %arg2: i32) -> (i32, i32, i32) {
    %c0_i32 = arith.constant 0 : i32
    %c0_i32_0 = arith.constant 0 : i32
    %c0_i32_1 = arith.constant 0 : i32
    return %c0_i32, %arg0, %c0_i32_0 : i32, i32, i32
  }
  func.func @transform_1(%arg0: i32, %arg1: i32, %arg2: i32) -> (i32, i32, i32) {
    %c0_i32 = arith.constant 0 : i32
    %c0_i32_0 = arith.constant 0 : i32
    return %arg2, %arg0, %c0_i32 : i32, i32, i32
  }
  func.func @transform_2(%arg0: i32, %arg1: i32, %arg2: i32) -> (i32, i32, i32) {
    %c0_i32 = arith.constant 0 : i32
    %c0_i32_0 = arith.constant 0 : i32
    return %arg2, %arg0, %c0_i32 : i32, i32, i32
  }
  func.func @transform_3(%arg0: i32, %arg1: i32, %arg2: i32) -> (i32, i32) {
    %c0_i32 = arith.constant 0 : i32
    return %arg2, %arg1 : i32, i32
  }
  func.func @transform_4(%arg0: i32, %arg1: i32, %arg2: i32) -> (i32, i32, i32) {
    %c0_i32 = arith.constant 0 : i32
    %c0_i32_0 = arith.constant 0 : i32
    %c0_i32_1 = arith.constant 0 : i32
    return %arg2, %c0_i32, %c0_i32_0 : i32, i32, i32
  }
  func.func @transform_5(%arg0: i32, %arg1: i32, %arg2: i32) -> (i32, i32, i32) {
    %c0_i32 = arith.constant 0 : i32
    %c0_i32_0 = arith.constant 0 : i32
    return %arg1, %arg0, %c0_i32 : i32, i32, i32
  }
}

module attributes {stable_mosaic.version = 14 : i64} {
  func.func @_final_body(%arg0: i32, %arg1: memref<2x128x128xf32, #tpu.memory_space<vmem>>, %arg2: memref<2x128x128xf32, #tpu.memory_space<vmem>>, %arg3: memref<2x128x128xf32, #tpu.memory_space<vmem>>, %arg4: memref<2x1x128xf32, #tpu.memory_space<vmem>>, %arg5: memref<1x256xf32, #tpu.memory_space<vmem>>, %arg6: memref<1x1xf32, #tpu.memory_space<vmem>>, %arg7: memref<256x256xf32, #tpu.memory_space<vmem>>, %arg8: memref<1x256xf32, #tpu.memory_space<vmem>>, %arg9: memref<1x1x128xi32, #tpu.memory_space<vmem>>, %arg10: memref<16x256xf32, #tpu.memory_space<vmem>>, %arg11: memref<16x256xf32, #tpu.memory_space<vmem>>, %arg12: memref<1x1xf32, #tpu.memory_space<smem>>) attributes {dimension_semantics = [#tpu.dimension_semantics<arbitrary>], iteration_bounds = array<i64: 80>, scalar_prefetch = 0 : i64, scratch_operands = 2 : i64, tpu.core_type = #tpu.core_type<tc>, window_params = [{transform_indices = @transform_0, window_bounds = array<i64: 2, 128, 128>}, {transform_indices = @transform_1, window_bounds = array<i64: 2, 128, 128>}, {transform_indices = @transform_2, window_bounds = array<i64: 2, 128, 128>}, {pipeline_mode = #tpu.pipeline_mode<synchronous>, transform_indices = @transform_3, window_bounds = array<i64: 2, 1, 128>}, {pipeline_mode = #tpu.pipeline_mode<synchronous>, transform_indices = @transform_4, window_bounds = array<i64: 1, 256>}, {pipeline_mode = #tpu.pipeline_mode<synchronous>, transform_indices = @transform_5, window_bounds = array<i64: 1, 1>}, {pipeline_mode = #tpu.pipeline_mode<synchronous>, transform_indices = @transform_6, window_bounds = array<i64: 256, 256>}, {pipeline_mode = #tpu.pipeline_mode<synchronous>, transform_indices = @transform_7, window_bounds = array<i64: 1, 256>}, {transform_indices = @transform_8, window_bounds = array<i64: 1, 1, 128>}, {pipeline_mode = #tpu.pipeline_mode<synchronous>, transform_indices = @transform_9, window_bounds = array<i64: 16, 256>}]} {
    %get3A = arith.constant 0 : index
    %get3A_0 = arith.constant 0 : index
    %get3A_1 = arith.constant 0 : index
    %get3A_2 = vector.load %arg1[%get3A, %get3A_0, %get3A_1] : memref<2x128x128xf32, #tpu.memory_space<vmem>>, vector<1x128x1xf32>
    %get3A_3 = vector.shape_cast %get3A_2 : vector<1x128x1xf32> to vector<128x1xf32>
    %get3A_4 = arith.constant 1 : index
    %get3A_5 = arith.constant 0 : index
    %get3A_6 = arith.constant 0 : index
    %get3A_7 = vector.load %arg1[%get3A_4, %get3A_5, %get3A_6] : memref<2x128x128xf32, #tpu.memory_space<vmem>>, vector<1x128x1xf32>
    %get3A_8 = vector.shape_cast %get3A_7 : vector<1x128x1xf32> to vector<128x1xf32>
    %add3A = arith.addf %get3A_3, %get3A_8 : vector<128x1xf32>
    %add3A_9 = arith.constant 1.000000e+00 : f32
    %add3A_10 = vector.broadcast %add3A_9 : f32 to vector<128x1xf32>
    %add3A_11 = arith.addf %add3A, %add3A_10 : vector<128x1xf32>
    %rsqrt3A = math.rsqrt %add3A_11 : vector<128x1xf32>
    %get3A_12 = arith.constant 0 : index
    %get3A_13 = arith.constant 0 : index
    %get3A_14 = arith.constant 0 : index
    %get3A_15 = vector.load %arg2[%get3A_12, %get3A_13, %get3A_14] : memref<2x128x128xf32, #tpu.memory_space<vmem>>, vector<1x128x128xf32>
    %get3A_16 = vector.shape_cast %get3A_15 : vector<1x128x128xf32> to vector<128x128xf32>
    %get3A_17 = arith.constant 0 : index
    %get3A_18 = arith.constant 0 : index
    %get3A_19 = arith.constant 0 : index
    %get3A_20 = vector.load %arg3[%get3A_17, %get3A_18, %get3A_19] : memref<2x128x128xf32, #tpu.memory_space<vmem>>, vector<1x128x128xf32>
    %get3A_21 = vector.shape_cast %get3A_20 : vector<1x128x128xf32> to vector<128x128xf32>
    %add3A_22 = arith.addf %get3A_16, %get3A_21 : vector<128x128xf32>
    %mul3A = vector.broadcast %rsqrt3A : vector<128x1xf32> to vector<128x128xf32>
    %mul3A_23 = arith.mulf %mul3A, %add3A_22 : vector<128x128xf32>
    %get3A_24 = arith.constant 0 : index
    %get3A_25 = arith.constant 0 : index
    %get3A_26 = arith.constant 0 : index
    %get3A_27 = vector.load %arg4[%get3A_24, %get3A_25, %get3A_26] : memref<2x1x128xf32, #tpu.memory_space<vmem>>, vector<1x1x128xf32>
    %get3A_28 = vector.shape_cast %get3A_27 : vector<1x1x128xf32> to vector<1x128xf32>
    %add3A_29 = vector.broadcast %get3A_28 : vector<1x128xf32> to vector<128x128xf32>
    %add3A_30 = arith.addf %mul3A_23, %add3A_29 : vector<128x128xf32>
    %max3A = arith.constant 0.000000e+00 : f32
    %max3A_31 = vector.broadcast %max3A : f32 to vector<128x128xf32>
    %max3A_32 = arith.maximumf %add3A_30, %max3A_31 : vector<128x128xf32>
    %get3A_33 = arith.constant 1 : index
    %get3A_34 = arith.constant 0 : index
    %get3A_35 = arith.constant 0 : index
    %get3A_36 = vector.load %arg2[%get3A_33, %get3A_34, %get3A_35] : memref<2x128x128xf32, #tpu.memory_space<vmem>>, vector<1x128x128xf32>
    %get3A_37 = vector.shape_cast %get3A_36 : vector<1x128x128xf32> to vector<128x128xf32>
    %get3A_38 = arith.constant 1 : index
    %get3A_39 = arith.constant 0 : index
    %get3A_40 = arith.constant 0 : index
    %get3A_41 = vector.load %arg3[%get3A_38, %get3A_39, %get3A_40] : memref<2x128x128xf32, #tpu.memory_space<vmem>>, vector<1x128x128xf32>
    %get3A_42 = vector.shape_cast %get3A_41 : vector<1x128x128xf32> to vector<128x128xf32>
    %add3A_43 = arith.addf %get3A_37, %get3A_42 : vector<128x128xf32>
    %mul3A_44 = vector.broadcast %rsqrt3A : vector<128x1xf32> to vector<128x128xf32>
    %mul3A_45 = arith.mulf %mul3A_44, %add3A_43 : vector<128x128xf32>
    %get3A_46 = arith.constant 1 : index
    %get3A_47 = arith.constant 0 : index
    %get3A_48 = arith.constant 0 : index
    %get3A_49 = vector.load %arg4[%get3A_46, %get3A_47, %get3A_48] : memref<2x1x128xf32, #tpu.memory_space<vmem>>, vector<1x1x128xf32>
    %get3A_50 = vector.shape_cast %get3A_49 : vector<1x1x128xf32> to vector<1x128xf32>
    %add3A_51 = vector.broadcast %get3A_50 : vector<1x128xf32> to vector<128x128xf32>
    %add3A_52 = arith.addf %mul3A_45, %add3A_51 : vector<128x128xf32>
    %max3A_53 = arith.constant 0.000000e+00 : f32
    %max3A_54 = vector.broadcast %max3A_53 : f32 to vector<128x128xf32>
    %max3A_55 = arith.maximumf %add3A_52, %max3A_54 : vector<128x128xf32>
    %concatenate3A = tpu.concatenate %max3A_32, %max3A_55 in 1 : vector<128x128xf32>, vector<128x128xf32> -> vector<128x256xf32>
    %get3A_56 = arith.constant 0 : index
    %get3A_57 = arith.constant 0 : index
    %get3A_58 = vector.load %arg5[%get3A_56, %get3A_57] : memref<1x256xf32, #tpu.memory_space<vmem>>, vector<1x256xf32>
    %mul3A_59 = vector.broadcast %get3A_58 : vector<1x256xf32> to vector<128x256xf32>
    %mul3A_60 = arith.mulf %concatenate3A, %mul3A_59 : vector<128x256xf32>
    %reduce_sum3A = arith.constant dense<0.000000e+00> : vector<128xf32>
    %reduce_sum3A_61 = vector.multi_reduction <add>, %mul3A_60, %reduce_sum3A [1] : vector<128x256xf32> to vector<128xf32>
    %broadcast_in_dim3A = vector.shape_cast %reduce_sum3A_61 : vector<128xf32> to vector<128x1xf32>
    %get3A_62 = arith.constant 0 : index
    %get3A_63 = arith.constant 0 : index
    %get3A_64 = vector.load %arg6[%get3A_62, %get3A_63] : memref<1x1xf32, #tpu.memory_space<vmem>>, vector<1x1xf32>
    %add3A_65 = vector.broadcast %get3A_64 : vector<1x1xf32> to vector<128x1xf32>
    %add3A_66 = arith.addf %broadcast_in_dim3A, %add3A_65 : vector<128x1xf32>
    %tanh3A = math.tanh %add3A_66 : vector<128x1xf32>
    %exp3A = math.exp %tanh3A : vector<128x1xf32>
    %mul3A_67 = arith.constant 128 : i32
    %mul3A_68 = arith.muli %arg0, %mul3A_67 : i32
    %iota3A = tpu.iota {dimensions = array<i32: 0>} : vector<128x1xi32>
    %add3A_69 = vector.broadcast %mul3A_68 : i32 to vector<128x1xi32>
    %add3A_70 = arith.addi %add3A_69, %iota3A : vector<128x1xi32>
    %lt3A = arith.constant 10000 : i32
    %lt3A_71 = vector.broadcast %lt3A : i32 to vector<128x1xi32>
    %lt3A_72 = arith.cmpi slt, %add3A_70, %lt3A_71 : vector<128x1xi32>
    %jit3A = arith.constant 0.000000e+00 : f32
    %broadcast_in_dim3A_73 = vector.broadcast %jit3A : f32 to vector<128x1xf32>
    %select_n3A = arith.select %lt3A_72, %exp3A, %broadcast_in_dim3A_73 : vector<128x1xi1>, vector<128x1xf32>
    %iota3A_74 = tpu.iota {dimensions = array<i32: 0>} : vector<16x128xi32>
    %get3A_75 = arith.constant 0 : index
    %get3A_76 = arith.constant 0 : index
    %get3A_77 = arith.constant 0 : index
    %get3A_78 = vector.load %arg9[%get3A_75, %get3A_76, %get3A_77] : memref<1x1x128xi32, #tpu.memory_space<vmem>>, vector<1x1x128xi32>
    %get3A_79 = vector.shape_cast %get3A_78 : vector<1x1x128xi32> to vector<1x128xi32>
    %eq3A = vector.broadcast %get3A_79 : vector<1x128xi32> to vector<16x128xi32>
    %eq3A_80 = arith.cmpi eq, %iota3A_74, %eq3A : vector<16x128xi32>
    %convert_element_type3A = arith.extui %eq3A_80 : vector<16x128xi1> to vector<16x128xi32>
    %convert_element_type3A_81 = arith.sitofp %convert_element_type3A : vector<16x128xi32> to vector<16x128xf32>
    %eq3A_82 = arith.constant 0 : i32
    %eq3A_83 = arith.cmpi eq, %arg0, %eq3A_82 : i32
    %convert_element_type3A_84 = arith.extui %eq3A_83 : i1 to i32
    %cond3A = arith.constant 0 : i32
    %cond3A_85 = arith.cmpi ne, %convert_element_type3A_84, %cond3A : i32
    scf.if %cond3A_85 {
      %broadcast_in_dim3A_112 = arith.constant 0.000000e+00 : f32
      %broadcast_in_dim3A_113 = vector.broadcast %broadcast_in_dim3A_112 : f32 to vector<16x256xf32>
      %swap3A_114 = arith.constant 0 : index
      %swap3A_115 = arith.constant 0 : index
      %swap3A_116 = vector.load %arg11[%swap3A_114, %swap3A_115] : memref<16x256xf32, #tpu.memory_space<vmem>>, vector<16x256xf32>
      tpu.vector_store %arg11[%swap3A_114, %swap3A_115], %broadcast_in_dim3A_113 {strides = array<i32>} : memref<16x256xf32, #tpu.memory_space<vmem>>, vector<16x256xf32>,
      %swap3A_117 = arith.constant 0.000000e+00 : f32
      %swap3A_118 = arith.constant 0 : index
      %swap3A_119 = arith.constant 0 : index
      %swap3A_120 = memref.load %arg12[%swap3A_118, %swap3A_119] : memref<1x1xf32, #tpu.memory_space<smem>>
      memref.store %swap3A_117, %arg12[%swap3A_118, %swap3A_119] : memref<1x1xf32, #tpu.memory_space<smem>>
    } else {
    }
    %get3A_86 = arith.constant 0 : index
    %get3A_87 = arith.constant 0 : index
    %get3A_88 = vector.load %arg11[%get3A_86, %get3A_87] : memref<16x256xf32, #tpu.memory_space<vmem>>, vector<16x256xf32>
    %mul3A_89 = vector.broadcast %select_n3A : vector<128x1xf32> to vector<128x256xf32>
    %mul3A_90 = arith.mulf %concatenate3A, %mul3A_89 : vector<128x256xf32>
    %dot_general3A = arith.constant dense<0.000000e+00> : vector<16x256xf32>
    %dot_general3A_91 = tpu.matmul %convert_element_type3A_81, %mul3A_90, %dot_general3A {dimension_numbers = #tpu.dot_dimension_numbers<[1], [0], [0], [1], [0, 0, 1, 1], [], []>, transpose_lhs_hint = false} : vector<16x128xf32>, vector<128x256xf32>, vector<16x256xf32> -> vector<16x256xf32>
    %add3A_92 = arith.addf %get3A_88, %dot_general3A_91 : vector<16x256xf32>
    %swap3A = arith.constant 0 : index
    %swap3A_93 = arith.constant 0 : index
    %swap3A_94 = vector.load %arg11[%swap3A, %swap3A_93] : memref<16x256xf32, #tpu.memory_space<vmem>>, vector<16x256xf32>
    tpu.vector_store %arg11[%swap3A, %swap3A_93], %add3A_92 {strides = array<i32>} : memref<16x256xf32, #tpu.memory_space<vmem>>, vector<16x256xf32>,
    %get3A_95 = arith.constant 0 : index
    %get3A_96 = arith.constant 0 : index
    %get3A_97 = memref.load %arg12[%get3A_95, %get3A_96] : memref<1x1xf32, #tpu.memory_space<smem>>
    %reduce_sum3A_98 = vector.shape_cast %select_n3A : vector<128x1xf32> to vector<1x128x1xf32>
    %reduce_sum3A_99 = arith.constant dense<0.000000e+00> : vector<1xf32>
    %reduce_sum3A_100 = vector.multi_reduction <add>, %reduce_sum3A_98, %reduce_sum3A_99 [1, 2] : vector<1x128x1xf32> to vector<1xf32>
    %reduce_sum3A_101 = vector.shape_cast %reduce_sum3A_100 : vector<1xf32> to vector<1x1x1xf32>
    %reduce_sum3A_102 = vector.extract %reduce_sum3A_101[0, 0, 0] : f32 from vector<1x1x1xf32>
    %add3A_103 = arith.addf %get3A_97, %reduce_sum3A_102 : f32
    %swap3A_104 = arith.constant 0 : index
    %swap3A_105 = arith.constant 0 : index
    %swap3A_106 = memref.load %arg12[%swap3A_104, %swap3A_105] : memref<1x1xf32, #tpu.memory_space<smem>>
    memref.store %add3A_103, %arg12[%swap3A_104, %swap3A_105] : memref<1x1xf32, #tpu.memory_space<smem>>
    %eq3A_107 = arith.constant 79 : i32
    %eq3A_108 = arith.cmpi eq, %arg0, %eq3A_107 : i32
    %convert_element_type3A_109 = arith.extui %eq3A_108 : i1 to i32
    %cond3A_110 = arith.constant 0 : i32
    %cond3A_111 = arith.cmpi ne, %convert_element_type3A_109, %cond3A_110 : i32
    scf.if %cond3A_111 {
      %get3A_112 = arith.constant 0 : index
      %get3A_113 = arith.constant 0 : index
      %get3A_114 = vector.load %arg11[%get3A_112, %get3A_113] : memref<16x256xf32, #tpu.memory_space<vmem>>, vector<16x256xf32>
      %get3A_115 = arith.constant 0 : index
      %get3A_116 = arith.constant 0 : index
      %get3A_117 = memref.load %arg12[%get3A_115, %get3A_116] : memref<1x1xf32, #tpu.memory_space<smem>>
      %div3A = vector.broadcast %get3A_117 : f32 to vector<16x256xf32>
      %div3A_118 = arith.divf %get3A_114, %div3A : vector<16x256xf32>
      %get3A_119 = arith.constant 0 : index
      %get3A_120 = arith.constant 0 : index
      %get3A_121 = vector.load %arg7[%get3A_119, %get3A_120] : memref<256x256xf32, #tpu.memory_space<vmem>>, vector<256x256xf32>
      %dot_general3A_122 = arith.constant dense<0.000000e+00> : vector<16x256xf32>
      %dot_general3A_123 = tpu.matmul %div3A_118, %get3A_121, %dot_general3A_122 {dimension_numbers = #tpu.dot_dimension_numbers<[1], [0], [0], [1], [0, 0, 1, 1], [], []>, transpose_lhs_hint = false} : vector<16x256xf32>, vector<256x256xf32>, vector<16x256xf32> -> vector<16x256xf32>
      %get3A_124 = arith.constant 0 : index
      %get3A_125 = arith.constant 0 : index
      %get3A_126 = vector.load %arg8[%get3A_124, %get3A_125] : memref<1x256xf32, #tpu.memory_space<vmem>>, vector<1x256xf32>
      %add3A_127 = vector.broadcast %get3A_126 : vector<1x256xf32> to vector<16x256xf32>
      %add3A_128 = arith.addf %dot_general3A_123, %add3A_127 : vector<16x256xf32>
      %mul3A_129 = arith.mulf %add3A_128, %add3A_128 : vector<16x256xf32>
      %reduce_sum3A_130 = arith.constant dense<0.000000e+00> : vector<16xf32>
      %reduce_sum3A_131 = vector.multi_reduction <add>, %mul3A_129, %reduce_sum3A_130 [1] : vector<16x256xf32> to vector<16xf32>
      %broadcast_in_dim3A_132 = vector.shape_cast %reduce_sum3A_131 : vector<16xf32> to vector<16x1xf32>
      %sqrt3A = math.sqrt %broadcast_in_dim3A_132 : vector<16x1xf32>
      %max3A_133 = arith.constant 9.99999996E-13 : f32
      %max3A_134 = vector.broadcast %max3A_133 : f32 to vector<16x1xf32>
      %max3A_135 = arith.maximumf %sqrt3A, %max3A_134 : vector<16x1xf32>
      %div3A_136 = vector.broadcast %max3A_135 : vector<16x1xf32> to vector<16x256xf32>
      %div3A_137 = arith.divf %add3A_128, %div3A_136 : vector<16x256xf32>
      %swap3A_138 = arith.constant 0 : index
      %swap3A_139 = arith.constant 0 : index
      %swap3A_140 = vector.load %arg10[%swap3A_138, %swap3A_139] : memref<16x256xf32, #tpu.memory_space<vmem>>, vector<16x256xf32>
      tpu.vector_store %arg10[%swap3A_138, %swap3A_139], %div3A_137 {strides = array<i32>} : memref<16x256xf32, #tpu.memory_space<vmem>>, vector<16x256xf32>,
    } else {
    }
    return
  }
  func.func @transform_0(%arg0: i32) -> (i32, i32, i32) {
    %c0_i32 = arith.constant 0 : i32
    %c0_i32_0 = arith.constant 0 : i32
    %c0_i32_1 = arith.constant 0 : i32
    return %c0_i32, %arg0, %c0_i32_0 : i32, i32, i32
  }
  func.func @transform_1(%arg0: i32) -> (i32, i32, i32) {
    %c0_i32 = arith.constant 0 : i32
    %c0_i32_0 = arith.constant 0 : i32
    %c0_i32_1 = arith.constant 0 : i32
    return %c0_i32, %arg0, %c0_i32_0 : i32, i32, i32
  }
  func.func @transform_2(%arg0: i32) -> (i32, i32, i32) {
    %c0_i32 = arith.constant 0 : i32
    %c0_i32_0 = arith.constant 0 : i32
    %c0_i32_1 = arith.constant 0 : i32
    return %c0_i32, %arg0, %c0_i32_0 : i32, i32, i32
  }
  func.func @transform_3(%arg0: i32) -> (i32, i32, i32) {
    %c0_i32 = arith.constant 0 : i32
    %c0_i32_0 = arith.constant 0 : i32
    %c0_i32_1 = arith.constant 0 : i32
    %c0_i32_2 = arith.constant 0 : i32
    return %c0_i32, %c0_i32_0, %c0_i32_1 : i32, i32, i32
  }
  func.func @transform_4(%arg0: i32) -> (i32, i32) {
    %c0_i32 = arith.constant 0 : i32
    %c0_i32_0 = arith.constant 0 : i32
    %c0_i32_1 = arith.constant 0 : i32
    return %c0_i32, %c0_i32_0 : i32, i32
  }
  func.func @transform_5(%arg0: i32) -> (i32, i32) {
    %c0_i32 = arith.constant 0 : i32
    %c0_i32_0 = arith.constant 0 : i32
    %c0_i32_1 = arith.constant 0 : i32
    return %c0_i32, %c0_i32_0 : i32, i32
  }
  func.func @transform_6(%arg0: i32) -> (i32, i32) {
    %c0_i32 = arith.constant 0 : i32
    %c0_i32_0 = arith.constant 0 : i32
    %c0_i32_1 = arith.constant 0 : i32
    return %c0_i32, %c0_i32_0 : i32, i32
  }
  func.func @transform_7(%arg0: i32) -> (i32, i32) {
    %c0_i32 = arith.constant 0 : i32
    %c0_i32_0 = arith.constant 0 : i32
    %c0_i32_1 = arith.constant 0 : i32
    return %c0_i32, %c0_i32_0 : i32, i32
  }
  func.func @transform_8(%arg0: i32) -> (i32, i32, i32) {
    %c0_i32 = arith.constant 0 : i32
    %c0_i32_0 = arith.constant 0 : i32
    %c0_i32_1 = arith.constant 0 : i32
    return %arg0, %c0_i32, %c0_i32_0 : i32, i32, i32
  }
  func.func @transform_9(%arg0: i32) -> (i32, i32) {
    %c0_i32 = arith.constant 0 : i32
    %c0_i32_0 = arith.constant 0 : i32
    %c0_i32_1 = arith.constant 0 : i32
    return %c0_i32, %c0_i32_0 : i32, i32
  }
}

</mosaic_0001>

<sc_bundles>
// kernel: kernel.10.cloned.1.call-start
scs
__scs_entry_jumppad:
0x0: {  	(pc) =	sbr.rel $0x88, $3  }
0x1: {  	(tag) =	ssettag $0x0;
	lr =	simm.s32 $0x1  }
0x2: {  	[smem:$0x3F94] =	sst lr;
	_ =	strace $0xD0000000  }
0x3: {  	_ = 	snop  }
0x4: {  	_ = 	snop  }
0x5: {  	_ = 	snop  }
0x6: {  	_ = 	snop  }
0x7: {  	_ = 	snop  }
__scs_overlays_trampoline_lowered:
0x8: {  	[smem:$0x3FA3] =	sst s0  }
0x9: {  	[smem:$0x3FA4] =	sst s1  }
0xa: {  	[smem:$0x3FA5] =	sst s2  }
0xb: {  	[smem:$0x3FA6] =	sst s3  }
0xc: {  	[smem:$0x3FA7] =	sst s4  }
0xd: {  	[smem:$0x3FA8] =	sst s5  }
0xe: {  	[smem:$0x3FA9] =	sst s6  }
0xf: {  	[smem:$0x3FAA] =	sst s7  }
0x10: {  	[smem:$0x3FAB] =	sst s8  }
0x11: {  	[smem:$0x3FAC] =	sst s9;
	s0 =	simm.s32 @!p0 $0x0  }
0x12: {  	s1 =	sld [smem:$0x3F92];
	s0 =	simm.s32 @p0 $0x1  }
0x13: {  	[smem:$0x3FAD] =	sst s0;
	s0 =	simm.s32 @!p1 $0x0  }
0x14: {  	s2 =	sld [smem:$0x3F91];
	s0 =	simm.s32 @p1 $0x1  }
0x15: {  	[smem:$0x3FAE] =	sst s0;
	s0 =	simm.s32 @!p2 $0x0  }
0x16: {  	s3 =	sld [smem:$0x3FDB];
	s0 =	simm.s32 @p2 $0x1  }
0x17: {  	s4 =	simm.s32 $0x1BF5;
	[smem:$0x3FB0] =	sst s0  }
0x18: {  	s0 =	sld [smem:$0x3F93];
	_ =	swait.ge [sflag:s4], $0x0  }
0x19: {  	s7 =	sld [smem:$0x3F94]  }
0x1a: {  	s8 =	sadd.s32 $0xFFFFE003, lr  }
0x1b: {  	s9 =	sadd.s32 $0xFFFFFEF7, lr;
	s5 =	simm.s32 $0xFFFFFFFF;
	p2 =	slt.u32 s8, $0xFFFFF086  }
0x1c: {  	p1 =	slt.u32 s9, $0xF7A;
	s5 =	simm.s32 @!p2 $0x0  }
0x1d: {  	s5 =	simm.s32 @p1 $0x1;
	p0 =	seq.s32 s7, s2  }
0x1e: {  	s7 =	smul.u32 @!p0 $0xF7A, s2;
	p2 =	seq.s32 @!p0 s5, $0x0  }
0x1f: {  	s9 =	smul.u32 $0xF7A, s1;
	s8 =	simm.s32 @!p0 $0x1BF5;
	p2 =	por !p2, p0  }
0x20: {  	[sflag:s8] =	ssyncset.s32 @!p0 $0xFFFFF086;
	s6 =	sadd.s32 @!p0 s3, s7;
	s7 =	simm.s32 @!p0 $0x108  }
0x21: {  	s3 =	sadd.s32 s3, s9;
	s6 =	sadd.s32 @!p0 $0x88, s6;
	s7 =	simm.s32 @p2 $0x1082  }
0x22: {  	[simem:s7], [sflag:s8] =	dma.local @!p0 [hbm:s6], $0xF7A  }
0x23: {  	s9 =	sor.u32 $0xD0000000, s2;
	s6 =	simm.s32 $0x108;
	_ =	swait.ge @!p0 [sflag:s8], $0x0  }
0x24: {  	s3 =	sadd.s32 $0x88, s3;
	s6 =	simm.s32 @!p1 $0x1082;
	[sflag:s4] =	ssyncset.s32 $0xFFFFF086  }
0x25: {  	[simem:s6], [sflag:s4] =	dma.local [hbm:s3], $0xF7A  }
0x26: {  	[smem:$0x3F94] =	sst s1;
	(tag) =	ssettag s2;
	_ =	strace s9  }
0x27: {  	s1 =	sld [smem:$0x3FA4]  }
0x28: {  	s2 =	sld [smem:$0x3FA5]  }
0x29: {  	s4 =	sld [smem:$0x3FA7]  }
0x2a: {  	p0 =	seq.s32 s5, $0x0;
	s5 =	sld [smem:$0x3FA8]  }
0x2b: {  	s6 =	sld [smem:$0x3FA9]  }
0x2c: {  	s7 =	sld [smem:$0x3FAA]  }
0x2d: {  	s3 =	simm.s32 $0x108;
	s8 =	sld [smem:$0x3FAB]  }
0x2e: {  	s3 =	simm.s32 @!p0 $0x1082;
	s9 =	sld [smem:$0x3FAC]  }
0x2f: {  	lr =	sadd.s32 s0, s3;
	s0 =	sld [smem:$0x3FA3]  }
0x30: {  	s3 =	sld [smem:$0x3FA6]  }
0x31: {  	[smem:$0x3FAF] =	sst s10  }
0x32: {  	s10 =	sld [smem:$0x3FAD];
	_ =	sdelay $0x3  }
0x33: {  	p0 =	seq.s32 s10, $0x1;
	s10 =	sld [smem:$0x3FAF];
	_ =	sdelay $0x3  }
0x34: {  	[smem:$0x3FAF] =	sst s10  }
0x35: {  	s10 =	sld [smem:$0x3FAE];
	_ =	sdelay $0x3  }
0x36: {  	p1 =	seq.s32 s10, $0x1;
	s10 =	sld [smem:$0x3FAF];
	_ =	sdelay $0x3  }
0x37: {  	[smem:$0x3FAF] =	sst s10  }
0x38: {  	s10 =	sld [smem:$0x3FB0]  }
0x39: {  	_ = 	snop;
	(pc) =	sbr.ind lr, $3  }
0x3a: {  	_ = 	snop  }
0x3b: {  	_ = 	snop  }
0x3c: {  	p2 =	seq.s32 s10, $0x1;
	s10 =	sld [smem:$0x3FAF]  }
0x3d: {  	_ =	shalt  }
0x3e: {  	_ =	shalt  }
0x3f: {  	_ =	shalt  }
0x40: {  	_ =	shalt  }
0x41: {  	_ =	shalt  }
0x42: {  	_ =	shalt  }
0x43: {  	_ =	shalt  }
0x44: {  	_ =	shalt  }
0x45: {  	_ =	shalt  }
0x46: {  	_ =	shalt  }
0x47: {  	_ =	shalt  }
0x48: {  	_ =	shalt  }
0x49: {  	_ =	shalt  }
0x4a: {  	_ =	shalt  }
0x4b: {  	_ =	shalt  }
0x4c: {  	_ =	shalt  }
0x4d: {  	_ =	shalt  }
0x4e: {  	_ =	shalt  }
0x4f: {  	_ =	shalt  }
0x50: {  	_ =	shalt  }
0x51: {  	_ =	shalt  }
0x52: {  	_ =	shalt  }
0x53: {  	_ =	shalt  }
0x54: {  	_ =	shalt  }
0x55: {  	_ =	shalt  }
0x56: {  	_ =	shalt  }
0x57: {  	_ =	shalt  }
0x58: {  	_ =	shalt  }
0x59: {  	_ =	shalt  }
0x5a: {  	_ =	shalt  }
0x5b: {  	_ =	shalt  }
0x5c: {  	_ =	shalt  }
0x5d: {  	_ =	shalt  }
0x5e: {  	_ =	shalt  }
0x5f: {  	_ =	shalt  }
0x60: {  	_ =	shalt  }
0x61: {  	_ =	shalt  }
0x62: {  	_ =	shalt  }
0x63: {  	_ =	shalt  }
0x64: {  	_ =	shalt  }
0x65: {  	_ =	shalt  }
0x66: {  	_ =	shalt  }
0x67: {  	_ =	shalt  }
0x68: {  	_ =	shalt  }
0x69: {  	_ =	shalt  }
0x6a: {  	_ =	shalt  }
0x6b: {  	_ =	shalt  }
0x6c: {  	_ =	shalt  }
0x6d: {  	_ =	shalt  }
0x6e: {  	_ =	shalt  }
0x6f: {  	_ =	shalt  }
0x70: {  	_ =	shalt  }
0x71: {  	_ =	shalt  }
0x72: {  	_ =	shalt  }
0x73: {  	_ =	shalt  }
0x74: {  	_ =	shalt  }
0x75: {  	_ =	shalt  }
0x76: {  	_ =	shalt  }
0x77: {  	_ =	shalt  }
0x78: {  	_ =	shalt  }
0x79: {  	_ =	shalt  }
0x7a: {  	_ =	shalt  }
0x7b: {  	_ =	shalt  }
0x7c: {  	_ =	shalt  }
0x7d: {  	_ =	shalt  }
0x7e: {  	_ =	shalt  }
0x7f: {  	_ =	shalt  }
0x80: {  	_ =	shalt  }
0x81: {  	_ =	shalt  }
0x82: {  	_ =	shalt  }
0x83: {  	_ =	shalt  }
0x84: {  	_ =	shalt  }
0x85: {  	_ =	shalt  }
0x86: {  	_ =	shalt  }
0x87: {  	_ =	shalt  }
.Lfunc_end0:
.L_simem_size_0:
called_computation_lowered:
.L_overlay_start_0:
0x88: {  	s2 =	sld [smem:$0x3FD9]  }
0x89: {  	s3 =	sld [smem:$0x3FFE];
	_ =	sdelay $0x1  }
0x8a: {  	s1 =	srdreg.scid  }
0x8b: {  	s0 =	sand.u32 $0x1, s1  }
0x8c: {  	s16 =	sshll.u32 s0, $0xA;
	s2 =	sadd.s32 s3, s2  }
0x8d: {  	s2 =	sadd.s32 s2, s16  }
0x8e: {  	[smem:$0x3FBB] =	sst s2  }
0x8f: {  	_ = 	snop  }
0x90: {  	(tm) =	ssettm $0x1  }
0x91: {  	s17 =	sld [smem:$0x3FFB];
	_ =	sdelay $0x3  }
0x92: {  	_ =	strace s17  }
0x93: {  	s2 =	sld [smem:$0x3FFC];
	_ =	sdelay $0x3  }
0x94: {  	_ =	strace s2  }
0x95: {  	s2 =	sld [smem:$0x3FFD];
	_ =	sdelay $0x3  }
0x96: {  	_ =	strace s2  }
0x97: {  	_ =	strace $0x8FFFFFFF  }
0x98: {  	s18 =	sld [smem:$0x3FDB];
	_ =	sdelay $0x1  }
0x99: {  	s19 =	simm.s32 $_scs_section_size  }
0x9a: {  	s4 =	simm.s32 $_size__tile_overlayer_lowered;
	s5 =	simm.s32 $_tile_overlayer_lowered  }
0x9b: {  	s22 =	simm.s32 $0x1BFF;
	s21 =	sshll.u32 s5, $0x1;
	s2 =	sadd.s32 s19, s18  }
0x9c: {  	s6 =	simm.s32 $0x0;
	s20 =	sshll.u32 s4, $0x1;
	s4 =	sadd.s32 s21, s2  }
0x9d: {  	[timem:s6], [sflag:s22] =	dma.local [hbm:s4], s20  }
0x9e: {  	_ =	swait.ge [sflag:s22], s20  }
0x9f: {  	s3 =	ssub.s32 $0x0, s20;
	[sflag:s22] =	ssyncset.done $0x0  }
0xa0: {  	[sflag:s22] =	ssyncadd.s32 s3;
	_ =	sdelay $0x1  }
0xa1: {  	s23 =	simm.s32 $0x1B8B  }
0xa2: {  	_ =	swait.ge [sflag:s23], $0x1  }
0xa3: {  	[sflag:s23] =	ssyncset.done $0x0  }
0xa4: {  	s25 =	simm.s32 $0x1B8E;
	s24 =	sld [smem:$0x3FFE];
	[sflag:s23] =	ssyncadd.s32 $0xFFFFFFFF  }
0xa5: {  	s26 =	simm.s32 $execute0_lowered;
	[smem:$0x3FD2] =	sst s25  }
0xa6: {  	s4 =	sshll.u32 s26, $0x1;
	_ =	strace $0x80000046;
	[dreg:$0x1] =	wrdreg $0xFFFFFFFF  }
0xa7: {  	s28 =	simm.s32 $_size_execute0_lowered;
	s2 =	sadd.s32 s2, s4;
	[dreg:$0x0] =	wrdreg $0x0  }
0xa8: {  	s4 =	sshll.u32 s28, $0x1;
	[dreg:$0x2] =	wrdreg s2  }
0xa9: {  	[dreg:$0x3] =	wrdreg s4  }
0xaa: {  	[dreg:$0x4] =	wrdreg $0xC0  }
0xab: {  	_ =	task [dreg:s6], $0x5FFFF  }
0xac: {  	[dreg:$0x1] =	wrdreg $0xFFFFFFFF  }
0xad: {  	[dreg:$0x0] =	wrdreg $0x60  }
0xae: {  	[dreg:$0x2] =	wrdreg s24  }
0xaf: {  	[dreg:$0x3] =	wrdreg $0x54000  }
0xb0: {  	[dreg:$0x4] =	wrdreg $0x9  }
0xb1: {  	_ =	task.clear_ibuf [dreg:s6], $0x5FFFF;
	_ =	strace $0x90000046  }
0xb2: {  	s29 =	simm.s32 $0x9;
	_ =	strace $0x80000048  }
0xb3: {  	_ =	swait.ge [sflag:s29], $0x1  }
0xb4: {  	[sflag:s29] =	ssyncadd.s32 $0xFFFFFFFF  }
0xb5: {  	_ =	strace $0x90000048  }
0xb6: {  	_ =	sfence  }
0xb7: {  	s30 =	sld [smem:$0x0];
	_ =	sdelay $0x2  }
0xb8: {  	s31 =	sshll.u32 s1, $0xD;
	s1 =	sshrl.u32 s1, $0x2  }
0xb9: {  	s3 =	sand.u32 $0x4000, s31;
	s1 =	sadd.s32 s1, s30  }
0xba: {  	s0 =	sor.u32 s3, s0;
	s1 =	sshll.u32 s1, $0x11  }
0xbb: {  	s0 =	sor.u32 s1, s0  }
0xbc: {  	s0 =	sadd.s32 $0x8F2B, s0  }
0xbd: {  	[sflag:s0] =	ssyncadd.remote.s32 $0x1  }
0xbe: {  	_ =	sfence.sel $0xFFFF  }
0xbf: {  	[dreg:$0x0] =	wrdreg $0xFFFFFFFF;
	(pc) =	sbr.abs _section_cstart, $3  }
0xc0: {  	[dreg:$0x1] =	wrdreg $0xFFFFFFFF  }
0xc1: {  	_ =	task.clear_ibuf [dreg:s6], $0x2FFFF;
	_ =	strace $0x9FFFFFFF  }
0xc2: {  	(tm) =	ssettm $0x7FFFFFFF  }
0xc3: {  	_ =	shalt  }
tec
execute0_lowered:
.L_overlay_start_1:
0x0: {  	(tag) =	ssettag $0x1  }
0x1: {  	s0 =	srdreg.scid;
	s7 =	rddreg [dreg:$0x0]  }
0x2: {  	s2 =	rddreg [dreg:$0x1];
	s6 =	sand.u32 $0x1, s0;
	s0 =	stileid.u32  }
0x3: {  	s3 =	simm.s32 $0x0;
	s13 =	simm.s32 $0x80;
	s8 =	smul.u32 $0x2800, s0  }
0x4: {  	s14 =	simm.s32 $0x0;
	[smem:$0x7FF] =	sst s3;
	s9 =	smul.u32 $0x28000, s6  }
0x5: {  	s5 =	sadd.s32 $0x8400, s7;
	s1 =	sshll.u32 s6, $0x4;
	s11 =	smul.u32 $0x50000, s0  }
0x6: {  	s6 =	ssub.s32 $0x2, s6;
	s31 =	sshll.u32 s0, $0x6;
	s4 =	sor.u32 s0, s1  }
0x7: {  	s1 =	rddreg [dreg:$0x2];
	_ =	strace $0x80000047;
	s28 =	sshrl.u32 s6, $0x1  }
0x8: {  	s4 =	smul.u32 $0x280, s4;
	s8 =	sadd.s32 s8, s9;
	s29 =	sshrl.u32 s11, $0x2  }
0x9: {  	s30 =	ssub.s32 s6, s28;
	s6 =	sor.u32 $0x1C01, s31;
	s11 =	simm.s32 $0x1  }
0xa: {  	s8 =	sadd.s32 s8, s7;
	s12 =	sadd.s32 s29, s2;
	s9 =	smax.u32 s30, $0x1  }
0xb: {  	s10 =	sadd.s32 s4, s7;
	s4 =	sadd.s32 $0xAC00, s7;
	s8 =	sadd.s32 $0xB400, s8  }
0xc: {  	s7 =	sadd.s32 $0x3400, s10;
	s10 =	sshrl.u32 s12, $0x3;
	s12 =	simm.s32 $0x1400  }
.LBB2_1:
0xd: {  	[spmem:s10], [sflag:s6] =	dma.local [hbm:s5], $0x2800  }
0xe: {  	_ =	swait.ge [sflag:s11], $0x2800  }
0xf: {  	[sflag:s11] =	ssyncset.done $0x0  }
0x10: {  	[sflag:s11] =	ssyncadd.s32 $0xFFFFD800  }
0x11: {  	[tilespmem:s12], [sflag:$0x1] =	stream.linear.gather [hbm4b:s4+s3], $0x4000, $0x38;
	[tilespmem:$0x19400] =	vst v63  }
0x12: {  	_ =	swait.ge [sflag:s11], $0x4000  }
0x13: {  	[sflag:s11] =	ssyncset.done $0x0  }
0x14: {  	[sflag:s11] =	ssyncadd.s32 $0xFFFFC000  }
0x15: {  	[tilespmem:s3], [sflag:$0x1] =	stream.linear.gather [hbm4b:s7+s3], $0x1400, $0x38;
	[tilespmem:$0x19400] =	vst v63  }
0x16: {  	_ =	swait.ge [sflag:s11], $0x1400  }
0x17: {  	[sflag:s11] =	ssyncset.done $0x0  }
0x18: {  	[sflag:s11] =	ssyncadd.s32 $0xFFFFEC00  }
0x19: {  	s15 =	simm.s32 $0x0;
	[bflag:$0x0] =	sbarrier.arrive $0xFFFF  }
0x1a: {  	[spmem:s2] =	stream.indirect.scatter.add.f32 [tilespmem:s12], [sflag:$0x1], $0x80, s15, s13, $0xb8;
	[tilespmem:$0x19400] =	vst v63  }
0x1b: {  	_ =	swait.ge [sflag:s11], $0x4000  }
0x1c: {  	s15 =	simm.s32 $0x200;
	[sflag:s11] =	ssyncset.done $0x0  }
.LBB2_2:
0x1d: {  	s16 =	sshra.s32 s15, $0x2;
	[sflag:s11] =	ssyncadd.s32 $0xFFFFC000;
	p0 =	sne.s32 s15, $0x4E00  }
0x1e: {  	[spmem:s2] =	stream.indirect.scatter.add.f32 [tilespmem:s12], [sflag:$0x1], $0x80, s16, s13, $0xb8;
	[tilespmem:$0x19400] =	vst v63  }
.Ltmp0:
0x1f: {  	_ = 	snop;
	(pc) =	sbr.rel @p0 .LBB2_2-.Ltmp0, $4  }
0x20: {  	_ = 	snop  }
0x21: {  	s15 =	sadd.s32 $0x200, s15  }
0x22: {  	_ =	swait.ge [sflag:s11], $0x4000  }
0x23: {  	[sflag:s11] =	ssyncset.done $0x0  }
0x24: {  	s14 =	sadd.s32 $0x1, s14  }
0x25: {  	[sflag:s11] =	ssyncadd.s32 $0xFFFFC000;
	p0 =	sne.s32 s14, s9  }
.Ltmp1:
0x26: {  	[bflag:$0x0] =	sbarrier.arrive $0xFFFF;
	(pc) =	sbr.rel @p0 .LBB2_1-.Ltmp1, $4  }
0x27: {  	[hbm:s8], [sflag:s6] =	dma.local [spmem:s10], $0x2800  }
0x28: {  	_ =	swait.ge [sflag:s11], $0x2800  }
0x29: {  	[sflag:s11] =	ssyncset.done $0x0  }
0x2a: {  	[sflag:s11] =	ssyncadd.s32 $0xFFFFD800  }
0x2b: {  	_ =	sfence.sel $0x180000  }
0x2c: {  	[bflag:$0x0] =	sbarrier.arrive $0xFFFF  }
0x2d: {  	p0 =	sne.s32 s0, $0x0;
	_ =	strace $0x90000047  }
0x2e: {  	s0 =	sadd.s32 @!p0 $0x100000, s1;
	[bflag:$0x2] =	sbarrier.arrive $0xFFFF  }
0x2f: {  	[sflag:s0] =	ssyncadd.tile.s32 @!p0 $0x1;
	_ =	shalt  }
.Lfunc_end2:
_tile_overlayer_lowered:
.L_overlay_start_2:
0x30: {  	(tag) =	ssettag $0x2  }
0x31: {  	s0 =	rddreg [dreg:$0x0];
	s2 =	stileid.u32  }
0x32: {  	s1 =	rddreg [dreg:$0x1];
	p0 =	sne.s32 s2, $0x0  }
0x33: {  	s3 =	rddreg [dreg:$0x2];
	[bflag:$0x3] =	sbarrier.arrive $0xFFFF;
	s2 =	simm.s32 @!p0 $0x1C01  }
0x34: {  	[timem:s3], [sflag:s2] =	dma.local @!p0 [hbm:s0], s1  }
0x35: {  	s0 =	simm.s32 @!p0 $0x1  }
0x36: {  	_ =	swait.ge @!p0 [sflag:s0], s1  }
0x37: {  	s1 =	ssub.s32 @!p0 $0x0, s1;
	[sflag:s0] =	ssyncset.done @!p0 $0x0  }
0x38: {  	[sflag:s0] =	ssyncadd.s32 @!p0 s1  }
0x39: {  	[bflag:$0x3] =	sbarrier.arrive $0xFFFF  }
0x3a: {  	_ =	shalt  }

// kernel: kernel.13.cloned.1.call-start
scs
__scs_entry_jumppad:
0x0: {  	(pc) =	sbr.rel $0x88, $3  }
0x1: {  	(tag) =	ssettag $0x0;
	lr =	simm.s32 $0x1  }
0x2: {  	[smem:$0x3F94] =	sst lr;
	_ =	strace $0xD0000000  }
0x3: {  	_ = 	snop  }
0x4: {  	_ = 	snop  }
0x5: {  	_ = 	snop  }
0x6: {  	_ = 	snop  }
0x7: {  	_ = 	snop  }
__scs_overlays_trampoline_lowered:
0x8: {  	[smem:$0x3FA3] =	sst s0  }
0x9: {  	[smem:$0x3FA4] =	sst s1  }
0xa: {  	[smem:$0x3FA5] =	sst s2  }
0xb: {  	[smem:$0x3FA6] =	sst s3  }
0xc: {  	[smem:$0x3FA7] =	sst s4  }
0xd: {  	[smem:$0x3FA8] =	sst s5  }
0xe: {  	[smem:$0x3FA9] =	sst s6  }
0xf: {  	[smem:$0x3FAA] =	sst s7  }
0x10: {  	[smem:$0x3FAB] =	sst s8  }
0x11: {  	[smem:$0x3FAC] =	sst s9;
	s0 =	simm.s32 @!p0 $0x0  }
0x12: {  	s1 =	sld [smem:$0x3F92];
	s0 =	simm.s32 @p0 $0x1  }
0x13: {  	[smem:$0x3FAD] =	sst s0;
	s0 =	simm.s32 @!p1 $0x0  }
0x14: {  	s2 =	sld [smem:$0x3F91];
	s0 =	simm.s32 @p1 $0x1  }
0x15: {  	[smem:$0x3FAE] =	sst s0;
	s0 =	simm.s32 @!p2 $0x0  }
0x16: {  	s3 =	sld [smem:$0x3FDB];
	s0 =	simm.s32 @p2 $0x1  }
0x17: {  	s4 =	simm.s32 $0x1BF5;
	[smem:$0x3FB0] =	sst s0  }
0x18: {  	s0 =	sld [smem:$0x3F93];
	_ =	swait.ge [sflag:s4], $0x0  }
0x19: {  	s7 =	sld [smem:$0x3F94]  }
0x1a: {  	s8 =	sadd.s32 $0xFFFFE003, lr  }
0x1b: {  	s9 =	sadd.s32 $0xFFFFFEF7, lr;
	s5 =	simm.s32 $0xFFFFFFFF;
	p2 =	slt.u32 s8, $0xFFFFF086  }
0x1c: {  	p1 =	slt.u32 s9, $0xF7A;
	s5 =	simm.s32 @!p2 $0x0  }
0x1d: {  	s5 =	simm.s32 @p1 $0x1;
	p0 =	seq.s32 s7, s2  }
0x1e: {  	s7 =	smul.u32 @!p0 $0xF7A, s2;
	p2 =	seq.s32 @!p0 s5, $0x0  }
0x1f: {  	s9 =	smul.u32 $0xF7A, s1;
	s8 =	simm.s32 @!p0 $0x1BF5;
	p2 =	por !p2, p0  }
0x20: {  	[sflag:s8] =	ssyncset.s32 @!p0 $0xFFFFF086;
	s6 =	sadd.s32 @!p0 s3, s7;
	s7 =	simm.s32 @!p0 $0x108  }
0x21: {  	s3 =	sadd.s32 s3, s9;
	s6 =	sadd.s32 @!p0 $0x88, s6;
	s7 =	simm.s32 @p2 $0x1082  }
0x22: {  	[simem:s7], [sflag:s8] =	dma.local @!p0 [hbm:s6], $0xF7A  }
0x23: {  	s9 =	sor.u32 $0xD0000000, s2;
	s6 =	simm.s32 $0x108;
	_ =	swait.ge @!p0 [sflag:s8], $0x0  }
0x24: {  	s3 =	sadd.s32 $0x88, s3;
	s6 =	simm.s32 @!p1 $0x1082;
	[sflag:s4] =	ssyncset.s32 $0xFFFFF086  }
0x25: {  	[simem:s6], [sflag:s4] =	dma.local [hbm:s3], $0xF7A  }
0x26: {  	[smem:$0x3F94] =	sst s1;
	(tag) =	ssettag s2;
	_ =	strace s9  }
0x27: {  	s1 =	sld [smem:$0x3FA4]  }
0x28: {  	s2 =	sld [smem:$0x3FA5]  }
0x29: {  	s4 =	sld [smem:$0x3FA7]  }
0x2a: {  	p0 =	seq.s32 s5, $0x0;
	s5 =	sld [smem:$0x3FA8]  }
0x2b: {  	s6 =	sld [smem:$0x3FA9]  }
0x2c: {  	s7 =	sld [smem:$0x3FAA]  }
0x2d: {  	s3 =	simm.s32 $0x108;
	s8 =	sld [smem:$0x3FAB]  }
0x2e: {  	s3 =	simm.s32 @!p0 $0x1082;
	s9 =	sld [smem:$0x3FAC]  }
0x2f: {  	lr =	sadd.s32 s0, s3;
	s0 =	sld [smem:$0x3FA3]  }
0x30: {  	s3 =	sld [smem:$0x3FA6]  }
0x31: {  	[smem:$0x3FAF] =	sst s10  }
0x32: {  	s10 =	sld [smem:$0x3FAD];
	_ =	sdelay $0x3  }
0x33: {  	p0 =	seq.s32 s10, $0x1;
	s10 =	sld [smem:$0x3FAF];
	_ =	sdelay $0x3  }
0x34: {  	[smem:$0x3FAF] =	sst s10  }
0x35: {  	s10 =	sld [smem:$0x3FAE];
	_ =	sdelay $0x3  }
0x36: {  	p1 =	seq.s32 s10, $0x1;
	s10 =	sld [smem:$0x3FAF];
	_ =	sdelay $0x3  }
0x37: {  	[smem:$0x3FAF] =	sst s10  }
0x38: {  	s10 =	sld [smem:$0x3FB0]  }
0x39: {  	_ = 	snop;
	(pc) =	sbr.ind lr, $3  }
0x3a: {  	_ = 	snop  }
0x3b: {  	_ = 	snop  }
0x3c: {  	p2 =	seq.s32 s10, $0x1;
	s10 =	sld [smem:$0x3FAF]  }
0x3d: {  	_ =	shalt  }
0x3e: {  	_ =	shalt  }
0x3f: {  	_ =	shalt  }
0x40: {  	_ =	shalt  }
0x41: {  	_ =	shalt  }
0x42: {  	_ =	shalt  }
0x43: {  	_ =	shalt  }
0x44: {  	_ =	shalt  }
0x45: {  	_ =	shalt  }
0x46: {  	_ =	shalt  }
0x47: {  	_ =	shalt  }
0x48: {  	_ =	shalt  }
0x49: {  	_ =	shalt  }
0x4a: {  	_ =	shalt  }
0x4b: {  	_ =	shalt  }
0x4c: {  	_ =	shalt  }
0x4d: {  	_ =	shalt  }
0x4e: {  	_ =	shalt  }
0x4f: {  	_ =	shalt  }
0x50: {  	_ =	shalt  }
0x51: {  	_ =	shalt  }
0x52: {  	_ =	shalt  }
0x53: {  	_ =	shalt  }
0x54: {  	_ =	shalt  }
0x55: {  	_ =	shalt  }
0x56: {  	_ =	shalt  }
0x57: {  	_ =	shalt  }
0x58: {  	_ =	shalt  }
0x59: {  	_ =	shalt  }
0x5a: {  	_ =	shalt  }
0x5b: {  	_ =	shalt  }
0x5c: {  	_ =	shalt  }
0x5d: {  	_ =	shalt  }
0x5e: {  	_ =	shalt  }
0x5f: {  	_ =	shalt  }
0x60: {  	_ =	shalt  }
0x61: {  	_ =	shalt  }
0x62: {  	_ =	shalt  }
0x63: {  	_ =	shalt  }
0x64: {  	_ =	shalt  }
0x65: {  	_ =	shalt  }
0x66: {  	_ =	shalt  }
0x67: {  	_ =	shalt  }
0x68: {  	_ =	shalt  }
0x69: {  	_ =	shalt  }
0x6a: {  	_ =	shalt  }
0x6b: {  	_ =	shalt  }
0x6c: {  	_ =	shalt  }
0x6d: {  	_ =	shalt  }
0x6e: {  	_ =	shalt  }
0x6f: {  	_ =	shalt  }
0x70: {  	_ =	shalt  }
0x71: {  	_ =	shalt  }
0x72: {  	_ =	shalt  }
0x73: {  	_ =	shalt  }
0x74: {  	_ =	shalt  }
0x75: {  	_ =	shalt  }
0x76: {  	_ =	shalt  }
0x77: {  	_ =	shalt  }
0x78: {  	_ =	shalt  }
0x79: {  	_ =	shalt  }
0x7a: {  	_ =	shalt  }
0x7b: {  	_ =	shalt  }
0x7c: {  	_ =	shalt  }
0x7d: {  	_ =	shalt  }
0x7e: {  	_ =	shalt  }
0x7f: {  	_ =	shalt  }
0x80: {  	_ =	shalt  }
0x81: {  	_ =	shalt  }
0x82: {  	_ =	shalt  }
0x83: {  	_ =	shalt  }
0x84: {  	_ =	shalt  }
0x85: {  	_ =	shalt  }
0x86: {  	_ =	shalt  }
0x87: {  	_ =	shalt  }
.Lfunc_end0:
.L_simem_size_0:
called_computation.1_lowered:
.L_overlay_start_0:
0x88: {  	s2 =	sld [smem:$0x3FD9]  }
0x89: {  	s3 =	sld [smem:$0x3FFE];
	_ =	sdelay $0x1  }
0x8a: {  	s1 =	srdreg.scid  }
0x8b: {  	s0 =	sand.u32 $0x1, s1  }
0x8c: {  	s16 =	sshll.u32 s0, $0xA;
	s2 =	sadd.s32 s3, s2  }
0x8d: {  	s2 =	sadd.s32 s2, s16  }
0x8e: {  	[smem:$0x3FBB] =	sst s2  }
0x8f: {  	_ = 	snop  }
0x90: {  	(tm) =	ssettm $0x1  }
0x91: {  	s17 =	sld [smem:$0x3FFB];
	_ =	sdelay $0x3  }
0x92: {  	_ =	strace s17  }
0x93: {  	s2 =	sld [smem:$0x3FFC];
	_ =	sdelay $0x3  }
0x94: {  	_ =	strace s2  }
0x95: {  	s2 =	sld [smem:$0x3FFD];
	_ =	sdelay $0x3  }
0x96: {  	_ =	strace s2  }
0x97: {  	_ =	strace $0x8FFFFFFF  }
0x98: {  	s18 =	sld [smem:$0x3FDB];
	_ =	sdelay $0x1  }
0x99: {  	s19 =	simm.s32 $_scs_section_size  }
0x9a: {  	s4 =	simm.s32 $_size__tile_overlayer_lowered;
	s5 =	simm.s32 $_tile_overlayer_lowered  }
0x9b: {  	s22 =	simm.s32 $0x1BFF;
	s21 =	sshll.u32 s5, $0x1;
	s2 =	sadd.s32 s19, s18  }
0x9c: {  	s6 =	simm.s32 $0x0;
	s20 =	sshll.u32 s4, $0x1;
	s4 =	sadd.s32 s21, s2  }
0x9d: {  	[timem:s6], [sflag:s22] =	dma.local [hbm:s4], s20  }
0x9e: {  	_ =	swait.ge [sflag:s22], s20  }
0x9f: {  	s3 =	ssub.s32 $0x0, s20;
	[sflag:s22] =	ssyncset.done $0x0  }
0xa0: {  	[sflag:s22] =	ssyncadd.s32 s3;
	_ =	sdelay $0x1  }
0xa1: {  	s23 =	simm.s32 $0x1B8B  }
0xa2: {  	_ =	swait.ge [sflag:s23], $0x1  }
0xa3: {  	[sflag:s23] =	ssyncset.done $0x0  }
0xa4: {  	s25 =	simm.s32 $0x1B8E;
	s24 =	sld [smem:$0x3FFE];
	[sflag:s23] =	ssyncadd.s32 $0xFFFFFFFF  }
0xa5: {  	s26 =	simm.s32 $execute0_lowered;
	[smem:$0x3FD2] =	sst s25  }
0xa6: {  	s4 =	sshll.u32 s26, $0x1;
	_ =	strace $0x80000049;
	[dreg:$0x1] =	wrdreg $0xFFFFFFFF  }
0xa7: {  	s28 =	simm.s32 $_size_execute0_lowered;
	s2 =	sadd.s32 s2, s4;
	[dreg:$0x0] =	wrdreg $0x0  }
0xa8: {  	s4 =	sshll.u32 s28, $0x1;
	[dreg:$0x2] =	wrdreg s2  }
0xa9: {  	[dreg:$0x3] =	wrdreg s4  }
0xaa: {  	[dreg:$0x4] =	wrdreg $0xC0  }
0xab: {  	_ =	task [dreg:s6], $0x5FFFF  }
0xac: {  	[dreg:$0x1] =	wrdreg $0xFFFFFFFF  }
0xad: {  	[dreg:$0x0] =	wrdreg $0x60  }
0xae: {  	[dreg:$0x2] =	wrdreg s24  }
0xaf: {  	[dreg:$0x3] =	wrdreg $0xBC000  }
0xb0: {  	[dreg:$0x4] =	wrdreg $0x9  }
0xb1: {  	_ =	task.clear_ibuf [dreg:s6], $0x5FFFF;
	_ =	strace $0x90000049  }
0xb2: {  	s29 =	simm.s32 $0x9;
	_ =	strace $0x8000004B  }
0xb3: {  	_ =	swait.ge [sflag:s29], $0x1  }
0xb4: {  	[sflag:s29] =	ssyncadd.s32 $0xFFFFFFFF  }
0xb5: {  	_ =	strace $0x9000004B  }
0xb6: {  	_ =	sfence  }
0xb7: {  	s30 =	sld [smem:$0x0];
	_ =	sdelay $0x2  }
0xb8: {  	s31 =	sshll.u32 s1, $0xD;
	s1 =	sshrl.u32 s1, $0x2  }
0xb9: {  	s3 =	sand.u32 $0x4000, s31;
	s1 =	sadd.s32 s1, s30  }
0xba: {  	s0 =	sor.u32 s3, s0;
	s1 =	sshll.u32 s1, $0x11  }
0xbb: {  	s0 =	sor.u32 s1, s0  }
0xbc: {  	s0 =	sadd.s32 $0x8F2B, s0  }
0xbd: {  	[sflag:s0] =	ssyncadd.remote.s32 $0x1  }
0xbe: {  	_ =	sfence.sel $0xFFFF  }
0xbf: {  	[dreg:$0x0] =	wrdreg $0xFFFFFFFF;
	(pc) =	sbr.abs _section_cstart, $3  }
0xc0: {  	[dreg:$0x1] =	wrdreg $0xFFFFFFFF  }
0xc1: {  	_ =	task.clear_ibuf [dreg:s6], $0x2FFFF;
	_ =	strace $0x9FFFFFFF  }
0xc2: {  	(tm) =	ssettm $0x7FFFFFFF  }
0xc3: {  	_ =	shalt  }
tec
execute0_lowered:
.L_overlay_start_1:
0x0: {  	(tag) =	ssettag $0x1  }
0x1: {  	s1 =	srdreg.scid;
	s6 =	rddreg [dreg:$0x0]  }
0x2: {  	s0 =	stileid.u32;
	s2 =	rddreg [dreg:$0x1];
	s3 =	simm.s32 $0x0  }
0x3: {  	s15 =	simm.s32 $0x80;
	s16 =	simm.s32 $0x3C00;
	s17 =	simm.s32 $0x7C00  }
0x4: {  	s18 =	simm.s32 $0x1;
	s19 =	simm.s32 $0x2;
	s20 =	simm.s32 $0x3  }
0x5: {  	s21 =	simm.s32 $0x4;
	s22 =	simm.s32 $0x2700;
	s23 =	simm.s32 $0x2780  }
0x6: {  	s24 =	simm.s32 $0x3B00;
	s25 =	simm.s32 $0x3B80;
	s5 =	smul.u32 $0x2800, s0  }
0x7: {  	s7 =	sand.u32 $0x1, s1;
	s1 =	rddreg [dreg:$0x2];
	s10 =	smul.u32 $0x50000, s0  }
0x8: {  	s26 =	simm.s32 $0x0;
	[smem:$0x7FF] =	sst s3;
	s4 =	smul.u32 $0x28000, s7  }
0x9: {  	s31 =	sshll.u32 s0, $0x6;
	_ =	strace $0x8000004A;
	s7 =	ssub.s32 $0x2, s7  }
0xa: {  	s29 =	sshrl.u32 s7, $0x1;
	s30 =	sshrl.u32 s10, $0x2;
	s8 =	sadd.s32 s5, s4  }
0xb: {  	s4 =	sadd.s32 $0xAC00, s6;
	s5 =	sshrl.u32 s5, $0x3;
	s13 =	ssub.s32 s7, s29  }
0xc: {  	s14 =	sadd.s32 s30, s2;
	s9 =	sshrl.u32 s8, $0x3;
	s11 =	sadd.s32 s5, s6  }
0xd: {  	s5 =	sadd.s32 $0x8400, s6;
	s12 =	sadd.s32 s8, s6;
	s9 =	sadd.s32 s9, s6  }
0xe: {  	s6 =	sor.u32 $0x1C05, s31;
	s7 =	sadd.s32 $0x3400, s11;
	s10 =	sadd.s32 $0x5AC00, s12  }
0xf: {  	s11 =	smax.u32 s13, $0x1;
	s12 =	sshrl.u32 s14, $0x3;
	s13 =	simm.s32 $0x5  }
0x10: {  	s14 =	simm.s32 $0x1400;
	s8 =	sadd.s32 $0xAB400, s9;
	s9 =	sadd.s32 $0xAB680, s9  }
.LBB2_1:
0x11: {  	[spmem:s12], [sflag:s6] =	dma.local [hbm:s5], $0x2800  }
0x12: {  	_ =	swait.ge [sflag:s13], $0x2800  }
0x13: {  	[sflag:s13] =	ssyncset.done $0x0  }
0x14: {  	[sflag:s13] =	ssyncadd.s32 $0xFFFFD800  }
0x15: {  	[tilespmem:s14], [sflag:$0x5] =	stream.linear.gather [hbm4b:s7+s3], $0x2800, $0x38;
	[tilespmem:$0x1FC00] =	vst v63  }
0x16: {  	_ =	swait.ge [sflag:s13], $0x2800  }
0x17: {  	[sflag:s13] =	ssyncset.done $0x0  }
0x18: {  	[sflag:s13] =	ssyncadd.s32 $0xFFFFD800  }
0x19: {  	[bflag:$0x0] =	sbarrier.arrive $0xFFFF  }
0x1a: {  	[tilespmem:s3], [sflag:$0x5] =	stream.linear.gather [hbm4b:s8+s3], $0x1400, $0x38;
	[tilespmem:$0x1FC00] =	vst v63  }
0x1b: {  	_ =	swait.ge [sflag:s13], $0x1400  }
0x1c: {  	[sflag:s13] =	ssyncset.done $0x0  }
0x1d: {  	[sflag:s13] =	ssyncadd.s32 $0xFFFFEC00  }
0x1e: {  	[tilespmem:s16], [sflag:$0x1] =	stream.indirect.gather [hbm4b:s4+s15], $0x80, s3, s15, $0xb8;
	[tilespmem:$0x1FC00] =	vst v63  }
0x1f: {  	_ = 	snop  }
0x20: {  	[tilespmem:s17], [sflag:$0x2] =	stream.indirect.gather [hbm4b:s4+s15], $0x80, s15, s15, $0xb8;
	[tilespmem:$0x1FC00] =	vst v63  }
0x21: {  	_ =	swait.ge [sflag:s18], $0x4000  }
0x22: {  	[sflag:s18] =	ssyncset.done $0x0  }
0x23: {  	s28 =	simm.s32 $0x1400;
	[sflag:s18] =	ssyncadd.s32 $0xFFFFC000  }
0x24: {  	[spmem:s2] =	stream.indirect.scatter.add.f32 [tilespmem:s16], [sflag:$0x3], $0x80, s28, s15, $0xb8;
	[tilespmem:$0x1FC00] =	vst v63  }
0x25: {  	_ =	swait.ge [sflag:s19], $0x4000  }
0x26: {  	[sflag:s19] =	ssyncset.done $0x0  }
0x27: {  	s28 =	simm.s32 $0x1480;
	[sflag:s19] =	ssyncadd.s32 $0xFFFFC000  }
0x28: {  	[spmem:s2] =	stream.indirect.scatter.add.f32 [tilespmem:s17], [sflag:$0x4], $0x80, s28, s15, $0xb8;
	[tilespmem:$0x1FC00] =	vst v63  }
0x29: {  	_ =	swait.ge [sflag:s20], $0x4000  }
0x2a: {  	[sflag:s20] =	ssyncset.done $0x0  }
0x2b: {  	s28 =	simm.s32 $0x100;
	[sflag:s20] =	ssyncadd.s32 $0xFFFFC000  }
0x2c: {  	[tilespmem:s16], [sflag:$0x1] =	stream.indirect.gather [hbm4b:s4+s15], $0x80, s28, s15, $0xb8;
	[tilespmem:$0x1FC00] =	vst v63  }
0x2d: {  	_ =	swait.ge [sflag:s21], $0x4000  }
0x2e: {  	[sflag:s21] =	ssyncset.done $0x0  }
0x2f: {  	s29 =	simm.s32 $0x180;
	s28 =	simm.s32 $0x400;
	[sflag:s21] =	ssyncadd.s32 $0xFFFFC000  }
.LBB2_2:
0x30: {  	[tilespmem:s17], [sflag:$0x2] =	stream.indirect.gather [hbm4b:s4+s15], $0x80, s29, s15, $0xb8;
	[tilespmem:$0x1FC00] =	vst v63  }
0x31: {  	s29 =	smov.u32 s28  }
0x32: {  	p0 =	sne.s32 s28, $0x4800;
	s28 =	sadd.s32 $0x400, s28;
	_ =	swait.ge [sflag:s18], $0x4000  }
0x33: {  	s29 =	sshra.s32 s29, $0x2;
	[sflag:s18] =	ssyncset.done $0x0  }
0x34: {  	s30 =	sadd.s32 $0x1400, s29;
	[sflag:s18] =	ssyncadd.s32 $0xFFFFC000  }
0x35: {  	[spmem:s2] =	stream.indirect.scatter.add.f32 [tilespmem:s16], [sflag:$0x3], $0x80, s30, s15, $0xb8;
	[tilespmem:$0x1FC00] =	vst v63  }
0x36: {  	_ =	swait.ge [sflag:s19], $0x4000  }
0x37: {  	[sflag:s19] =	ssyncset.done $0x0  }
0x38: {  	s30 =	sadd.s32 $0x1480, s29;
	[sflag:s19] =	ssyncadd.s32 $0xFFFFC000  }
0x39: {  	[spmem:s2] =	stream.indirect.scatter.add.f32 [tilespmem:s17], [sflag:$0x4], $0x80, s30, s15, $0xb8;
	[tilespmem:$0x1FC00] =	vst v63  }
0x3a: {  	_ =	swait.ge [sflag:s20], $0x4000  }
0x3b: {  	[sflag:s20] =	ssyncset.done $0x0  }
.Ltmp0:
0x3c: {  	s30 =	sadd.s32 $0x100, s29;
	[sflag:s20] =	ssyncadd.s32 $0xFFFFC000;
	(pc) =	sbr.rel @p0 .LBB2_2-.Ltmp0, $4  }
0x3d: {  	[tilespmem:s16], [sflag:$0x1] =	stream.indirect.gather [hbm4b:s4+s15], $0x80, s30, s15, $0xb8;
	[tilespmem:$0x1FC00] =	vst v63  }
0x3e: {  	_ =	swait.ge [sflag:s21], $0x4000  }
0x3f: {  	[sflag:s21] =	ssyncset.done $0x0  }
0x40: {  	s29 =	sadd.s32 $0x180, s29;
	[sflag:s21] =	ssyncadd.s32 $0xFFFFC000  }
0x41: {  	[tilespmem:s17], [sflag:$0x2] =	stream.indirect.gather [hbm4b:s4+s15], $0x80, s29, s15, $0xb8;
	[tilespmem:$0x1FC00] =	vst v63  }
0x42: {  	_ =	swait.ge [sflag:s18], $0x4000  }
0x43: {  	[sflag:s18] =	ssyncset.done $0x0  }
0x44: {  	[sflag:s18] =	ssyncadd.s32 $0xFFFFC000  }
0x45: {  	[spmem:s2] =	stream.indirect.scatter.add.f32 [tilespmem:s16], [sflag:$0x3], $0x80, s22, s15, $0xb8;
	[tilespmem:$0x1FC00] =	vst v63  }
0x46: {  	_ =	swait.ge [sflag:s19], $0x4000  }
0x47: {  	[sflag:s19] =	ssyncset.done $0x0  }
0x48: {  	[sflag:s19] =	ssyncadd.s32 $0xFFFFC000  }
0x49: {  	[spmem:s2] =	stream.indirect.scatter.add.f32 [tilespmem:s17], [sflag:$0x4], $0x80, s23, s15, $0xb8;
	[tilespmem:$0x1FC00] =	vst v63  }
0x4a: {  	_ = 	snop  }
0x4b: {  	[tilespmem:s3], [sflag:$0x5] =	stream.linear.gather [hbm4b:s9+s3], $0x1400, $0x38;
	[tilespmem:$0x1FC00] =	vst v63  }
0x4c: {  	_ =	swait.ge [sflag:s13], $0x1400  }
0x4d: {  	[sflag:s13] =	ssyncset.done $0x0  }
0x4e: {  	[sflag:s13] =	ssyncadd.s32 $0xFFFFEC00  }
0x4f: {  	_ =	swait.ge [sflag:s20], $0x4000  }
0x50: {  	[sflag:s20] =	ssyncset.done $0x0  }
0x51: {  	[sflag:s20] =	ssyncadd.s32 $0xFFFFC000  }
0x52: {  	_ =	swait.ge [sflag:s21], $0x4000  }
0x53: {  	[sflag:s21] =	ssyncset.done $0x0  }
0x54: {  	[sflag:s21] =	ssyncadd.s32 $0xFFFFC000  }
0x55: {  	[tilespmem:s16], [sflag:$0x1] =	stream.indirect.gather [hbm4b:s4+s15], $0x80, s3, s15, $0xb8;
	[tilespmem:$0x1FC00] =	vst v63  }
0x56: {  	_ = 	snop  }
0x57: {  	[tilespmem:s17], [sflag:$0x2] =	stream.indirect.gather [hbm4b:s4+s15], $0x80, s15, s15, $0xb8;
	[tilespmem:$0x1FC00] =	vst v63  }
0x58: {  	_ =	swait.ge [sflag:s18], $0x4000  }
0x59: {  	[sflag:s18] =	ssyncset.done $0x0  }
0x5a: {  	s28 =	simm.s32 $0x2800;
	[sflag:s18] =	ssyncadd.s32 $0xFFFFC000  }
0x5b: {  	[spmem:s2] =	stream.indirect.scatter.add.f32 [tilespmem:s16], [sflag:$0x3], $0x80, s28, s15, $0xb8;
	[tilespmem:$0x1FC00] =	vst v63  }
0x5c: {  	_ =	swait.ge [sflag:s19], $0x4000  }
0x5d: {  	[sflag:s19] =	ssyncset.done $0x0  }
0x5e: {  	s28 =	simm.s32 $0x2880;
	[sflag:s19] =	ssyncadd.s32 $0xFFFFC000  }
0x5f: {  	[spmem:s2] =	stream.indirect.scatter.add.f32 [tilespmem:s17], [sflag:$0x4], $0x80, s28, s15, $0xb8;
	[tilespmem:$0x1FC00] =	vst v63  }
0x60: {  	_ =	swait.ge [sflag:s20], $0x4000  }
0x61: {  	[sflag:s20] =	ssyncset.done $0x0  }
0x62: {  	s28 =	simm.s32 $0x100;
	[sflag:s20] =	ssyncadd.s32 $0xFFFFC000  }
0x63: {  	[tilespmem:s16], [sflag:$0x1] =	stream.indirect.gather [hbm4b:s4+s15], $0x80, s28, s15, $0xb8;
	[tilespmem:$0x1FC00] =	vst v63  }
0x64: {  	_ =	swait.ge [sflag:s21], $0x4000  }
0x65: {  	[sflag:s21] =	ssyncset.done $0x0  }
0x66: {  	s29 =	simm.s32 $0x180;
	s28 =	simm.s32 $0xFFFFB800;
	[sflag:s21] =	ssyncadd.s32 $0xFFFFC000  }
.LBB2_4:
0x67: {  	[tilespmem:s17], [sflag:$0x2] =	stream.indirect.gather [hbm4b:s4+s15], $0x80, s29, s15, $0xb8;
	[tilespmem:$0x1FC00] =	vst v63  }
0x68: {  	s29 =	smov.u32 s28  }
0x69: {  	p0 =	sne.s32 s28, $0xFFFFFC00;
	s28 =	sadd.s32 $0x400, s28;
	_ =	swait.ge [sflag:s18], $0x4000  }
0x6a: {  	s29 =	sshra.s32 s29, $0x2;
	[sflag:s18] =	ssyncset.done $0x0  }
0x6b: {  	s30 =	sadd.s32 $0x3B00, s29;
	[sflag:s18] =	ssyncadd.s32 $0xFFFFC000  }
0x6c: {  	[spmem:s2] =	stream.indirect.scatter.add.f32 [tilespmem:s16], [sflag:$0x3], $0x80, s30, s15, $0xb8;
	[tilespmem:$0x1FC00] =	vst v63  }
0x6d: {  	_ =	swait.ge [sflag:s19], $0x4000  }
0x6e: {  	[sflag:s19] =	ssyncset.done $0x0  }
0x6f: {  	s30 =	sadd.s32 $0x3B80, s29;
	[sflag:s19] =	ssyncadd.s32 $0xFFFFC000  }
0x70: {  	[spmem:s2] =	stream.indirect.scatter.add.f32 [tilespmem:s17], [sflag:$0x4], $0x80, s30, s15, $0xb8;
	[tilespmem:$0x1FC00] =	vst v63  }
0x71: {  	_ =	swait.ge [sflag:s20], $0x4000  }
0x72: {  	[sflag:s20] =	ssyncset.done $0x0  }
.Ltmp1:
0x73: {  	s30 =	sadd.s32 $0x1400, s29;
	[sflag:s20] =	ssyncadd.s32 $0xFFFFC000;
	(pc) =	sbr.rel @p0 .LBB2_4-.Ltmp1, $4  }
0x74: {  	[tilespmem:s16], [sflag:$0x1] =	stream.indirect.gather [hbm4b:s4+s15], $0x80, s30, s15, $0xb8;
	[tilespmem:$0x1FC00] =	vst v63  }
0x75: {  	_ =	swait.ge [sflag:s21], $0x4000  }
0x76: {  	[sflag:s21] =	ssyncset.done $0x0  }
0x77: {  	s29 =	sadd.s32 $0x1480, s29;
	[sflag:s21] =	ssyncadd.s32 $0xFFFFC000  }
0x78: {  	[tilespmem:s17], [sflag:$0x2] =	stream.indirect.gather [hbm4b:s4+s15], $0x80, s29, s15, $0xb8;
	[tilespmem:$0x1FC00] =	vst v63  }
0x79: {  	_ =	swait.ge [sflag:s18], $0x4000  }
0x7a: {  	[sflag:s18] =	ssyncset.done $0x0  }
0x7b: {  	[sflag:s18] =	ssyncadd.s32 $0xFFFFC000  }
0x7c: {  	[spmem:s2] =	stream.indirect.scatter.add.f32 [tilespmem:s16], [sflag:$0x3], $0x80, s24, s15, $0xb8;
	[tilespmem:$0x1FC00] =	vst v63  }
0x7d: {  	_ =	swait.ge [sflag:s19], $0x4000  }
0x7e: {  	[sflag:s19] =	ssyncset.done $0x0  }
0x7f: {  	[sflag:s19] =	ssyncadd.s32 $0xFFFFC000  }
0x80: {  	[spmem:s2] =	stream.indirect.scatter.add.f32 [tilespmem:s17], [sflag:$0x4], $0x80, s25, s15, $0xb8;
	[tilespmem:$0x1FC00] =	vst v63  }
0x81: {  	_ =	swait.ge [sflag:s20], $0x4000  }
0x82: {  	[sflag:s20] =	ssyncset.done $0x0  }
0x83: {  	[sflag:s20] =	ssyncadd.s32 $0xFFFFC000  }
0x84: {  	_ =	swait.ge [sflag:s21], $0x4000  }
0x85: {  	s26 =	sadd.s32 $0x1, s26;
	[sflag:s21] =	ssyncset.done $0x0  }
0x86: {  	p0 =	sne.s32 s26, s11;
	[sflag:s21] =	ssyncadd.s32 $0xFFFFC000  }
.Ltmp2:
0x87: {  	[bflag:$0x0] =	sbarrier.arrive $0xFFFF;
	(pc) =	sbr.rel @p0 .LBB2_1-.Ltmp2, $4  }
0x88: {  	[hbm:s10], [sflag:s6] =	dma.local [spmem:s12], $0x2800  }
0x89: {  	_ =	swait.ge [sflag:s13], $0x2800  }
0x8a: {  	[sflag:s13] =	ssyncset.done $0x0  }
0x8b: {  	[sflag:s13] =	ssyncadd.s32 $0xFFFFD800  }
0x8c: {  	_ =	sfence.sel $0x180000  }
0x8d: {  	[bflag:$0x0] =	sbarrier.arrive $0xFFFF  }
0x8e: {  	p0 =	sne.s32 s0, $0x0;
	_ =	strace $0x9000004A  }
0x8f: {  	s0 =	sadd.s32 @!p0 $0x100000, s1;
	[bflag:$0x2] =	sbarrier.arrive $0xFFFF  }
0x90: {  	[sflag:s0] =	ssyncadd.tile.s32 @!p0 $0x1;
	_ =	shalt  }
.Lfunc_end2:
_tile_overlayer_lowered:
.L_overlay_start_2:
0x91: {  	(tag) =	ssettag $0x2  }
0x92: {  	s0 =	rddreg [dreg:$0x0];
	s2 =	stileid.u32  }
0x93: {  	s1 =	rddreg [dreg:$0x1];
	p0 =	sne.s32 s2, $0x0  }
0x94: {  	s3 =	rddreg [dreg:$0x2];
	[bflag:$0x3] =	sbarrier.arrive $0xFFFF;
	s2 =	simm.s32 @!p0 $0x1C05  }
0x95: {  	[timem:s3], [sflag:s2] =	dma.local @!p0 [hbm:s0], s1  }
0x96: {  	s0 =	simm.s32 @!p0 $0x5  }
0x97: {  	_ =	swait.ge @!p0 [sflag:s0], s1  }
0x98: {  	s1 =	ssub.s32 @!p0 $0x0, s1;
	[sflag:s0] =	ssyncset.done @!p0 $0x0  }
0x99: {  	[sflag:s0] =	ssyncadd.s32 @!p0 s1  }
0x9a: {  	[bflag:$0x3] =	sbarrier.arrive $0xFFFF  }
0x9b: {  	_ =	shalt  }

// kernel: kernel.16.cloned.1.call-start
scs
__scs_entry_jumppad:
0x0: {  	(pc) =	sbr.rel $0x88, $3  }
0x1: {  	(tag) =	ssettag $0x0;
	lr =	simm.s32 $0x1  }
0x2: {  	[smem:$0x3F94] =	sst lr;
	_ =	strace $0xD0000000  }
0x3: {  	_ = 	snop  }
0x4: {  	_ = 	snop  }
0x5: {  	_ = 	snop  }
0x6: {  	_ = 	snop  }
0x7: {  	_ = 	snop  }
__scs_overlays_trampoline_lowered:
0x8: {  	[smem:$0x3FA3] =	sst s0  }
0x9: {  	[smem:$0x3FA4] =	sst s1  }
0xa: {  	[smem:$0x3FA5] =	sst s2  }
0xb: {  	[smem:$0x3FA6] =	sst s3  }
0xc: {  	[smem:$0x3FA7] =	sst s4  }
0xd: {  	[smem:$0x3FA8] =	sst s5  }
0xe: {  	[smem:$0x3FA9] =	sst s6  }
0xf: {  	[smem:$0x3FAA] =	sst s7  }
0x10: {  	[smem:$0x3FAB] =	sst s8  }
0x11: {  	[smem:$0x3FAC] =	sst s9;
	s0 =	simm.s32 @!p0 $0x0  }
0x12: {  	s1 =	sld [smem:$0x3F92];
	s0 =	simm.s32 @p0 $0x1  }
0x13: {  	[smem:$0x3FAD] =	sst s0;
	s0 =	simm.s32 @!p1 $0x0  }
0x14: {  	s2 =	sld [smem:$0x3F91];
	s0 =	simm.s32 @p1 $0x1  }
0x15: {  	[smem:$0x3FAE] =	sst s0;
	s0 =	simm.s32 @!p2 $0x0  }
0x16: {  	s3 =	sld [smem:$0x3FDB];
	s0 =	simm.s32 @p2 $0x1  }
0x17: {  	s4 =	simm.s32 $0x1BF5;
	[smem:$0x3FB0] =	sst s0  }
0x18: {  	s0 =	sld [smem:$0x3F93];
	_ =	swait.ge [sflag:s4], $0x0  }
0x19: {  	s7 =	sld [smem:$0x3F94]  }
0x1a: {  	s8 =	sadd.s32 $0xFFFFE003, lr  }
0x1b: {  	s9 =	sadd.s32 $0xFFFFFEF7, lr;
	s5 =	simm.s32 $0xFFFFFFFF;
	p2 =	slt.u32 s8, $0xFFFFF086  }
0x1c: {  	p1 =	slt.u32 s9, $0xF7A;
	s5 =	simm.s32 @!p2 $0x0  }
0x1d: {  	s5 =	simm.s32 @p1 $0x1;
	p0 =	seq.s32 s7, s2  }
0x1e: {  	s7 =	smul.u32 @!p0 $0xF7A, s2;
	p2 =	seq.s32 @!p0 s5, $0x0  }
0x1f: {  	s9 =	smul.u32 $0xF7A, s1;
	s8 =	simm.s32 @!p0 $0x1BF5;
	p2 =	por !p2, p0  }
0x20: {  	[sflag:s8] =	ssyncset.s32 @!p0 $0xFFFFF086;
	s6 =	sadd.s32 @!p0 s3, s7;
	s7 =	simm.s32 @!p0 $0x108  }
0x21: {  	s3 =	sadd.s32 s3, s9;
	s6 =	sadd.s32 @!p0 $0x88, s6;
	s7 =	simm.s32 @p2 $0x1082  }
0x22: {  	[simem:s7], [sflag:s8] =	dma.local @!p0 [hbm:s6], $0xF7A  }
0x23: {  	s9 =	sor.u32 $0xD0000000, s2;
	s6 =	simm.s32 $0x108;
	_ =	swait.ge @!p0 [sflag:s8], $0x0  }
0x24: {  	s3 =	sadd.s32 $0x88, s3;
	s6 =	simm.s32 @!p1 $0x1082;
	[sflag:s4] =	ssyncset.s32 $0xFFFFF086  }
0x25: {  	[simem:s6], [sflag:s4] =	dma.local [hbm:s3], $0xF7A  }
0x26: {  	[smem:$0x3F94] =	sst s1;
	(tag) =	ssettag s2;
	_ =	strace s9  }
0x27: {  	s1 =	sld [smem:$0x3FA4]  }
0x28: {  	s2 =	sld [smem:$0x3FA5]  }
0x29: {  	s4 =	sld [smem:$0x3FA7]  }
0x2a: {  	p0 =	seq.s32 s5, $0x0;
	s5 =	sld [smem:$0x3FA8]  }
0x2b: {  	s6 =	sld [smem:$0x3FA9]  }
0x2c: {  	s7 =	sld [smem:$0x3FAA]  }
0x2d: {  	s3 =	simm.s32 $0x108;
	s8 =	sld [smem:$0x3FAB]  }
0x2e: {  	s3 =	simm.s32 @!p0 $0x1082;
	s9 =	sld [smem:$0x3FAC]  }
0x2f: {  	lr =	sadd.s32 s0, s3;
	s0 =	sld [smem:$0x3FA3]  }
0x30: {  	s3 =	sld [smem:$0x3FA6]  }
0x31: {  	[smem:$0x3FAF] =	sst s10  }
0x32: {  	s10 =	sld [smem:$0x3FAD];
	_ =	sdelay $0x3  }
0x33: {  	p0 =	seq.s32 s10, $0x1;
	s10 =	sld [smem:$0x3FAF];
	_ =	sdelay $0x3  }
0x34: {  	[smem:$0x3FAF] =	sst s10  }
0x35: {  	s10 =	sld [smem:$0x3FAE];
	_ =	sdelay $0x3  }
0x36: {  	p1 =	seq.s32 s10, $0x1;
	s10 =	sld [smem:$0x3FAF];
	_ =	sdelay $0x3  }
0x37: {  	[smem:$0x3FAF] =	sst s10  }
0x38: {  	s10 =	sld [smem:$0x3FB0]  }
0x39: {  	_ = 	snop;
	(pc) =	sbr.ind lr, $3  }
0x3a: {  	_ = 	snop  }
0x3b: {  	_ = 	snop  }
0x3c: {  	p2 =	seq.s32 s10, $0x1;
	s10 =	sld [smem:$0x3FAF]  }
0x3d: {  	_ =	shalt  }
0x3e: {  	_ =	shalt  }
0x3f: {  	_ =	shalt  }
0x40: {  	_ =	shalt  }
0x41: {  	_ =	shalt  }
0x42: {  	_ =	shalt  }
0x43: {  	_ =	shalt  }
0x44: {  	_ =	shalt  }
0x45: {  	_ =	shalt  }
0x46: {  	_ =	shalt  }
0x47: {  	_ =	shalt  }
0x48: {  	_ =	shalt  }
0x49: {  	_ =	shalt  }
0x4a: {  	_ =	shalt  }
0x4b: {  	_ =	shalt  }
0x4c: {  	_ =	shalt  }
0x4d: {  	_ =	shalt  }
0x4e: {  	_ =	shalt  }
0x4f: {  	_ =	shalt  }
0x50: {  	_ =	shalt  }
0x51: {  	_ =	shalt  }
0x52: {  	_ =	shalt  }
0x53: {  	_ =	shalt  }
0x54: {  	_ =	shalt  }
0x55: {  	_ =	shalt  }
0x56: {  	_ =	shalt  }
0x57: {  	_ =	shalt  }
0x58: {  	_ =	shalt  }
0x59: {  	_ =	shalt  }
0x5a: {  	_ =	shalt  }
0x5b: {  	_ =	shalt  }
0x5c: {  	_ =	shalt  }
0x5d: {  	_ =	shalt  }
0x5e: {  	_ =	shalt  }
0x5f: {  	_ =	shalt  }
0x60: {  	_ =	shalt  }
0x61: {  	_ =	shalt  }
0x62: {  	_ =	shalt  }
0x63: {  	_ =	shalt  }
0x64: {  	_ =	shalt  }
0x65: {  	_ =	shalt  }
0x66: {  	_ =	shalt  }
0x67: {  	_ =	shalt  }
0x68: {  	_ =	shalt  }
0x69: {  	_ =	shalt  }
0x6a: {  	_ =	shalt  }
0x6b: {  	_ =	shalt  }
0x6c: {  	_ =	shalt  }
0x6d: {  	_ =	shalt  }
0x6e: {  	_ =	shalt  }
0x6f: {  	_ =	shalt  }
0x70: {  	_ =	shalt  }
0x71: {  	_ =	shalt  }
0x72: {  	_ =	shalt  }
0x73: {  	_ =	shalt  }
0x74: {  	_ =	shalt  }
0x75: {  	_ =	shalt  }
0x76: {  	_ =	shalt  }
0x77: {  	_ =	shalt  }
0x78: {  	_ =	shalt  }
0x79: {  	_ =	shalt  }
0x7a: {  	_ =	shalt  }
0x7b: {  	_ =	shalt  }
0x7c: {  	_ =	shalt  }
0x7d: {  	_ =	shalt  }
0x7e: {  	_ =	shalt  }
0x7f: {  	_ =	shalt  }
0x80: {  	_ =	shalt  }
0x81: {  	_ =	shalt  }
0x82: {  	_ =	shalt  }
0x83: {  	_ =	shalt  }
0x84: {  	_ =	shalt  }
0x85: {  	_ =	shalt  }
0x86: {  	_ =	shalt  }
0x87: {  	_ =	shalt  }
.Lfunc_end0:
.L_simem_size_0:
called_computation.2_lowered:
.L_overlay_start_0:
0x88: {  	s2 =	sld [smem:$0x3FD9]  }
0x89: {  	s3 =	sld [smem:$0x3FFE];
	_ =	sdelay $0x1  }
0x8a: {  	s1 =	srdreg.scid  }
0x8b: {  	s0 =	sand.u32 $0x1, s1  }
0x8c: {  	s16 =	sshll.u32 s0, $0xA;
	s2 =	sadd.s32 s3, s2  }
0x8d: {  	s2 =	sadd.s32 s2, s16  }
0x8e: {  	[smem:$0x3FBB] =	sst s2  }
0x8f: {  	_ = 	snop  }
0x90: {  	(tm) =	ssettm $0x1  }
0x91: {  	s17 =	sld [smem:$0x3FFB];
	_ =	sdelay $0x3  }
0x92: {  	_ =	strace s17  }
0x93: {  	s2 =	sld [smem:$0x3FFC];
	_ =	sdelay $0x3  }
0x94: {  	_ =	strace s2  }
0x95: {  	s2 =	sld [smem:$0x3FFD];
	_ =	sdelay $0x3  }
0x96: {  	_ =	strace s2  }
0x97: {  	_ =	strace $0x8FFFFFFF  }
0x98: {  	s18 =	sld [smem:$0x3FDB];
	_ =	sdelay $0x1  }
0x99: {  	s19 =	simm.s32 $_scs_section_size  }
0x9a: {  	s4 =	simm.s32 $_size__tile_overlayer_lowered;
	s5 =	simm.s32 $_tile_overlayer_lowered  }
0x9b: {  	s22 =	simm.s32 $0x1BFF;
	s21 =	sshll.u32 s5, $0x1;
	s2 =	sadd.s32 s19, s18  }
0x9c: {  	s6 =	simm.s32 $0x0;
	s20 =	sshll.u32 s4, $0x1;
	s4 =	sadd.s32 s21, s2  }
0x9d: {  	[timem:s6], [sflag:s22] =	dma.local [hbm:s4], s20  }
0x9e: {  	_ =	swait.ge [sflag:s22], s20  }
0x9f: {  	s3 =	ssub.s32 $0x0, s20;
	[sflag:s22] =	ssyncset.done $0x0  }
0xa0: {  	[sflag:s22] =	ssyncadd.s32 s3;
	_ =	sdelay $0x1  }
0xa1: {  	s23 =	simm.s32 $0x1B8B  }
0xa2: {  	_ =	swait.ge [sflag:s23], $0x1  }
0xa3: {  	[sflag:s23] =	ssyncset.done $0x0  }
0xa4: {  	s25 =	simm.s32 $0x1B8E;
	s24 =	sld [smem:$0x3FFE];
	[sflag:s23] =	ssyncadd.s32 $0xFFFFFFFF  }
0xa5: {  	s26 =	simm.s32 $execute0_lowered;
	[smem:$0x3FD2] =	sst s25  }
0xa6: {  	s4 =	sshll.u32 s26, $0x1;
	_ =	strace $0x8000004C;
	[dreg:$0x1] =	wrdreg $0xFFFFFFFF  }
0xa7: {  	s28 =	simm.s32 $_size_execute0_lowered;
	s2 =	sadd.s32 s2, s4;
	[dreg:$0x0] =	wrdreg $0x0  }
0xa8: {  	s4 =	sshll.u32 s28, $0x1;
	[dreg:$0x2] =	wrdreg s2  }
0xa9: {  	[dreg:$0x3] =	wrdreg s4  }
0xaa: {  	[dreg:$0x4] =	wrdreg $0xC0  }
0xab: {  	_ =	task [dreg:s6], $0x5FFFF  }
0xac: {  	[dreg:$0x1] =	wrdreg $0xFFFFFFFF  }
0xad: {  	[dreg:$0x0] =	wrdreg $0x60  }
0xae: {  	[dreg:$0x2] =	wrdreg s24  }
0xaf: {  	[dreg:$0x3] =	wrdreg $0xBC000  }
0xb0: {  	[dreg:$0x4] =	wrdreg $0x9  }
0xb1: {  	_ =	task.clear_ibuf [dreg:s6], $0x5FFFF;
	_ =	strace $0x9000004C  }
0xb2: {  	s29 =	simm.s32 $0x9;
	_ =	strace $0x8000004E  }
0xb3: {  	_ =	swait.ge [sflag:s29], $0x1  }
0xb4: {  	[sflag:s29] =	ssyncadd.s32 $0xFFFFFFFF  }
0xb5: {  	_ =	strace $0x9000004E  }
0xb6: {  	_ =	sfence  }
0xb7: {  	s30 =	sld [smem:$0x0];
	_ =	sdelay $0x2  }
0xb8: {  	s31 =	sshll.u32 s1, $0xD;
	s1 =	sshrl.u32 s1, $0x2  }
0xb9: {  	s3 =	sand.u32 $0x4000, s31;
	s1 =	sadd.s32 s1, s30  }
0xba: {  	s0 =	sor.u32 s3, s0;
	s1 =	sshll.u32 s1, $0x11  }
0xbb: {  	s0 =	sor.u32 s1, s0  }
0xbc: {  	s0 =	sadd.s32 $0x8F2B, s0  }
0xbd: {  	[sflag:s0] =	ssyncadd.remote.s32 $0x1  }
0xbe: {  	_ =	sfence.sel $0xFFFF  }
0xbf: {  	[dreg:$0x0] =	wrdreg $0xFFFFFFFF;
	(pc) =	sbr.abs _section_cstart, $3  }
0xc0: {  	[dreg:$0x1] =	wrdreg $0xFFFFFFFF  }
0xc1: {  	_ =	task.clear_ibuf [dreg:s6], $0x2FFFF;
	_ =	strace $0x9FFFFFFF  }
0xc2: {  	(tm) =	ssettm $0x7FFFFFFF  }
0xc3: {  	_ =	shalt  }
tec
execute0_lowered:
.L_overlay_start_1:
0x0: {  	(tag) =	ssettag $0x1  }
0x1: {  	s1 =	srdreg.scid;
	s6 =	rddreg [dreg:$0x0]  }
0x2: {  	s0 =	stileid.u32;
	s2 =	rddreg [dreg:$0x1];
	s3 =	simm.s32 $0x0  }
0x3: {  	s15 =	simm.s32 $0x80;
	s16 =	simm.s32 $0x3C00;
	s17 =	simm.s32 $0x7C00  }
0x4: {  	s18 =	simm.s32 $0x1;
	s19 =	simm.s32 $0x2;
	s20 =	simm.s32 $0x3  }
0x5: {  	s21 =	simm.s32 $0x4;
	s22 =	simm.s32 $0x2700;
	s23 =	simm.s32 $0x2780  }
0x6: {  	s24 =	simm.s32 $0x3B00;
	s25 =	simm.s32 $0x3B80;
	s5 =	smul.u32 $0x2800, s0  }
0x7: {  	s7 =	sand.u32 $0x1, s1;
	s1 =	rddreg [dreg:$0x2];
	s10 =	smul.u32 $0x50000, s0  }
0x8: {  	s26 =	simm.s32 $0x0;
	[smem:$0x7FF] =	sst s3;
	s4 =	smul.u32 $0x28000, s7  }
0x9: {  	s31 =	sshll.u32 s0, $0x6;
	_ =	strace $0x8000004D;
	s7 =	ssub.s32 $0x2, s7  }
0xa: {  	s29 =	sshrl.u32 s7, $0x1;
	s30 =	sshrl.u32 s10, $0x2;
	s8 =	sadd.s32 s5, s4  }
0xb: {  	s4 =	sadd.s32 $0xAC00, s6;
	s5 =	sshrl.u32 s5, $0x3;
	s13 =	ssub.s32 s7, s29  }
0xc: {  	s14 =	sadd.s32 s30, s2;
	s9 =	sshrl.u32 s8, $0x3;
	s11 =	sadd.s32 s5, s6  }
0xd: {  	s5 =	sadd.s32 $0x8400, s6;
	s12 =	sadd.s32 s8, s6;
	s9 =	sadd.s32 s9, s6  }
0xe: {  	s6 =	sor.u32 $0x1C05, s31;
	s7 =	sadd.s32 $0x3400, s11;
	s10 =	sadd.s32 $0x5AC00, s12  }
0xf: {  	s11 =	smax.u32 s13, $0x1;
	s12 =	sshrl.u32 s14, $0x3;
	s13 =	simm.s32 $0x5  }
0x10: {  	s14 =	simm.s32 $0x1400;
	s8 =	sadd.s32 $0xAB400, s9;
	s9 =	sadd.s32 $0xAB680, s9  }
.LBB2_1:
0x11: {  	[spmem:s12], [sflag:s6] =	dma.local [hbm:s5], $0x2800  }
0x12: {  	_ =	swait.ge [sflag:s13], $0x2800  }
0x13: {  	[sflag:s13] =	ssyncset.done $0x0  }
0x14: {  	[sflag:s13] =	ssyncadd.s32 $0xFFFFD800  }
0x15: {  	[tilespmem:s14], [sflag:$0x5] =	stream.linear.gather [hbm4b:s7+s3], $0x2800, $0x38;
	[tilespmem:$0x1FC00] =	vst v63  }
0x16: {  	_ =	swait.ge [sflag:s13], $0x2800  }
0x17: {  	[sflag:s13] =	ssyncset.done $0x0  }
0x18: {  	[sflag:s13] =	ssyncadd.s32 $0xFFFFD800  }
0x19: {  	[bflag:$0x0] =	sbarrier.arrive $0xFFFF  }
0x1a: {  	[tilespmem:s3], [sflag:$0x5] =	stream.linear.gather [hbm4b:s8+s3], $0x1400, $0x38;
	[tilespmem:$0x1FC00] =	vst v63  }
0x1b: {  	_ =	swait.ge [sflag:s13], $0x1400  }
0x1c: {  	[sflag:s13] =	ssyncset.done $0x0  }
0x1d: {  	[sflag:s13] =	ssyncadd.s32 $0xFFFFEC00  }
0x1e: {  	[tilespmem:s16], [sflag:$0x1] =	stream.indirect.gather [hbm4b:s4+s15], $0x80, s3, s15, $0xb8;
	[tilespmem:$0x1FC00] =	vst v63  }
0x1f: {  	_ = 	snop  }
0x20: {  	[tilespmem:s17], [sflag:$0x2] =	stream.indirect.gather [hbm4b:s4+s15], $0x80, s15, s15, $0xb8;
	[tilespmem:$0x1FC00] =	vst v63  }
0x21: {  	_ =	swait.ge [sflag:s18], $0x4000  }
0x22: {  	[sflag:s18] =	ssyncset.done $0x0  }
0x23: {  	s28 =	simm.s32 $0x1400;
	[sflag:s18] =	ssyncadd.s32 $0xFFFFC000  }
0x24: {  	[spmem:s2] =	stream.indirect.scatter.add.f32 [tilespmem:s16], [sflag:$0x3], $0x80, s28, s15, $0xb8;
	[tilespmem:$0x1FC00] =	vst v63  }
0x25: {  	_ =	swait.ge [sflag:s19], $0x4000  }
0x26: {  	[sflag:s19] =	ssyncset.done $0x0  }
0x27: {  	s28 =	simm.s32 $0x1480;
	[sflag:s19] =	ssyncadd.s32 $0xFFFFC000  }
0x28: {  	[spmem:s2] =	stream.indirect.scatter.add.f32 [tilespmem:s17], [sflag:$0x4], $0x80, s28, s15, $0xb8;
	[tilespmem:$0x1FC00] =	vst v63  }
0x29: {  	_ =	swait.ge [sflag:s20], $0x4000  }
0x2a: {  	[sflag:s20] =	ssyncset.done $0x0  }
0x2b: {  	s28 =	simm.s32 $0x100;
	[sflag:s20] =	ssyncadd.s32 $0xFFFFC000  }
0x2c: {  	[tilespmem:s16], [sflag:$0x1] =	stream.indirect.gather [hbm4b:s4+s15], $0x80, s28, s15, $0xb8;
	[tilespmem:$0x1FC00] =	vst v63  }
0x2d: {  	_ =	swait.ge [sflag:s21], $0x4000  }
0x2e: {  	[sflag:s21] =	ssyncset.done $0x0  }
0x2f: {  	s29 =	simm.s32 $0x180;
	s28 =	simm.s32 $0x400;
	[sflag:s21] =	ssyncadd.s32 $0xFFFFC000  }
.LBB2_2:
0x30: {  	[tilespmem:s17], [sflag:$0x2] =	stream.indirect.gather [hbm4b:s4+s15], $0x80, s29, s15, $0xb8;
	[tilespmem:$0x1FC00] =	vst v63  }
0x31: {  	s29 =	smov.u32 s28  }
0x32: {  	p0 =	sne.s32 s28, $0x4800;
	s28 =	sadd.s32 $0x400, s28;
	_ =	swait.ge [sflag:s18], $0x4000  }
0x33: {  	s29 =	sshra.s32 s29, $0x2;
	[sflag:s18] =	ssyncset.done $0x0  }
0x34: {  	s30 =	sadd.s32 $0x1400, s29;
	[sflag:s18] =	ssyncadd.s32 $0xFFFFC000  }
0x35: {  	[spmem:s2] =	stream.indirect.scatter.add.f32 [tilespmem:s16], [sflag:$0x3], $0x80, s30, s15, $0xb8;
	[tilespmem:$0x1FC00] =	vst v63  }
0x36: {  	_ =	swait.ge [sflag:s19], $0x4000  }
0x37: {  	[sflag:s19] =	ssyncset.done $0x0  }
0x38: {  	s30 =	sadd.s32 $0x1480, s29;
	[sflag:s19] =	ssyncadd.s32 $0xFFFFC000  }
0x39: {  	[spmem:s2] =	stream.indirect.scatter.add.f32 [tilespmem:s17], [sflag:$0x4], $0x80, s30, s15, $0xb8;
	[tilespmem:$0x1FC00] =	vst v63  }
0x3a: {  	_ =	swait.ge [sflag:s20], $0x4000  }
0x3b: {  	[sflag:s20] =	ssyncset.done $0x0  }
.Ltmp0:
0x3c: {  	s30 =	sadd.s32 $0x100, s29;
	[sflag:s20] =	ssyncadd.s32 $0xFFFFC000;
	(pc) =	sbr.rel @p0 .LBB2_2-.Ltmp0, $4  }
0x3d: {  	[tilespmem:s16], [sflag:$0x1] =	stream.indirect.gather [hbm4b:s4+s15], $0x80, s30, s15, $0xb8;
	[tilespmem:$0x1FC00] =	vst v63  }
0x3e: {  	_ =	swait.ge [sflag:s21], $0x4000  }
0x3f: {  	[sflag:s21] =	ssyncset.done $0x0  }
0x40: {  	s29 =	sadd.s32 $0x180, s29;
	[sflag:s21] =	ssyncadd.s32 $0xFFFFC000  }
0x41: {  	[tilespmem:s17], [sflag:$0x2] =	stream.indirect.gather [hbm4b:s4+s15], $0x80, s29, s15, $0xb8;
	[tilespmem:$0x1FC00] =	vst v63  }
0x42: {  	_ =	swait.ge [sflag:s18], $0x4000  }
0x43: {  	[sflag:s18] =	ssyncset.done $0x0  }
0x44: {  	[sflag:s18] =	ssyncadd.s32 $0xFFFFC000  }
0x45: {  	[spmem:s2] =	stream.indirect.scatter.add.f32 [tilespmem:s16], [sflag:$0x3], $0x80, s22, s15, $0xb8;
	[tilespmem:$0x1FC00] =	vst v63  }
0x46: {  	_ =	swait.ge [sflag:s19], $0x4000  }
0x47: {  	[sflag:s19] =	ssyncset.done $0x0  }
0x48: {  	[sflag:s19] =	ssyncadd.s32 $0xFFFFC000  }
0x49: {  	[spmem:s2] =	stream.indirect.scatter.add.f32 [tilespmem:s17], [sflag:$0x4], $0x80, s23, s15, $0xb8;
	[tilespmem:$0x1FC00] =	vst v63  }
0x4a: {  	_ = 	snop  }
0x4b: {  	[tilespmem:s3], [sflag:$0x5] =	stream.linear.gather [hbm4b:s9+s3], $0x1400, $0x38;
	[tilespmem:$0x1FC00] =	vst v63  }
0x4c: {  	_ =	swait.ge [sflag:s13], $0x1400  }
0x4d: {  	[sflag:s13] =	ssyncset.done $0x0  }
0x4e: {  	[sflag:s13] =	ssyncadd.s32 $0xFFFFEC00  }
0x4f: {  	_ =	swait.ge [sflag:s20], $0x4000  }
0x50: {  	[sflag:s20] =	ssyncset.done $0x0  }
0x51: {  	[sflag:s20] =	ssyncadd.s32 $0xFFFFC000  }
0x52: {  	_ =	swait.ge [sflag:s21], $0x4000  }
0x53: {  	[sflag:s21] =	ssyncset.done $0x0  }
0x54: {  	[sflag:s21] =	ssyncadd.s32 $0xFFFFC000  }
0x55: {  	[tilespmem:s16], [sflag:$0x1] =	stream.indirect.gather [hbm4b:s4+s15], $0x80, s3, s15, $0xb8;
	[tilespmem:$0x1FC00] =	vst v63  }
0x56: {  	_ = 	snop  }
0x57: {  	[tilespmem:s17], [sflag:$0x2] =	stream.indirect.gather [hbm4b:s4+s15], $0x80, s15, s15, $0xb8;
	[tilespmem:$0x1FC00] =	vst v63  }
0x58: {  	_ =	swait.ge [sflag:s18], $0x4000  }
0x59: {  	[sflag:s18] =	ssyncset.done $0x0  }
0x5a: {  	s28 =	simm.s32 $0x2800;
	[sflag:s18] =	ssyncadd.s32 $0xFFFFC000  }
0x5b: {  	[spmem:s2] =	stream.indirect.scatter.add.f32 [tilespmem:s16], [sflag:$0x3], $0x80, s28, s15, $0xb8;
	[tilespmem:$0x1FC00] =	vst v63  }
0x5c: {  	_ =	swait.ge [sflag:s19], $0x4000  }
0x5d: {  	[sflag:s19] =	ssyncset.done $0x0  }
0x5e: {  	s28 =	simm.s32 $0x2880;
	[sflag:s19] =	ssyncadd.s32 $0xFFFFC000  }
0x5f: {  	[spmem:s2] =	stream.indirect.scatter.add.f32 [tilespmem:s17], [sflag:$0x4], $0x80, s28, s15, $0xb8;
	[tilespmem:$0x1FC00] =	vst v63  }
0x60: {  	_ =	swait.ge [sflag:s20], $0x4000  }
0x61: {  	[sflag:s20] =	ssyncset.done $0x0  }
0x62: {  	s28 =	simm.s32 $0x100;
	[sflag:s20] =	ssyncadd.s32 $0xFFFFC000  }
0x63: {  	[tilespmem:s16], [sflag:$0x1] =	stream.indirect.gather [hbm4b:s4+s15], $0x80, s28, s15, $0xb8;
	[tilespmem:$0x1FC00] =	vst v63  }
0x64: {  	_ =	swait.ge [sflag:s21], $0x4000  }
0x65: {  	[sflag:s21] =	ssyncset.done $0x0  }
0x66: {  	s29 =	simm.s32 $0x180;
	s28 =	simm.s32 $0xFFFFB800;
	[sflag:s21] =	ssyncadd.s32 $0xFFFFC000  }
.LBB2_4:
0x67: {  	[tilespmem:s17], [sflag:$0x2] =	stream.indirect.gather [hbm4b:s4+s15], $0x80, s29, s15, $0xb8;
	[tilespmem:$0x1FC00] =	vst v63  }
0x68: {  	s29 =	smov.u32 s28  }
0x69: {  	p0 =	sne.s32 s28, $0xFFFFFC00;
	s28 =	sadd.s32 $0x400, s28;
	_ =	swait.ge [sflag:s18], $0x4000  }
0x6a: {  	s29 =	sshra.s32 s29, $0x2;
	[sflag:s18] =	ssyncset.done $0x0  }
0x6b: {  	s30 =	sadd.s32 $0x3B00, s29;
	[sflag:s18] =	ssyncadd.s32 $0xFFFFC000  }
0x6c: {  	[spmem:s2] =	stream.indirect.scatter.add.f32 [tilespmem:s16], [sflag:$0x3], $0x80, s30, s15, $0xb8;
	[tilespmem:$0x1FC00] =	vst v63  }
0x6d: {  	_ =	swait.ge [sflag:s19], $0x4000  }
0x6e: {  	[sflag:s19] =	ssyncset.done $0x0  }
0x6f: {  	s30 =	sadd.s32 $0x3B80, s29;
	[sflag:s19] =	ssyncadd.s32 $0xFFFFC000  }
0x70: {  	[spmem:s2] =	stream.indirect.scatter.add.f32 [tilespmem:s17], [sflag:$0x4], $0x80, s30, s15, $0xb8;
	[tilespmem:$0x1FC00] =	vst v63  }
0x71: {  	_ =	swait.ge [sflag:s20], $0x4000  }
0x72: {  	[sflag:s20] =	ssyncset.done $0x0  }
.Ltmp1:
0x73: {  	s30 =	sadd.s32 $0x1400, s29;
	[sflag:s20] =	ssyncadd.s32 $0xFFFFC000;
	(pc) =	sbr.rel @p0 .LBB2_4-.Ltmp1, $4  }
0x74: {  	[tilespmem:s16], [sflag:$0x1] =	stream.indirect.gather [hbm4b:s4+s15], $0x80, s30, s15, $0xb8;
	[tilespmem:$0x1FC00] =	vst v63  }
0x75: {  	_ =	swait.ge [sflag:s21], $0x4000  }
0x76: {  	[sflag:s21] =	ssyncset.done $0x0  }
0x77: {  	s29 =	sadd.s32 $0x1480, s29;
	[sflag:s21] =	ssyncadd.s32 $0xFFFFC000  }
0x78: {  	[tilespmem:s17], [sflag:$0x2] =	stream.indirect.gather [hbm4b:s4+s15], $0x80, s29, s15, $0xb8;
	[tilespmem:$0x1FC00] =	vst v63  }
0x79: {  	_ =	swait.ge [sflag:s18], $0x4000  }
0x7a: {  	[sflag:s18] =	ssyncset.done $0x0  }
0x7b: {  	[sflag:s18] =	ssyncadd.s32 $0xFFFFC000  }
0x7c: {  	[spmem:s2] =	stream.indirect.scatter.add.f32 [tilespmem:s16], [sflag:$0x3], $0x80, s24, s15, $0xb8;
	[tilespmem:$0x1FC00] =	vst v63  }
0x7d: {  	_ =	swait.ge [sflag:s19], $0x4000  }
0x7e: {  	[sflag:s19] =	ssyncset.done $0x0  }
0x7f: {  	[sflag:s19] =	ssyncadd.s32 $0xFFFFC000  }
0x80: {  	[spmem:s2] =	stream.indirect.scatter.add.f32 [tilespmem:s17], [sflag:$0x4], $0x80, s25, s15, $0xb8;
	[tilespmem:$0x1FC00] =	vst v63  }
0x81: {  	_ =	swait.ge [sflag:s20], $0x4000  }
0x82: {  	[sflag:s20] =	ssyncset.done $0x0  }
0x83: {  	[sflag:s20] =	ssyncadd.s32 $0xFFFFC000  }
0x84: {  	_ =	swait.ge [sflag:s21], $0x4000  }
0x85: {  	s26 =	sadd.s32 $0x1, s26;
	[sflag:s21] =	ssyncset.done $0x0  }
0x86: {  	p0 =	sne.s32 s26, s11;
	[sflag:s21] =	ssyncadd.s32 $0xFFFFC000  }
.Ltmp2:
0x87: {  	[bflag:$0x0] =	sbarrier.arrive $0xFFFF;
	(pc) =	sbr.rel @p0 .LBB2_1-.Ltmp2, $4  }
0x88: {  	[hbm:s10], [sflag:s6] =	dma.local [spmem:s12], $0x2800  }
0x89: {  	_ =	swait.ge [sflag:s13], $0x2800  }
0x8a: {  	[sflag:s13] =	ssyncset.done $0x0  }
0x8b: {  	[sflag:s13] =	ssyncadd.s32 $0xFFFFD800  }
0x8c: {  	_ =	sfence.sel $0x180000  }
0x8d: {  	[bflag:$0x0] =	sbarrier.arrive $0xFFFF  }
0x8e: {  	p0 =	sne.s32 s0, $0x0;
	_ =	strace $0x9000004D  }
0x8f: {  	s0 =	sadd.s32 @!p0 $0x100000, s1;
	[bflag:$0x2] =	sbarrier.arrive $0xFFFF  }
0x90: {  	[sflag:s0] =	ssyncadd.tile.s32 @!p0 $0x1;
	_ =	shalt  }
.Lfunc_end2:
_tile_overlayer_lowered:
.L_overlay_start_2:
0x91: {  	(tag) =	ssettag $0x2  }
0x92: {  	s0 =	rddreg [dreg:$0x0];
	s2 =	stileid.u32  }
0x93: {  	s1 =	rddreg [dreg:$0x1];
	p0 =	sne.s32 s2, $0x0  }
0x94: {  	s3 =	rddreg [dreg:$0x2];
	[bflag:$0x3] =	sbarrier.arrive $0xFFFF;
	s2 =	simm.s32 @!p0 $0x1C05  }
0x95: {  	[timem:s3], [sflag:s2] =	dma.local @!p0 [hbm:s0], s1  }
0x96: {  	s0 =	simm.s32 @!p0 $0x5  }
0x97: {  	_ =	swait.ge @!p0 [sflag:s0], s1  }
0x98: {  	s1 =	ssub.s32 @!p0 $0x0, s1;
	[sflag:s0] =	ssyncset.done @!p0 $0x0  }
0x99: {  	[sflag:s0] =	ssyncadd.s32 @!p0 s1  }
0x9a: {  	[bflag:$0x3] =	sbarrier.arrive $0xFFFF  }
0x9b: {  	_ =	shalt  }

// kernel: kernel.19.cloned.1.call-start
scs
__scs_entry_jumppad:
0x0: {  	(pc) =	sbr.rel $0x88, $3  }
0x1: {  	(tag) =	ssettag $0x0;
	lr =	simm.s32 $0x1  }
0x2: {  	[smem:$0x3F94] =	sst lr;
	_ =	strace $0xD0000000  }
0x3: {  	_ = 	snop  }
0x4: {  	_ = 	snop  }
0x5: {  	_ = 	snop  }
0x6: {  	_ = 	snop  }
0x7: {  	_ = 	snop  }
__scs_overlays_trampoline_lowered:
0x8: {  	[smem:$0x3FA3] =	sst s0  }
0x9: {  	[smem:$0x3FA4] =	sst s1  }
0xa: {  	[smem:$0x3FA5] =	sst s2  }
0xb: {  	[smem:$0x3FA6] =	sst s3  }
0xc: {  	[smem:$0x3FA7] =	sst s4  }
0xd: {  	[smem:$0x3FA8] =	sst s5  }
0xe: {  	[smem:$0x3FA9] =	sst s6  }
0xf: {  	[smem:$0x3FAA] =	sst s7  }
0x10: {  	[smem:$0x3FAB] =	sst s8  }
0x11: {  	[smem:$0x3FAC] =	sst s9;
	s0 =	simm.s32 @!p0 $0x0  }
0x12: {  	s1 =	sld [smem:$0x3F92];
	s0 =	simm.s32 @p0 $0x1  }
0x13: {  	[smem:$0x3FAD] =	sst s0;
	s0 =	simm.s32 @!p1 $0x0  }
0x14: {  	s2 =	sld [smem:$0x3F91];
	s0 =	simm.s32 @p1 $0x1  }
0x15: {  	[smem:$0x3FAE] =	sst s0;
	s0 =	simm.s32 @!p2 $0x0  }
0x16: {  	s3 =	sld [smem:$0x3FDB];
	s0 =	simm.s32 @p2 $0x1  }
0x17: {  	s4 =	simm.s32 $0x1BF5;
	[smem:$0x3FB0] =	sst s0  }
0x18: {  	s0 =	sld [smem:$0x3F93];
	_ =	swait.ge [sflag:s4], $0x0  }
0x19: {  	s7 =	sld [smem:$0x3F94]  }
0x1a: {  	s8 =	sadd.s32 $0xFFFFE003, lr  }
0x1b: {  	s9 =	sadd.s32 $0xFFFFFEF7, lr;
	s5 =	simm.s32 $0xFFFFFFFF;
	p2 =	slt.u32 s8, $0xFFFFF086  }
0x1c: {  	p1 =	slt.u32 s9, $0xF7A;
	s5 =	simm.s32 @!p2 $0x0  }
0x1d: {  	s5 =	simm.s32 @p1 $0x1;
	p0 =	seq.s32 s7, s2  }
0x1e: {  	s7 =	smul.u32 @!p0 $0xF7A, s2;
	p2 =	seq.s32 @!p0 s5, $0x0  }
0x1f: {  	s9 =	smul.u32 $0xF7A, s1;
	s8 =	simm.s32 @!p0 $0x1BF5;
	p2 =	por !p2, p0  }
0x20: {  	[sflag:s8] =	ssyncset.s32 @!p0 $0xFFFFF086;
	s6 =	sadd.s32 @!p0 s3, s7;
	s7 =	simm.s32 @!p0 $0x108  }
0x21: {  	s3 =	sadd.s32 s3, s9;
	s6 =	sadd.s32 @!p0 $0x88, s6;
	s7 =	simm.s32 @p2 $0x1082  }
0x22: {  	[simem:s7], [sflag:s8] =	dma.local @!p0 [hbm:s6], $0xF7A  }
0x23: {  	s9 =	sor.u32 $0xD0000000, s2;
	s6 =	simm.s32 $0x108;
	_ =	swait.ge @!p0 [sflag:s8], $0x0  }
0x24: {  	s3 =	sadd.s32 $0x88, s3;
	s6 =	simm.s32 @!p1 $0x1082;
	[sflag:s4] =	ssyncset.s32 $0xFFFFF086  }
0x25: {  	[simem:s6], [sflag:s4] =	dma.local [hbm:s3], $0xF7A  }
0x26: {  	[smem:$0x3F94] =	sst s1;
	(tag) =	ssettag s2;
	_ =	strace s9  }
0x27: {  	s1 =	sld [smem:$0x3FA4]  }
0x28: {  	s2 =	sld [smem:$0x3FA5]  }
0x29: {  	s4 =	sld [smem:$0x3FA7]  }
0x2a: {  	p0 =	seq.s32 s5, $0x0;
	s5 =	sld [smem:$0x3FA8]  }
0x2b: {  	s6 =	sld [smem:$0x3FA9]  }
0x2c: {  	s7 =	sld [smem:$0x3FAA]  }
0x2d: {  	s3 =	simm.s32 $0x108;
	s8 =	sld [smem:$0x3FAB]  }
0x2e: {  	s3 =	simm.s32 @!p0 $0x1082;
	s9 =	sld [smem:$0x3FAC]  }
0x2f: {  	lr =	sadd.s32 s0, s3;
	s0 =	sld [smem:$0x3FA3]  }
0x30: {  	s3 =	sld [smem:$0x3FA6]  }
0x31: {  	[smem:$0x3FAF] =	sst s10  }
0x32: {  	s10 =	sld [smem:$0x3FAD];
	_ =	sdelay $0x3  }
0x33: {  	p0 =	seq.s32 s10, $0x1;
	s10 =	sld [smem:$0x3FAF];
	_ =	sdelay $0x3  }
0x34: {  	[smem:$0x3FAF] =	sst s10  }
0x35: {  	s10 =	sld [smem:$0x3FAE];
	_ =	sdelay $0x3  }
0x36: {  	p1 =	seq.s32 s10, $0x1;
	s10 =	sld [smem:$0x3FAF];
	_ =	sdelay $0x3  }
0x37: {  	[smem:$0x3FAF] =	sst s10  }
0x38: {  	s10 =	sld [smem:$0x3FB0]  }
0x39: {  	_ = 	snop;
	(pc) =	sbr.ind lr, $3  }
0x3a: {  	_ = 	snop  }
0x3b: {  	_ = 	snop  }
0x3c: {  	p2 =	seq.s32 s10, $0x1;
	s10 =	sld [smem:$0x3FAF]  }
0x3d: {  	_ =	shalt  }
0x3e: {  	_ =	shalt  }
0x3f: {  	_ =	shalt  }
0x40: {  	_ =	shalt  }
0x41: {  	_ =	shalt  }
0x42: {  	_ =	shalt  }
0x43: {  	_ =	shalt  }
0x44: {  	_ =	shalt  }
0x45: {  	_ =	shalt  }
0x46: {  	_ =	shalt  }
0x47: {  	_ =	shalt  }
0x48: {  	_ =	shalt  }
0x49: {  	_ =	shalt  }
0x4a: {  	_ =	shalt  }
0x4b: {  	_ =	shalt  }
0x4c: {  	_ =	shalt  }
0x4d: {  	_ =	shalt  }
0x4e: {  	_ =	shalt  }
0x4f: {  	_ =	shalt  }
0x50: {  	_ =	shalt  }
0x51: {  	_ =	shalt  }
0x52: {  	_ =	shalt  }
0x53: {  	_ =	shalt  }
0x54: {  	_ =	shalt  }
0x55: {  	_ =	shalt  }
0x56: {  	_ =	shalt  }
0x57: {  	_ =	shalt  }
0x58: {  	_ =	shalt  }
0x59: {  	_ =	shalt  }
0x5a: {  	_ =	shalt  }
0x5b: {  	_ =	shalt  }
0x5c: {  	_ =	shalt  }
0x5d: {  	_ =	shalt  }
0x5e: {  	_ =	shalt  }
0x5f: {  	_ =	shalt  }
0x60: {  	_ =	shalt  }
0x61: {  	_ =	shalt  }
0x62: {  	_ =	shalt  }
0x63: {  	_ =	shalt  }
0x64: {  	_ =	shalt  }
0x65: {  	_ =	shalt  }
0x66: {  	_ =	shalt  }
0x67: {  	_ =	shalt  }
0x68: {  	_ =	shalt  }
0x69: {  	_ =	shalt  }
0x6a: {  	_ =	shalt  }
0x6b: {  	_ =	shalt  }
0x6c: {  	_ =	shalt  }
0x6d: {  	_ =	shalt  }
0x6e: {  	_ =	shalt  }
0x6f: {  	_ =	shalt  }
0x70: {  	_ =	shalt  }
0x71: {  	_ =	shalt  }
0x72: {  	_ =	shalt  }
0x73: {  	_ =	shalt  }
0x74: {  	_ =	shalt  }
0x75: {  	_ =	shalt  }
0x76: {  	_ =	shalt  }
0x77: {  	_ =	shalt  }
0x78: {  	_ =	shalt  }
0x79: {  	_ =	shalt  }
0x7a: {  	_ =	shalt  }
0x7b: {  	_ =	shalt  }
0x7c: {  	_ =	shalt  }
0x7d: {  	_ =	shalt  }
0x7e: {  	_ =	shalt  }
0x7f: {  	_ =	shalt  }
0x80: {  	_ =	shalt  }
0x81: {  	_ =	shalt  }
0x82: {  	_ =	shalt  }
0x83: {  	_ =	shalt  }
0x84: {  	_ =	shalt  }
0x85: {  	_ =	shalt  }
0x86: {  	_ =	shalt  }
0x87: {  	_ =	shalt  }
.Lfunc_end0:
.L_simem_size_0:
called_computation.3_lowered:
.L_overlay_start_0:
0x88: {  	s2 =	sld [smem:$0x3FD9]  }
0x89: {  	s3 =	sld [smem:$0x3FFE];
	_ =	sdelay $0x1  }
0x8a: {  	s1 =	srdreg.scid  }
0x8b: {  	s0 =	sand.u32 $0x1, s1  }
0x8c: {  	s16 =	sshll.u32 s0, $0xA;
	s2 =	sadd.s32 s3, s2  }
0x8d: {  	s2 =	sadd.s32 s2, s16  }
0x8e: {  	[smem:$0x3FBB] =	sst s2  }
0x8f: {  	_ = 	snop  }
0x90: {  	(tm) =	ssettm $0x1  }
0x91: {  	s17 =	sld [smem:$0x3FFB];
	_ =	sdelay $0x3  }
0x92: {  	_ =	strace s17  }
0x93: {  	s2 =	sld [smem:$0x3FFC];
	_ =	sdelay $0x3  }
0x94: {  	_ =	strace s2  }
0x95: {  	s2 =	sld [smem:$0x3FFD];
	_ =	sdelay $0x3  }
0x96: {  	_ =	strace s2  }
0x97: {  	_ =	strace $0x8FFFFFFF  }
0x98: {  	s18 =	sld [smem:$0x3FDB];
	_ =	sdelay $0x1  }
0x99: {  	s19 =	simm.s32 $_scs_section_size  }
0x9a: {  	s4 =	simm.s32 $_size__tile_overlayer_lowered;
	s5 =	simm.s32 $_tile_overlayer_lowered  }
0x9b: {  	s22 =	simm.s32 $0x1BFF;
	s21 =	sshll.u32 s5, $0x1;
	s2 =	sadd.s32 s19, s18  }
0x9c: {  	s6 =	simm.s32 $0x0;
	s20 =	sshll.u32 s4, $0x1;
	s4 =	sadd.s32 s21, s2  }
0x9d: {  	[timem:s6], [sflag:s22] =	dma.local [hbm:s4], s20  }
0x9e: {  	_ =	swait.ge [sflag:s22], s20  }
0x9f: {  	s3 =	ssub.s32 $0x0, s20;
	[sflag:s22] =	ssyncset.done $0x0  }
0xa0: {  	[sflag:s22] =	ssyncadd.s32 s3;
	_ =	sdelay $0x1  }
0xa1: {  	s23 =	simm.s32 $0x1B8B  }
0xa2: {  	_ =	swait.ge [sflag:s23], $0x1  }
0xa3: {  	[sflag:s23] =	ssyncset.done $0x0  }
0xa4: {  	s25 =	simm.s32 $0x1B8E;
	s24 =	sld [smem:$0x3FFE];
	[sflag:s23] =	ssyncadd.s32 $0xFFFFFFFF  }
0xa5: {  	s26 =	simm.s32 $execute0_lowered;
	[smem:$0x3FD2] =	sst s25  }
0xa6: {  	s4 =	sshll.u32 s26, $0x1;
	_ =	strace $0x8000004F;
	[dreg:$0x1] =	wrdreg $0xFFFFFFFF  }
0xa7: {  	s28 =	simm.s32 $_size_execute0_lowered;
	s2 =	sadd.s32 s2, s4;
	[dreg:$0x0] =	wrdreg $0x0  }
0xa8: {  	s4 =	sshll.u32 s28, $0x1;
	[dreg:$0x2] =	wrdreg s2  }
0xa9: {  	[dreg:$0x3] =	wrdreg s4  }
0xaa: {  	[dreg:$0x4] =	wrdreg $0xC0  }
0xab: {  	_ =	task [dreg:s6], $0x5FFFF  }
0xac: {  	[dreg:$0x1] =	wrdreg $0xFFFFFFFF  }
0xad: {  	[dreg:$0x0] =	wrdreg $0x60  }
0xae: {  	[dreg:$0x2] =	wrdreg s24  }
0xaf: {  	[dreg:$0x3] =	wrdreg $0xBC000  }
0xb0: {  	[dreg:$0x4] =	wrdreg $0x9  }
0xb1: {  	_ =	task.clear_ibuf [dreg:s6], $0x5FFFF;
	_ =	strace $0x9000004F  }
0xb2: {  	s29 =	simm.s32 $0x9;
	_ =	strace $0x80000051  }
0xb3: {  	_ =	swait.ge [sflag:s29], $0x1  }
0xb4: {  	[sflag:s29] =	ssyncadd.s32 $0xFFFFFFFF  }
0xb5: {  	_ =	strace $0x90000051  }
0xb6: {  	_ =	sfence  }
0xb7: {  	s30 =	sld [smem:$0x0];
	_ =	sdelay $0x2  }
0xb8: {  	s31 =	sshll.u32 s1, $0xD;
	s1 =	sshrl.u32 s1, $0x2  }
0xb9: {  	s3 =	sand.u32 $0x4000, s31;
	s1 =	sadd.s32 s1, s30  }
0xba: {  	s0 =	sor.u32 s3, s0;
	s1 =	sshll.u32 s1, $0x11  }
0xbb: {  	s0 =	sor.u32 s1, s0  }
0xbc: {  	s0 =	sadd.s32 $0x8F2B, s0  }
0xbd: {  	[sflag:s0] =	ssyncadd.remote.s32 $0x1  }
0xbe: {  	_ =	sfence.sel $0xFFFF  }
0xbf: {  	[dreg:$0x0] =	wrdreg $0xFFFFFFFF;
	(pc) =	sbr.abs _section_cstart, $3  }
0xc0: {  	[dreg:$0x1] =	wrdreg $0xFFFFFFFF  }
0xc1: {  	_ =	task.clear_ibuf [dreg:s6], $0x2FFFF;
	_ =	strace $0x9FFFFFFF  }
0xc2: {  	(tm) =	ssettm $0x7FFFFFFF  }
0xc3: {  	_ =	shalt  }
tec
execute0_lowered:
.L_overlay_start_1:
0x0: {  	(tag) =	ssettag $0x1  }
0x1: {  	s1 =	srdreg.scid;
	s6 =	rddreg [dreg:$0x0]  }
0x2: {  	s0 =	stileid.u32;
	s2 =	rddreg [dreg:$0x1];
	s3 =	simm.s32 $0x0  }
0x3: {  	s15 =	simm.s32 $0x80;
	s16 =	simm.s32 $0x3C00;
	s17 =	simm.s32 $0x7C00  }
0x4: {  	s18 =	simm.s32 $0x1;
	s19 =	simm.s32 $0x2;
	s20 =	simm.s32 $0x3  }
0x5: {  	s21 =	simm.s32 $0x4;
	s22 =	simm.s32 $0x2700;
	s23 =	simm.s32 $0x2780  }
0x6: {  	s24 =	simm.s32 $0x3B00;
	s25 =	simm.s32 $0x3B80;
	s5 =	smul.u32 $0x2800, s0  }
0x7: {  	s7 =	sand.u32 $0x1, s1;
	s1 =	rddreg [dreg:$0x2];
	s10 =	smul.u32 $0x50000, s0  }
0x8: {  	s26 =	simm.s32 $0x0;
	[smem:$0x7FF] =	sst s3;
	s4 =	smul.u32 $0x28000, s7  }
0x9: {  	s31 =	sshll.u32 s0, $0x6;
	_ =	strace $0x80000050;
	s7 =	ssub.s32 $0x2, s7  }
0xa: {  	s29 =	sshrl.u32 s7, $0x1;
	s30 =	sshrl.u32 s10, $0x2;
	s8 =	sadd.s32 s5, s4  }
0xb: {  	s4 =	sadd.s32 $0xAC00, s6;
	s5 =	sshrl.u32 s5, $0x3;
	s13 =	ssub.s32 s7, s29  }
0xc: {  	s14 =	sadd.s32 s30, s2;
	s9 =	sshrl.u32 s8, $0x3;
	s11 =	sadd.s32 s5, s6  }
0xd: {  	s5 =	sadd.s32 $0x8400, s6;
	s12 =	sadd.s32 s8, s6;
	s9 =	sadd.s32 s9, s6  }
0xe: {  	s6 =	sor.u32 $0x1C05, s31;
	s7 =	sadd.s32 $0x3400, s11;
	s10 =	sadd.s32 $0x5AC00, s12  }
0xf: {  	s11 =	smax.u32 s13, $0x1;
	s12 =	sshrl.u32 s14, $0x3;
	s13 =	simm.s32 $0x5  }
0x10: {  	s14 =	simm.s32 $0x1400;
	s8 =	sadd.s32 $0xAB400, s9;
	s9 =	sadd.s32 $0xAB680, s9  }
.LBB2_1:
0x11: {  	[spmem:s12], [sflag:s6] =	dma.local [hbm:s5], $0x2800  }
0x12: {  	_ =	swait.ge [sflag:s13], $0x2800  }
0x13: {  	[sflag:s13] =	ssyncset.done $0x0  }
0x14: {  	[sflag:s13] =	ssyncadd.s32 $0xFFFFD800  }
0x15: {  	[tilespmem:s14], [sflag:$0x5] =	stream.linear.gather [hbm4b:s7+s3], $0x2800, $0x38;
	[tilespmem:$0x1FC00] =	vst v63  }
0x16: {  	_ =	swait.ge [sflag:s13], $0x2800  }
0x17: {  	[sflag:s13] =	ssyncset.done $0x0  }
0x18: {  	[sflag:s13] =	ssyncadd.s32 $0xFFFFD800  }
0x19: {  	[bflag:$0x0] =	sbarrier.arrive $0xFFFF  }
0x1a: {  	[tilespmem:s3], [sflag:$0x5] =	stream.linear.gather [hbm4b:s8+s3], $0x1400, $0x38;
	[tilespmem:$0x1FC00] =	vst v63  }
0x1b: {  	_ =	swait.ge [sflag:s13], $0x1400  }
0x1c: {  	[sflag:s13] =	ssyncset.done $0x0  }
0x1d: {  	[sflag:s13] =	ssyncadd.s32 $0xFFFFEC00  }
0x1e: {  	[tilespmem:s16], [sflag:$0x1] =	stream.indirect.gather [hbm4b:s4+s15], $0x80, s3, s15, $0xb8;
	[tilespmem:$0x1FC00] =	vst v63  }
0x1f: {  	_ = 	snop  }
0x20: {  	[tilespmem:s17], [sflag:$0x2] =	stream.indirect.gather [hbm4b:s4+s15], $0x80, s15, s15, $0xb8;
	[tilespmem:$0x1FC00] =	vst v63  }
0x21: {  	_ =	swait.ge [sflag:s18], $0x4000  }
0x22: {  	[sflag:s18] =	ssyncset.done $0x0  }
0x23: {  	s28 =	simm.s32 $0x1400;
	[sflag:s18] =	ssyncadd.s32 $0xFFFFC000  }
0x24: {  	[spmem:s2] =	stream.indirect.scatter.add.f32 [tilespmem:s16], [sflag:$0x3], $0x80, s28, s15, $0xb8;
	[tilespmem:$0x1FC00] =	vst v63  }
0x25: {  	_ =	swait.ge [sflag:s19], $0x4000  }
0x26: {  	[sflag:s19] =	ssyncset.done $0x0  }
0x27: {  	s28 =	simm.s32 $0x1480;
	[sflag:s19] =	ssyncadd.s32 $0xFFFFC000  }
0x28: {  	[spmem:s2] =	stream.indirect.scatter.add.f32 [tilespmem:s17], [sflag:$0x4], $0x80, s28, s15, $0xb8;
	[tilespmem:$0x1FC00] =	vst v63  }
0x29: {  	_ =	swait.ge [sflag:s20], $0x4000  }
0x2a: {  	[sflag:s20] =	ssyncset.done $0x0  }
0x2b: {  	s28 =	simm.s32 $0x100;
	[sflag:s20] =	ssyncadd.s32 $0xFFFFC000  }
0x2c: {  	[tilespmem:s16], [sflag:$0x1] =	stream.indirect.gather [hbm4b:s4+s15], $0x80, s28, s15, $0xb8;
	[tilespmem:$0x1FC00] =	vst v63  }
0x2d: {  	_ =	swait.ge [sflag:s21], $0x4000  }
0x2e: {  	[sflag:s21] =	ssyncset.done $0x0  }
0x2f: {  	s29 =	simm.s32 $0x180;
	s28 =	simm.s32 $0x400;
	[sflag:s21] =	ssyncadd.s32 $0xFFFFC000  }
.LBB2_2:
0x30: {  	[tilespmem:s17], [sflag:$0x2] =	stream.indirect.gather [hbm4b:s4+s15], $0x80, s29, s15, $0xb8;
	[tilespmem:$0x1FC00] =	vst v63  }
0x31: {  	s29 =	smov.u32 s28  }
0x32: {  	p0 =	sne.s32 s28, $0x4800;
	s28 =	sadd.s32 $0x400, s28;
	_ =	swait.ge [sflag:s18], $0x4000  }
0x33: {  	s29 =	sshra.s32 s29, $0x2;
	[sflag:s18] =	ssyncset.done $0x0  }
0x34: {  	s30 =	sadd.s32 $0x1400, s29;
	[sflag:s18] =	ssyncadd.s32 $0xFFFFC000  }
0x35: {  	[spmem:s2] =	stream.indirect.scatter.add.f32 [tilespmem:s16], [sflag:$0x3], $0x80, s30, s15, $0xb8;
	[tilespmem:$0x1FC00] =	vst v63  }
0x36: {  	_ =	swait.ge [sflag:s19], $0x4000  }
0x37: {  	[sflag:s19] =	ssyncset.done $0x0  }
0x38: {  	s30 =	sadd.s32 $0x1480, s29;
	[sflag:s19] =	ssyncadd.s32 $0xFFFFC000  }
0x39: {  	[spmem:s2] =	stream.indirect.scatter.add.f32 [tilespmem:s17], [sflag:$0x4], $0x80, s30, s15, $0xb8;
	[tilespmem:$0x1FC00] =	vst v63  }
0x3a: {  	_ =	swait.ge [sflag:s20], $0x4000  }
0x3b: {  	[sflag:s20] =	ssyncset.done $0x0  }
.Ltmp0:
0x3c: {  	s30 =	sadd.s32 $0x100, s29;
	[sflag:s20] =	ssyncadd.s32 $0xFFFFC000;
	(pc) =	sbr.rel @p0 .LBB2_2-.Ltmp0, $4  }
0x3d: {  	[tilespmem:s16], [sflag:$0x1] =	stream.indirect.gather [hbm4b:s4+s15], $0x80, s30, s15, $0xb8;
	[tilespmem:$0x1FC00] =	vst v63  }
0x3e: {  	_ =	swait.ge [sflag:s21], $0x4000  }
0x3f: {  	[sflag:s21] =	ssyncset.done $0x0  }
0x40: {  	s29 =	sadd.s32 $0x180, s29;
	[sflag:s21] =	ssyncadd.s32 $0xFFFFC000  }
0x41: {  	[tilespmem:s17], [sflag:$0x2] =	stream.indirect.gather [hbm4b:s4+s15], $0x80, s29, s15, $0xb8;
	[tilespmem:$0x1FC00] =	vst v63  }
0x42: {  	_ =	swait.ge [sflag:s18], $0x4000  }
0x43: {  	[sflag:s18] =	ssyncset.done $0x0  }
0x44: {  	[sflag:s18] =	ssyncadd.s32 $0xFFFFC000  }
0x45: {  	[spmem:s2] =	stream.indirect.scatter.add.f32 [tilespmem:s16], [sflag:$0x3], $0x80, s22, s15, $0xb8;
	[tilespmem:$0x1FC00] =	vst v63  }
0x46: {  	_ =	swait.ge [sflag:s19], $0x4000  }
0x47: {  	[sflag:s19] =	ssyncset.done $0x0  }
0x48: {  	[sflag:s19] =	ssyncadd.s32 $0xFFFFC000  }
0x49: {  	[spmem:s2] =	stream.indirect.scatter.add.f32 [tilespmem:s17], [sflag:$0x4], $0x80, s23, s15, $0xb8;
	[tilespmem:$0x1FC00] =	vst v63  }
0x4a: {  	_ = 	snop  }
0x4b: {  	[tilespmem:s3], [sflag:$0x5] =	stream.linear.gather [hbm4b:s9+s3], $0x1400, $0x38;
	[tilespmem:$0x1FC00] =	vst v63  }
0x4c: {  	_ =	swait.ge [sflag:s13], $0x1400  }
0x4d: {  	[sflag:s13] =	ssyncset.done $0x0  }
0x4e: {  	[sflag:s13] =	ssyncadd.s32 $0xFFFFEC00  }
0x4f: {  	_ =	swait.ge [sflag:s20], $0x4000  }
0x50: {  	[sflag:s20] =	ssyncset.done $0x0  }
0x51: {  	[sflag:s20] =	ssyncadd.s32 $0xFFFFC000  }
0x52: {  	_ =	swait.ge [sflag:s21], $0x4000  }
0x53: {  	[sflag:s21] =	ssyncset.done $0x0  }
0x54: {  	[sflag:s21] =	ssyncadd.s32 $0xFFFFC000  }
0x55: {  	[tilespmem:s16], [sflag:$0x1] =	stream.indirect.gather [hbm4b:s4+s15], $0x80, s3, s15, $0xb8;
	[tilespmem:$0x1FC00] =	vst v63  }
0x56: {  	_ = 	snop  }
0x57: {  	[tilespmem:s17], [sflag:$0x2] =	stream.indirect.gather [hbm4b:s4+s15], $0x80, s15, s15, $0xb8;
	[tilespmem:$0x1FC00] =	vst v63  }
0x58: {  	_ =	swait.ge [sflag:s18], $0x4000  }
0x59: {  	[sflag:s18] =	ssyncset.done $0x0  }
0x5a: {  	s28 =	simm.s32 $0x2800;
	[sflag:s18] =	ssyncadd.s32 $0xFFFFC000  }
0x5b: {  	[spmem:s2] =	stream.indirect.scatter.add.f32 [tilespmem:s16], [sflag:$0x3], $0x80, s28, s15, $0xb8;
	[tilespmem:$0x1FC00] =	vst v63  }
0x5c: {  	_ =	swait.ge [sflag:s19], $0x4000  }
0x5d: {  	[sflag:s19] =	ssyncset.done $0x0  }
0x5e: {  	s28 =	simm.s32 $0x2880;
	[sflag:s19] =	ssyncadd.s32 $0xFFFFC000  }
0x5f: {  	[spmem:s2] =	stream.indirect.scatter.add.f32 [tilespmem:s17], [sflag:$0x4], $0x80, s28, s15, $0xb8;
	[tilespmem:$0x1FC00] =	vst v63  }
0x60: {  	_ =	swait.ge [sflag:s20], $0x4000  }
0x61: {  	[sflag:s20] =	ssyncset.done $0x0  }
0x62: {  	s28 =	simm.s32 $0x100;
	[sflag:s20] =	ssyncadd.s32 $0xFFFFC000  }
0x63: {  	[tilespmem:s16], [sflag:$0x1] =	stream.indirect.gather [hbm4b:s4+s15], $0x80, s28, s15, $0xb8;
	[tilespmem:$0x1FC00] =	vst v63  }
0x64: {  	_ =	swait.ge [sflag:s21], $0x4000  }
0x65: {  	[sflag:s21] =	ssyncset.done $0x0  }
0x66: {  	s29 =	simm.s32 $0x180;
	s28 =	simm.s32 $0xFFFFB800;
	[sflag:s21] =	ssyncadd.s32 $0xFFFFC000  }
.LBB2_4:
0x67: {  	[tilespmem:s17], [sflag:$0x2] =	stream.indirect.gather [hbm4b:s4+s15], $0x80, s29, s15, $0xb8;
	[tilespmem:$0x1FC00] =	vst v63  }
0x68: {  	s29 =	smov.u32 s28  }
0x69: {  	p0 =	sne.s32 s28, $0xFFFFFC00;
	s28 =	sadd.s32 $0x400, s28;
	_ =	swait.ge [sflag:s18], $0x4000  }
0x6a: {  	s29 =	sshra.s32 s29, $0x2;
	[sflag:s18] =	ssyncset.done $0x0  }
0x6b: {  	s30 =	sadd.s32 $0x3B00, s29;
	[sflag:s18] =	ssyncadd.s32 $0xFFFFC000  }
0x6c: {  	[spmem:s2] =	stream.indirect.scatter.add.f32 [tilespmem:s16], [sflag:$0x3], $0x80, s30, s15, $0xb8;
	[tilespmem:$0x1FC00] =	vst v63  }
0x6d: {  	_ =	swait.ge [sflag:s19], $0x4000  }
0x6e: {  	[sflag:s19] =	ssyncset.done $0x0  }
0x6f: {  	s30 =	sadd.s32 $0x3B80, s29;
	[sflag:s19] =	ssyncadd.s32 $0xFFFFC000  }
0x70: {  	[spmem:s2] =	stream.indirect.scatter.add.f32 [tilespmem:s17], [sflag:$0x4], $0x80, s30, s15, $0xb8;
	[tilespmem:$0x1FC00] =	vst v63  }
0x71: {  	_ =	swait.ge [sflag:s20], $0x4000  }
0x72: {  	[sflag:s20] =	ssyncset.done $0x0  }
.Ltmp1:
0x73: {  	s30 =	sadd.s32 $0x1400, s29;
	[sflag:s20] =	ssyncadd.s32 $0xFFFFC000;
	(pc) =	sbr.rel @p0 .LBB2_4-.Ltmp1, $4  }
0x74: {  	[tilespmem:s16], [sflag:$0x1] =	stream.indirect.gather [hbm4b:s4+s15], $0x80, s30, s15, $0xb8;
	[tilespmem:$0x1FC00] =	vst v63  }
0x75: {  	_ =	swait.ge [sflag:s21], $0x4000  }
0x76: {  	[sflag:s21] =	ssyncset.done $0x0  }
0x77: {  	s29 =	sadd.s32 $0x1480, s29;
	[sflag:s21] =	ssyncadd.s32 $0xFFFFC000  }
0x78: {  	[tilespmem:s17], [sflag:$0x2] =	stream.indirect.gather [hbm4b:s4+s15], $0x80, s29, s15, $0xb8;
	[tilespmem:$0x1FC00] =	vst v63  }
0x79: {  	_ =	swait.ge [sflag:s18], $0x4000  }
0x7a: {  	[sflag:s18] =	ssyncset.done $0x0  }
0x7b: {  	[sflag:s18] =	ssyncadd.s32 $0xFFFFC000  }
0x7c: {  	[spmem:s2] =	stream.indirect.scatter.add.f32 [tilespmem:s16], [sflag:$0x3], $0x80, s24, s15, $0xb8;
	[tilespmem:$0x1FC00] =	vst v63  }
0x7d: {  	_ =	swait.ge [sflag:s19], $0x4000  }
0x7e: {  	[sflag:s19] =	ssyncset.done $0x0  }
0x7f: {  	[sflag:s19] =	ssyncadd.s32 $0xFFFFC000  }
0x80: {  	[spmem:s2] =	stream.indirect.scatter.add.f32 [tilespmem:s17], [sflag:$0x4], $0x80, s25, s15, $0xb8;
	[tilespmem:$0x1FC00] =	vst v63  }
0x81: {  	_ =	swait.ge [sflag:s20], $0x4000  }
0x82: {  	[sflag:s20] =	ssyncset.done $0x0  }
0x83: {  	[sflag:s20] =	ssyncadd.s32 $0xFFFFC000  }
0x84: {  	_ =	swait.ge [sflag:s21], $0x4000  }
0x85: {  	s26 =	sadd.s32 $0x1, s26;
	[sflag:s21] =	ssyncset.done $0x0  }
0x86: {  	p0 =	sne.s32 s26, s11;
	[sflag:s21] =	ssyncadd.s32 $0xFFFFC000  }
.Ltmp2:
0x87: {  	[bflag:$0x0] =	sbarrier.arrive $0xFFFF;
	(pc) =	sbr.rel @p0 .LBB2_1-.Ltmp2, $4  }
0x88: {  	[hbm:s10], [sflag:s6] =	dma.local [spmem:s12], $0x2800  }
0x89: {  	_ =	swait.ge [sflag:s13], $0x2800  }
0x8a: {  	[sflag:s13] =	ssyncset.done $0x0  }
0x8b: {  	[sflag:s13] =	ssyncadd.s32 $0xFFFFD800  }
0x8c: {  	_ =	sfence.sel $0x180000  }
0x8d: {  	[bflag:$0x0] =	sbarrier.arrive $0xFFFF  }
0x8e: {  	p0 =	sne.s32 s0, $0x0;
	_ =	strace $0x90000050  }
0x8f: {  	s0 =	sadd.s32 @!p0 $0x100000, s1;
	[bflag:$0x2] =	sbarrier.arrive $0xFFFF  }
0x90: {  	[sflag:s0] =	ssyncadd.tile.s32 @!p0 $0x1;
	_ =	shalt  }
.Lfunc_end2:
_tile_overlayer_lowered:
.L_overlay_start_2:
0x91: {  	(tag) =	ssettag $0x2  }
0x92: {  	s0 =	rddreg [dreg:$0x0];
	s2 =	stileid.u32  }
0x93: {  	s1 =	rddreg [dreg:$0x1];
	p0 =	sne.s32 s2, $0x0  }
0x94: {  	s3 =	rddreg [dreg:$0x2];
	[bflag:$0x3] =	sbarrier.arrive $0xFFFF;
	s2 =	simm.s32 @!p0 $0x1C05  }
0x95: {  	[timem:s3], [sflag:s2] =	dma.local @!p0 [hbm:s0], s1  }
0x96: {  	s0 =	simm.s32 @!p0 $0x5  }
0x97: {  	_ =	swait.ge @!p0 [sflag:s0], s1  }
0x98: {  	s1 =	ssub.s32 @!p0 $0x0, s1;
	[sflag:s0] =	ssyncset.done @!p0 $0x0  }
0x99: {  	[sflag:s0] =	ssyncadd.s32 @!p0 s1  }
0x9a: {  	[bflag:$0x3] =	sbarrier.arrive $0xFFFF  }
0x9b: {  	_ =	shalt  }

</sc_bundles>
